<compile_context>
chip_gen: v7x
topology: tpu7x:2x2x1
jax: 0.10.2.dev20260603
libtpu: 0.0.44.dev20260713+nightly
codegen_flags: <defaults>
</compile_context>

<pallas_src>
import functools

import jax
import jax.numpy as jnp
from jax import lax
from jax.experimental import pallas as pl
from jax.experimental.pallas import tpu as pltpu
from jax.experimental.pallas import tpu_sc as plsc

NC, NS = 2, 16
NW = NC * NS
CH = 256
GSUB = CH // 128


def _prep_body(H, W, HB, xf_ref, yf_ref, idx_ref, w_ref):
    b = pl.program_id(0)
    hb = pl.program_id(1)
    xf = xf_ref[0]
    yf = yf_ref[0]
    gx = lax.broadcasted_iota(jnp.int32, (HB, W), 1).astype(jnp.float32)
    gy = (lax.broadcasted_iota(jnp.int32, (HB, W), 0)
          + hb * HB).astype(jnp.float32)
    x = jnp.clip(gx + xf, 0.0, float(W - 1))
    y = jnp.clip(gy + yf, 0.0, float(H - 1))
    x0f = jnp.floor(x)
    y0f = jnp.floor(y)
    x0 = x0f.astype(jnp.int32)
    y0 = y0f.astype(jnp.int32)
    x1 = jnp.minimum(x0 + 1, W - 1)
    y1 = jnp.minimum(y0 + 1, H - 1)
    wx = x - x0f
    wy = y - y0f
    base = b * (H * W)
    r0 = base + y0 * W
    r1 = base + y1 * W
    idx_ref[0, 0] = r0 + x0
    idx_ref[1, 0] = r0 + x1
    idx_ref[2, 0] = r1 + x0
    idx_ref[3, 0] = r1 + x1
    u = 1.0 - wx
    v = 1.0 - wy
    w_ref[0, 0] = u * v
    w_ref[1, 0] = wx * v
    w_ref[2, 0] = u * wy
    w_ref[3, 0] = wx * wy


def _prep(xf, yf, H, W, HB):
    B = xf.shape[0]
    grid = (B, H // HB)
    return pl.pallas_call(
        functools.partial(_prep_body, H, W, HB),
        grid=grid,
        in_specs=[
            pl.BlockSpec((1, HB, W), lambda b, h: (b, h, 0)),
            pl.BlockSpec((1, HB, W), lambda b, h: (b, h, 0)),
        ],
        out_specs=[
            pl.BlockSpec((4, 1, HB, W), lambda b, h: (0, b, h, 0)),
            pl.BlockSpec((4, 1, HB, W), lambda b, h: (0, b, h, 0)),
        ],
        out_shape=[
            jax.ShapeDtypeStruct((4, B, H, W), jnp.int32),
            jax.ShapeDtypeStruct((4, B, H, W), jnp.float32),
        ],
    )(xf, yf)


def _sc_gather_interp(table, idx, wgt, B, C, HW):
    P = B * HW
    PW = P // NW
    nchunk = PW // CH
    hw_shift = HW.bit_length() - 1
    assert (1 << hw_shift) == HW
    assert nchunk % 2 == 0 and nchunk >= 6
    mesh = plsc.VectorSubcoreMesh(core_axis_name="c", subcore_axis_name="s")

    @functools.partial(
        pl.kernel,
        out_type=jax.ShapeDtypeStruct((B * C, HW), jnp.float32),
        mesh=mesh,
        scratch_types=[
            pltpu.VMEM((4, CH), jnp.int32),
            pltpu.VMEM((4, CH), jnp.int32),
            pltpu.VMEM((4, CH), jnp.float32),
            pltpu.VMEM((4, CH), jnp.float32),
            pltpu.VMEM((4, CH, C), jnp.float32),
            pltpu.VMEM((4, CH, C), jnp.float32),
            pltpu.VMEM((C, CH), jnp.float32),
            pltpu.VMEM((C, CH), jnp.float32),
            pltpu.SemaphoreType.DMA,
            pltpu.SemaphoreType.DMA,
            pltpu.SemaphoreType.DMA,
        ],
        compiler_params=pltpu.CompilerParams(
            use_tc_tiling_on_sc=False, needs_layout_passes=False),
    )
    def k(t_hbm, idx_hbm, wgt_hbm, out_hbm, idxb0, idxb1, wv0, wv1,
          rows0, rows1, outv0, outv1, sem_in, sem_g, sem_out):
        cid = lax.axis_index("c")
        sid = lax.axis_index("s")
        wid = sid * NC + cid
        wbase = wid * PW
        iota16 = lax.broadcasted_iota(jnp.int32, (16,), 0)
        idxb = [idxb0, idxb1]
        wv = [wv0, wv1]
        rows = [rows0, rows1]
        outv = [outv0, outv1]

        def in_descs(g, ph):
            base = wbase + g * CH
            return (
                pltpu.make_async_copy(
                    idx_hbm.at[:, pl.ds(base, CH)], idxb[ph], sem_in),
                pltpu.make_async_copy(
                    wgt_hbm.at[:, pl.ds(base, CH)], wv[ph], sem_in),
            )

        def g_descs(ph):
            return [
                pltpu.make_async_copy(
                    t_hbm.at[idxb[ph].at[kk, pl.ds(s * 128, 128)]],
                    rows[ph].at[kk, pl.ds(s * 128, 128)],
                    sem_g)
                for kk in range(4) for s in range(GSUB)
            ]

        def o_desc(g, ph):
            base = wbase + g * CH
            b = lax.shift_right_logical(base, hw_shift)
            po = pl.multiple_of(lax.bitwise_and(base, HW - 1), CH)
            return pltpu.make_async_copy(
                outv[ph],
                out_hbm.at[pl.ds(b * C, C), pl.ds(po, CH)],
                sem_out)

        def start_in(g, ph):
            for d in in_descs(g, ph):
                d.start()

        DIAG_SKIP_COMPUTE = True

        def compute(ph):
            if DIAG_SKIP_COMPUTE:
                return
            rws = rows[ph]
            wvs = wv[ph]
            ovs = outv[ph]

            def grp(v, c2):
                w0v = wvs[0, pl.ds(v * 16, 16)]
                w1v = wvs[1, pl.ds(v * 16, 16)]
                w2v = wvs[2, pl.ds(v * 16, 16)]
                w3v = wvs[3, pl.ds(v * 16, 16)]
                for j in range(16):
                    i = v * 16 + j
                    ivec = iota16 * 0 + i
                    for h in range(C // 16):
                        sl = pl.ds(h * 16, 16)
                        acc = (rws[0, i, sl] * w0v[j]
                               + rws[1, i, sl] * w1v[j]
                               + rws[2, i, sl] * w2v[j]
                               + rws[3, i, sl] * w3v[j])
                        plsc.store_scatter(
                            ovs, [iota16 + h * 16, ivec], acc)
                return c2

            lax.fori_loop(0, CH // 16, grp, 0)

        def stage_next(g, ph):
            for d in g_descs(ph):
                d.wait()
            for d in in_descs(g + 1, 1 - ph):
                d.wait()
            for d in g_descs(1 - ph):
                d.start()

        start_in(0, 0)
        start_in(1, 1)
        for d in in_descs(0, 0):
            d.wait()
        for d in g_descs(0):
            d.start()

        stage_next(0, 0)
        compute(0)
        o_desc(0, 0).start()
        start_in(2, 0)
        stage_next(1, 1)
        compute(1)
        o_desc(1, 1).start()
        start_in(3, 1)

        def loop_body(t, carry):
            g = 2 + t * 2
            stage_next(g, 0)
            o_desc(g - 2, 0).wait()
            compute(0)
            o_desc(g, 0).start()
            start_in(g + 2, 0)
            stage_next(g + 1, 1)
            o_desc(g - 1, 1).wait()
            compute(1)
            o_desc(g + 1, 1).start()
            start_in(g + 3, 1)
            return carry

        lax.fori_loop(0, (nchunk - 4) // 2, loop_body, 0)

        gl = nchunk - 2
        stage_next(gl, 0)
        o_desc(gl - 2, 0).wait()
        compute(0)
        o_desc(gl, 0).start()

        for d in g_descs(1):
            d.wait()
        o_desc(gl - 1, 1).wait()
        compute(1)
        o_desc(gl + 1, 1).start()

        o_desc(gl, 0).wait()
        o_desc(gl + 1, 1).wait()

    return k(table, idx, wgt)


def kernel(input1, input2):
    input1 = input1.astype(jnp.float32)
    input2 = input2.astype(jnp.float32)
    B, C, H, W = input1.shape
    HW = H * W
    P = B * HW
    xf = input2[:, 0]
    yf = input2[:, 1]
    idx, wgt = _prep(xf, yf, H, W, 256)
    table = input1.transpose(0, 2, 3, 1).reshape(P, C)
    out_flat = _sc_gather_interp(
        table, idx.reshape(4, P), wgt.reshape(4, P), B, C, HW)
    return out_flat.reshape(B, C, H, W)

# --- scband reference (transcript-rebuilt; emitter-appended) ---
"""Pipeline reference for scband-resample2d-40097814676027 (READ-ONLY COPY).

The authoritative reference and input builder live on the scoring server;
editing this copy changes nothing except your own understanding.
"""

import jax, jax.numpy as jnp
import numpy as np


def _resample2d(input1, input2):
    # input1: [B, C, H1, W1] source image/features
    # input2: [B, 2, H2, W2] flow field (x-offset, y-offset)
    b, c, h1, w1 = input1.shape
    _, _, h2, w2 = input2.shape
    gy, gx = jnp.meshgrid(
        jnp.arange(h2, dtype=input2.dtype),
        jnp.arange(w2, dtype=input2.dtype),
        indexing='ij')
    x = gx[None, :, :] + input2[:, 0, :, :]
    y = gy[None, :, :] + input2[:, 1, :, :]
    # torch normalizes to [-1,1] with align_corners=True then grid_sample
    # unnormalizes back to absolute coords; net effect: absolute coords with
    # border padding = clamp to [0, size-1].
    x = jnp.clip(x, 0.0, float(w1 - 1))
    y = jnp.clip(y, 0.0, float(h1 - 1))
    x0f = jnp.floor(x)
    y0f = jnp.floor(y)
    x0 = jnp.clip(x0f.astype(jnp.int32), 0, w1 - 1)
    x1 = jnp.clip(x0 + 1, 0, w1 - 1)
    y0 = jnp.clip(y0f.astype(jnp.int32), 0, h1 - 1)
    y1 = jnp.clip(y0 + 1, 0, h1 - 1)
    wx = (x - x0f)[..., None]  # [B,H2,W2,1]
    wy = (y - y0f)[..., None]
    bidx = jnp.arange(b)[:, None, None]
    # gathers -> [B, H2, W2, C]
    Ia = input1[bidx, :, y0, x0]
    Ib = input1[bidx, :, y0, x1]
    Ic = input1[bidx, :, y1, x0]
    Id = input1[bidx, :, y1, x1]
    out = (Ia * (1.0 - wx) * (1.0 - wy)
           + Ib * wx * (1.0 - wy)
           + Ic * (1.0 - wx) * wy
           + Id * wx * wy)
    return jnp.transpose(out, (0, 3, 1, 2))


def setup_inputs(seed: int = 0) -> dict:
    key = jax.random.key(seed)
    k1, k2 = jax.random.split(key)
    input1 = jax.random.normal(k1, (4, 32, 512, 512), dtype=jnp.float32)
    input2 = jax.random.normal(k2, (4, 2, 512, 512), dtype=jnp.float32)
    return {"input1": input1, "input2": input2}


def reference(input1, input2):
    input1 = input1.astype(jnp.float32)
    input2 = input2.astype(jnp.float32)
    return _resample2d(input1, input2)

if __name__ == "__main__":
    import jax
    _d = setup_inputs()
    print(jax.jit(kernel)(*tuple(_d.values())))

</pallas_src>

<mosaic_0001>
#map = affine_map<(d0, d1) -> (0, 0)>
module attributes {stable_mosaic.version = 14 : i64} {
  func.func @k(%arg0: i32, %arg1: i32, %arg2: memref<1048576x32xf32, #tpu.memory_space<hbm>>, %arg3: memref<4x1048576xi32, #tpu.memory_space<hbm>>, %arg4: memref<4x1048576xf32, #tpu.memory_space<hbm>>, %arg5: memref<128x262144xf32, #tpu.memory_space<hbm>>, %arg6: memref<4x256xi32, #tpu.memory_space<vmem>>, %arg7: memref<4x256xi32, #tpu.memory_space<vmem>>, %arg8: memref<4x256xf32, #tpu.memory_space<vmem>>, %arg9: memref<4x256xf32, #tpu.memory_space<vmem>>, %arg10: memref<4x256x32xf32, #tpu.memory_space<vmem>>, %arg11: memref<4x256x32xf32, #tpu.memory_space<vmem>>, %arg12: memref<32x256xf32, #tpu.memory_space<vmem>>, %arg13: memref<32x256xf32, #tpu.memory_space<vmem>>, %arg14: memref<!tpu.dma_semaphore, #tpu.memory_space<semaphore_mem>>, %arg15: memref<!tpu.dma_semaphore, #tpu.memory_space<semaphore_mem>>, %arg16: memref<!tpu.dma_semaphore, #tpu.memory_space<semaphore_mem>>) attributes {dimension_semantics = [#tpu.dimension_semantics<core_parallel>, #tpu.dimension_semantics<subcore_parallel>], iteration_bounds = array<i64: 2, 16>, scalar_prefetch = 0 : i64, scratch_operands = 11 : i64, tpu.core_type = #tpu.core_type<sc_vector_subcore>, window_params = [{transform_indices = #map}, {transform_indices = #map}, {transform_indices = #map}, {transform_indices = #map}]} {
    %mul3A = arith.constant 2 : i32
    %mul3A_0 = arith.muli %arg1, %mul3A : i32
    %add3A = arith.addi %mul3A_0, %arg0 : i32
    %mul3A_1 = arith.constant 32768 : i32
    %mul3A_2 = arith.muli %add3A, %mul3A_1 : i32
    %iota3A = tpu.iota {dimensions = array<i32: 0>} : vector<16xi32>
    %add3A_3 = arith.constant 0 : i32
    %add3A_4 = arith.addi %mul3A_2, %add3A_3 : i32
    %dma_start3A = arith.constant 0 : i32
    %dma_start3A_5 = tpu.memref_slice %arg3[%dma_start3A, %add3A_4] : memref<4x1048576xi32, #tpu.memory_space<hbm>> -> memref<4x256xi32, #tpu.memory_space<hbm>>
    %dma_start3A_6 = arith.constant 0 : i32
    %dma_start3A_7 = tpu.memref_slice %arg3[%dma_start3A_6, %add3A_4] : memref<4x1048576xi32, #tpu.memory_space<hbm>> -> memref<4x256xi32, #tpu.memory_space<hbm>>
    tpu.enqueue_dma source(%dma_start3A_7 : memref<4x256xi32, #tpu.memory_space<hbm>>) target(%arg6 : memref<4x256xi32, #tpu.memory_space<vmem>>) target_semaphore(%arg14 : memref<!tpu.dma_semaphore, #tpu.memory_space<semaphore_mem>>)
    %dma_start3A_8 = arith.constant 0 : i32
    %dma_start3A_9 = tpu.memref_slice %arg4[%dma_start3A_8, %add3A_4] : memref<4x1048576xf32, #tpu.memory_space<hbm>> -> memref<4x256xf32, #tpu.memory_space<hbm>>
    %dma_start3A_10 = arith.constant 0 : i32
    %dma_start3A_11 = tpu.memref_slice %arg4[%dma_start3A_10, %add3A_4] : memref<4x1048576xf32, #tpu.memory_space<hbm>> -> memref<4x256xf32, #tpu.memory_space<hbm>>
    tpu.enqueue_dma source(%dma_start3A_11 : memref<4x256xf32, #tpu.memory_space<hbm>>) target(%arg8 : memref<4x256xf32, #tpu.memory_space<vmem>>) target_semaphore(%arg14 : memref<!tpu.dma_semaphore, #tpu.memory_space<semaphore_mem>>)
    %add3A_12 = arith.constant 256 : i32
    %add3A_13 = arith.addi %mul3A_2, %add3A_12 : i32
    %dma_start3A_14 = arith.constant 0 : i32
    %dma_start3A_15 = tpu.memref_slice %arg3[%dma_start3A_14, %add3A_13] : memref<4x1048576xi32, #tpu.memory_space<hbm>> -> memref<4x256xi32, #tpu.memory_space<hbm>>
    %dma_start3A_16 = arith.constant 0 : i32
    %dma_start3A_17 = tpu.memref_slice %arg3[%dma_start3A_16, %add3A_13] : memref<4x1048576xi32, #tpu.memory_space<hbm>> -> memref<4x256xi32, #tpu.memory_space<hbm>>
    tpu.enqueue_dma source(%dma_start3A_17 : memref<4x256xi32, #tpu.memory_space<hbm>>) target(%arg7 : memref<4x256xi32, #tpu.memory_space<vmem>>) target_semaphore(%arg14 : memref<!tpu.dma_semaphore, #tpu.memory_space<semaphore_mem>>)
    %dma_start3A_18 = arith.constant 0 : i32
    %dma_start3A_19 = tpu.memref_slice %arg4[%dma_start3A_18, %add3A_13] : memref<4x1048576xf32, #tpu.memory_space<hbm>> -> memref<4x256xf32, #tpu.memory_space<hbm>>
    %dma_start3A_20 = arith.constant 0 : i32
    %dma_start3A_21 = tpu.memref_slice %arg4[%dma_start3A_20, %add3A_13] : memref<4x1048576xf32, #tpu.memory_space<hbm>> -> memref<4x256xf32, #tpu.memory_space<hbm>>
    tpu.enqueue_dma source(%dma_start3A_21 : memref<4x256xf32, #tpu.memory_space<hbm>>) target(%arg9 : memref<4x256xf32, #tpu.memory_space<vmem>>) target_semaphore(%arg14 : memref<!tpu.dma_semaphore, #tpu.memory_space<semaphore_mem>>)
    %add3A_22 = arith.constant 0 : i32
    %add3A_23 = arith.addi %mul3A_2, %add3A_22 : i32
    %dma_wait3A = arith.constant 0 : i32
    %dma_wait3A_24 = tpu.memref_slice %arg3[%dma_wait3A, %add3A_23] : memref<4x1048576xi32, #tpu.memory_space<hbm>> -> memref<4x256xi32, #tpu.memory_space<hbm>>
    %dma_wait3A_25 = arith.constant 0 : i32
    %dma_wait3A_26 = tpu.memref_slice %arg3[%dma_wait3A_25, %add3A_23] : memref<4x1048576xi32, #tpu.memory_space<hbm>> -> memref<4x256xi32, #tpu.memory_space<hbm>>
    tpu.wait_dma2 semaphore(%arg14 : memref<!tpu.dma_semaphore, #tpu.memory_space<semaphore_mem>>) src(%dma_wait3A_26 : memref<4x256xi32, #tpu.memory_space<hbm>>) dst(%arg6 : memref<4x256xi32, #tpu.memory_space<vmem>>)
    %dma_wait3A_27 = arith.constant 0 : i32
    %dma_wait3A_28 = tpu.memref_slice %arg4[%dma_wait3A_27, %add3A_23] : memref<4x1048576xf32, #tpu.memory_space<hbm>> -> memref<4x256xf32, #tpu.memory_space<hbm>>
    %dma_wait3A_29 = arith.constant 0 : i32
    %dma_wait3A_30 = tpu.memref_slice %arg4[%dma_wait3A_29, %add3A_23] : memref<4x1048576xf32, #tpu.memory_space<hbm>> -> memref<4x256xf32, #tpu.memory_space<hbm>>
    tpu.wait_dma2 semaphore(%arg14 : memref<!tpu.dma_semaphore, #tpu.memory_space<semaphore_mem>>) src(%dma_wait3A_30 : memref<4x256xf32, #tpu.memory_space<hbm>>) dst(%arg8 : memref<4x256xf32, #tpu.memory_space<vmem>>)
    %dma_start3A_31 = arith.constant 0 : i32
    %dma_start3A_32 = arith.constant 0 : i32
    %dma_start3A_33 = arith.constant 0 : i32
    %dma_start3A_34 = arith.constant 0 : i32
    %dma_start3A_35 = tpu.memref_slice %arg10[%dma_start3A_32, %dma_start3A_33, %dma_start3A_34] : memref<4x256x32xf32, #tpu.memory_space<vmem>> -> memref<1x128x32xf32, #tpu.memory_space<vmem>>
    %dma_start3A_36 = tpu.memref_squeeze %dma_start3A_35 : memref<1x128x32xf32, #tpu.memory_space<vmem>> -> memref<128x32xf32, #tpu.memory_space<vmem>>
    %dma_start3A_37 = arith.constant 0 : i32
    %dma_start3A_38 = tpu.memref_slice %arg6[%dma_start3A_31, %dma_start3A_37] : memref<4x256xi32, #tpu.memory_space<vmem>> -> memref<1x128xi32, #tpu.memory_space<vmem>>
    %dma_start3A_39 = tpu.memref_squeeze %dma_start3A_38 : memref<1x128xi32, #tpu.memory_space<vmem>> -> memref<128xi32, #tpu.memory_space<vmem>>
    %dma_start3A_40 = arith.constant 0 : i32
    %dma_start3A_41 = arith.constant 0 : i32
    %dma_start3A_42 = tpu.memref_slice %arg2[%dma_start3A_40, %dma_start3A_41] : memref<1048576x32xf32, #tpu.memory_space<hbm>> -> memref<1048576x32xf32, #tpu.memory_space<hbm>>
    tpu.enqueue_indirect_dma source(%dma_start3A_42 : memref<1048576x32xf32, #tpu.memory_space<hbm>>) target(%dma_start3A_36 : memref<128x32xf32, #tpu.memory_space<vmem>>) offsets(%dma_start3A_39 : memref<128xi32, #tpu.memory_space<vmem>>) semaphore(%arg15 : memref<!tpu.dma_semaphore, #tpu.memory_space<semaphore_mem>>)
    %dma_start3A_43 = arith.constant 0 : i32
    %dma_start3A_44 = arith.constant 0 : i32
    %dma_start3A_45 = arith.constant 128 : i32
    %dma_start3A_46 = arith.constant 0 : i32
    %dma_start3A_47 = tpu.memref_slice %arg10[%dma_start3A_44, %dma_start3A_45, %dma_start3A_46] : memref<4x256x32xf32, #tpu.memory_space<vmem>> -> memref<1x128x32xf32, #tpu.memory_space<vmem>>
    %dma_start3A_48 = tpu.memref_squeeze %dma_start3A_47 : memref<1x128x32xf32, #tpu.memory_space<vmem>> -> memref<128x32xf32, #tpu.memory_space<vmem>>
    %dma_start3A_49 = arith.constant 128 : i32
    %dma_start3A_50 = tpu.memref_slice %arg6[%dma_start3A_43, %dma_start3A_49] : memref<4x256xi32, #tpu.memory_space<vmem>> -> memref<1x128xi32, #tpu.memory_space<vmem>>
    %dma_start3A_51 = tpu.memref_squeeze %dma_start3A_50 : memref<1x128xi32, #tpu.memory_space<vmem>> -> memref<128xi32, #tpu.memory_space<vmem>>
    %dma_start3A_52 = arith.constant 0 : i32
    %dma_start3A_53 = arith.constant 0 : i32
    %dma_start3A_54 = tpu.memref_slice %arg2[%dma_start3A_52, %dma_start3A_53] : memref<1048576x32xf32, #tpu.memory_space<hbm>> -> memref<1048576x32xf32, #tpu.memory_space<hbm>>
    tpu.enqueue_indirect_dma source(%dma_start3A_54 : memref<1048576x32xf32, #tpu.memory_space<hbm>>) target(%dma_start3A_48 : memref<128x32xf32, #tpu.memory_space<vmem>>) offsets(%dma_start3A_51 : memref<128xi32, #tpu.memory_space<vmem>>) semaphore(%arg15 : memref<!tpu.dma_semaphore, #tpu.memory_space<semaphore_mem>>)
    %dma_start3A_55 = arith.constant 1 : i32
    %dma_start3A_56 = arith.constant 1 : i32
    %dma_start3A_57 = arith.constant 0 : i32
    %dma_start3A_58 = arith.constant 0 : i32
    %dma_start3A_59 = tpu.memref_slice %arg10[%dma_start3A_56, %dma_start3A_57, %dma_start3A_58] : memref<4x256x32xf32, #tpu.memory_space<vmem>> -> memref<1x128x32xf32, #tpu.memory_space<vmem>>
    %dma_start3A_60 = tpu.memref_squeeze %dma_start3A_59 : memref<1x128x32xf32, #tpu.memory_space<vmem>> -> memref<128x32xf32, #tpu.memory_space<vmem>>
    %dma_start3A_61 = arith.constant 0 : i32
    %dma_start3A_62 = tpu.memref_slice %arg6[%dma_start3A_55, %dma_start3A_61] : memref<4x256xi32, #tpu.memory_space<vmem>> -> memref<1x128xi32, #tpu.memory_space<vmem>>
    %dma_start3A_63 = tpu.memref_squeeze %dma_start3A_62 : memref<1x128xi32, #tpu.memory_space<vmem>> -> memref<128xi32, #tpu.memory_space<vmem>>
    %dma_start3A_64 = arith.constant 0 : i32
    %dma_start3A_65 = arith.constant 0 : i32
    %dma_start3A_66 = tpu.memref_slice %arg2[%dma_start3A_64, %dma_start3A_65] : memref<1048576x32xf32, #tpu.memory_space<hbm>> -> memref<1048576x32xf32, #tpu.memory_space<hbm>>
    tpu.enqueue_indirect_dma source(%dma_start3A_66 : memref<1048576x32xf32, #tpu.memory_space<hbm>>) target(%dma_start3A_60 : memref<128x32xf32, #tpu.memory_space<vmem>>) offsets(%dma_start3A_63 : memref<128xi32, #tpu.memory_space<vmem>>) semaphore(%arg15 : memref<!tpu.dma_semaphore, #tpu.memory_space<semaphore_mem>>)
    %dma_start3A_67 = arith.constant 1 : i32
    %dma_start3A_68 = arith.constant 1 : i32
    %dma_start3A_69 = arith.constant 128 : i32
    %dma_start3A_70 = arith.constant 0 : i32
    %dma_start3A_71 = tpu.memref_slice %arg10[%dma_start3A_68, %dma_start3A_69, %dma_start3A_70] : memref<4x256x32xf32, #tpu.memory_space<vmem>> -> memref<1x128x32xf32, #tpu.memory_space<vmem>>
    %dma_start3A_72 = tpu.memref_squeeze %dma_start3A_71 : memref<1x128x32xf32, #tpu.memory_space<vmem>> -> memref<128x32xf32, #tpu.memory_space<vmem>>
    %dma_start3A_73 = arith.constant 128 : i32
    %dma_start3A_74 = tpu.memref_slice %arg6[%dma_start3A_67, %dma_start3A_73] : memref<4x256xi32, #tpu.memory_space<vmem>> -> memref<1x128xi32, #tpu.memory_space<vmem>>
    %dma_start3A_75 = tpu.memref_squeeze %dma_start3A_74 : memref<1x128xi32, #tpu.memory_space<vmem>> -> memref<128xi32, #tpu.memory_space<vmem>>
    %dma_start3A_76 = arith.constant 0 : i32
    %dma_start3A_77 = arith.constant 0 : i32
    %dma_start3A_78 = tpu.memref_slice %arg2[%dma_start3A_76, %dma_start3A_77] : memref<1048576x32xf32, #tpu.memory_space<hbm>> -> memref<1048576x32xf32, #tpu.memory_space<hbm>>
    tpu.enqueue_indirect_dma source(%dma_start3A_78 : memref<1048576x32xf32, #tpu.memory_space<hbm>>) target(%dma_start3A_72 : memref<128x32xf32, #tpu.memory_space<vmem>>) offsets(%dma_start3A_75 : memref<128xi32, #tpu.memory_space<vmem>>) semaphore(%arg15 : memref<!tpu.dma_semaphore, #tpu.memory_space<semaphore_mem>>)
    %dma_start3A_79 = arith.constant 2 : i32
    %dma_start3A_80 = arith.constant 2 : i32
    %dma_start3A_81 = arith.constant 0 : i32
    %dma_start3A_82 = arith.constant 0 : i32
    %dma_start3A_83 = tpu.memref_slice %arg10[%dma_start3A_80, %dma_start3A_81, %dma_start3A_82] : memref<4x256x32xf32, #tpu.memory_space<vmem>> -> memref<1x128x32xf32, #tpu.memory_space<vmem>>
    %dma_start3A_84 = tpu.memref_squeeze %dma_start3A_83 : memref<1x128x32xf32, #tpu.memory_space<vmem>> -> memref<128x32xf32, #tpu.memory_space<vmem>>
    %dma_start3A_85 = arith.constant 0 : i32
    %dma_start3A_86 = tpu.memref_slice %arg6[%dma_start3A_79, %dma_start3A_85] : memref<4x256xi32, #tpu.memory_space<vmem>> -> memref<1x128xi32, #tpu.memory_space<vmem>>
    %dma_start3A_87 = tpu.memref_squeeze %dma_start3A_86 : memref<1x128xi32, #tpu.memory_space<vmem>> -> memref<128xi32, #tpu.memory_space<vmem>>
    %dma_start3A_88 = arith.constant 0 : i32
    %dma_start3A_89 = arith.constant 0 : i32
    %dma_start3A_90 = tpu.memref_slice %arg2[%dma_start3A_88, %dma_start3A_89] : memref<1048576x32xf32, #tpu.memory_space<hbm>> -> memref<1048576x32xf32, #tpu.memory_space<hbm>>
    tpu.enqueue_indirect_dma source(%dma_start3A_90 : memref<1048576x32xf32, #tpu.memory_space<hbm>>) target(%dma_start3A_84 : memref<128x32xf32, #tpu.memory_space<vmem>>) offsets(%dma_start3A_87 : memref<128xi32, #tpu.memory_space<vmem>>) semaphore(%arg15 : memref<!tpu.dma_semaphore, #tpu.memory_space<semaphore_mem>>)
    %dma_start3A_91 = arith.constant 2 : i32
    %dma_start3A_92 = arith.constant 2 : i32
    %dma_start3A_93 = arith.constant 128 : i32
    %dma_start3A_94 = arith.constant 0 : i32
    %dma_start3A_95 = tpu.memref_slice %arg10[%dma_start3A_92, %dma_start3A_93, %dma_start3A_94] : memref<4x256x32xf32, #tpu.memory_space<vmem>> -> memref<1x128x32xf32, #tpu.memory_space<vmem>>
    %dma_start3A_96 = tpu.memref_squeeze %dma_start3A_95 : memref<1x128x32xf32, #tpu.memory_space<vmem>> -> memref<128x32xf32, #tpu.memory_space<vmem>>
    %dma_start3A_97 = arith.constant 128 : i32
    %dma_start3A_98 = tpu.memref_slice %arg6[%dma_start3A_91, %dma_start3A_97] : memref<4x256xi32, #tpu.memory_space<vmem>> -> memref<1x128xi32, #tpu.memory_space<vmem>>
    %dma_start3A_99 = tpu.memref_squeeze %dma_start3A_98 : memref<1x128xi32, #tpu.memory_space<vmem>> -> memref<128xi32, #tpu.memory_space<vmem>>
    %dma_start3A_100 = arith.constant 0 : i32
    %dma_start3A_101 = arith.constant 0 : i32
    %dma_start3A_102 = tpu.memref_slice %arg2[%dma_start3A_100, %dma_start3A_101] : memref<1048576x32xf32, #tpu.memory_space<hbm>> -> memref<1048576x32xf32, #tpu.memory_space<hbm>>
    tpu.enqueue_indirect_dma source(%dma_start3A_102 : memref<1048576x32xf32, #tpu.memory_space<hbm>>) target(%dma_start3A_96 : memref<128x32xf32, #tpu.memory_space<vmem>>) offsets(%dma_start3A_99 : memref<128xi32, #tpu.memory_space<vmem>>) semaphore(%arg15 : memref<!tpu.dma_semaphore, #tpu.memory_space<semaphore_mem>>)
    %dma_start3A_103 = arith.constant 3 : i32
    %dma_start3A_104 = arith.constant 3 : i32
    %dma_start3A_105 = arith.constant 0 : i32
    %dma_start3A_106 = arith.constant 0 : i32
    %dma_start3A_107 = tpu.memref_slice %arg10[%dma_start3A_104, %dma_start3A_105, %dma_start3A_106] : memref<4x256x32xf32, #tpu.memory_space<vmem>> -> memref<1x128x32xf32, #tpu.memory_space<vmem>>
    %dma_start3A_108 = tpu.memref_squeeze %dma_start3A_107 : memref<1x128x32xf32, #tpu.memory_space<vmem>> -> memref<128x32xf32, #tpu.memory_space<vmem>>
    %dma_start3A_109 = arith.constant 0 : i32
    %dma_start3A_110 = tpu.memref_slice %arg6[%dma_start3A_103, %dma_start3A_109] : memref<4x256xi32, #tpu.memory_space<vmem>> -> memref<1x128xi32, #tpu.memory_space<vmem>>
    %dma_start3A_111 = tpu.memref_squeeze %dma_start3A_110 : memref<1x128xi32, #tpu.memory_space<vmem>> -> memref<128xi32, #tpu.memory_space<vmem>>
    %dma_start3A_112 = arith.constant 0 : i32
    %dma_start3A_113 = arith.constant 0 : i32
    %dma_start3A_114 = tpu.memref_slice %arg2[%dma_start3A_112, %dma_start3A_113] : memref<1048576x32xf32, #tpu.memory_space<hbm>> -> memref<1048576x32xf32, #tpu.memory_space<hbm>>
    tpu.enqueue_indirect_dma source(%dma_start3A_114 : memref<1048576x32xf32, #tpu.memory_space<hbm>>) target(%dma_start3A_108 : memref<128x32xf32, #tpu.memory_space<vmem>>) offsets(%dma_start3A_111 : memref<128xi32, #tpu.memory_space<vmem>>) semaphore(%arg15 : memref<!tpu.dma_semaphore, #tpu.memory_space<semaphore_mem>>)
    %dma_start3A_115 = arith.constant 3 : i32
    %dma_start3A_116 = arith.constant 3 : i32
    %dma_start3A_117 = arith.constant 128 : i32
    %dma_start3A_118 = arith.constant 0 : i32
    %dma_start3A_119 = tpu.memref_slice %arg10[%dma_start3A_116, %dma_start3A_117, %dma_start3A_118] : memref<4x256x32xf32, #tpu.memory_space<vmem>> -> memref<1x128x32xf32, #tpu.memory_space<vmem>>
    %dma_start3A_120 = tpu.memref_squeeze %dma_start3A_119 : memref<1x128x32xf32, #tpu.memory_space<vmem>> -> memref<128x32xf32, #tpu.memory_space<vmem>>
    %dma_start3A_121 = arith.constant 128 : i32
    %dma_start3A_122 = tpu.memref_slice %arg6[%dma_start3A_115, %dma_start3A_121] : memref<4x256xi32, #tpu.memory_space<vmem>> -> memref<1x128xi32, #tpu.memory_space<vmem>>
    %dma_start3A_123 = tpu.memref_squeeze %dma_start3A_122 : memref<1x128xi32, #tpu.memory_space<vmem>> -> memref<128xi32, #tpu.memory_space<vmem>>
    %dma_start3A_124 = arith.constant 0 : i32
    %dma_start3A_125 = arith.constant 0 : i32
    %dma_start3A_126 = tpu.memref_slice %arg2[%dma_start3A_124, %dma_start3A_125] : memref<1048576x32xf32, #tpu.memory_space<hbm>> -> memref<1048576x32xf32, #tpu.memory_space<hbm>>
    tpu.enqueue_indirect_dma source(%dma_start3A_126 : memref<1048576x32xf32, #tpu.memory_space<hbm>>) target(%dma_start3A_120 : memref<128x32xf32, #tpu.memory_space<vmem>>) offsets(%dma_start3A_123 : memref<128xi32, #tpu.memory_space<vmem>>) semaphore(%arg15 : memref<!tpu.dma_semaphore, #tpu.memory_space<semaphore_mem>>)
    %dma_wait3A_127 = arith.constant 0 : i32
    %dma_wait3A_128 = arith.constant 0 : i32
    %dma_wait3A_129 = arith.constant 0 : i32
    %dma_wait3A_130 = arith.constant 0 : i32
    %dma_wait3A_131 = tpu.memref_slice %arg10[%dma_wait3A_128, %dma_wait3A_129, %dma_wait3A_130] : memref<4x256x32xf32, #tpu.memory_space<vmem>> -> memref<1x128x32xf32, #tpu.memory_space<vmem>>
    %dma_wait3A_132 = tpu.memref_squeeze %dma_wait3A_131 : memref<1x128x32xf32, #tpu.memory_space<vmem>> -> memref<128x32xf32, #tpu.memory_space<vmem>>
    %dma_wait3A_133 = arith.constant 0 : i32
    %dma_wait3A_134 = tpu.memref_slice %arg6[%dma_wait3A_127, %dma_wait3A_133] : memref<4x256xi32, #tpu.memory_space<vmem>> -> memref<1x128xi32, #tpu.memory_space<vmem>>
    %dma_wait3A_135 = tpu.memref_squeeze %dma_wait3A_134 : memref<1x128xi32, #tpu.memory_space<vmem>> -> memref<128xi32, #tpu.memory_space<vmem>>
    %dma_wait3A_136 = arith.constant 0 : i32
    %dma_wait3A_137 = arith.constant 0 : i32
    %dma_wait3A_138 = tpu.memref_slice %arg2[%dma_wait3A_136, %dma_wait3A_137] : memref<1048576x32xf32, #tpu.memory_space<hbm>> -> memref<1048576x32xf32, #tpu.memory_space<hbm>>
    tpu.wait_indirect_dma semaphore(%arg15 : memref<!tpu.dma_semaphore, #tpu.memory_space<semaphore_mem>>) src(%dma_wait3A_138 : memref<1048576x32xf32, #tpu.memory_space<hbm>>) dst(%dma_wait3A_132 : memref<128x32xf32, #tpu.memory_space<vmem>>)
    %dma_wait3A_139 = arith.constant 0 : i32
    %dma_wait3A_140 = arith.constant 0 : i32
    %dma_wait3A_141 = arith.constant 128 : i32
    %dma_wait3A_142 = arith.constant 0 : i32
    %dma_wait3A_143 = tpu.memref_slice %arg10[%dma_wait3A_140, %dma_wait3A_141, %dma_wait3A_142] : memref<4x256x32xf32, #tpu.memory_space<vmem>> -> memref<1x128x32xf32, #tpu.memory_space<vmem>>
    %dma_wait3A_144 = tpu.memref_squeeze %dma_wait3A_143 : memref<1x128x32xf32, #tpu.memory_space<vmem>> -> memref<128x32xf32, #tpu.memory_space<vmem>>
    %dma_wait3A_145 = arith.constant 128 : i32
    %dma_wait3A_146 = tpu.memref_slice %arg6[%dma_wait3A_139, %dma_wait3A_145] : memref<4x256xi32, #tpu.memory_space<vmem>> -> memref<1x128xi32, #tpu.memory_space<vmem>>
    %dma_wait3A_147 = tpu.memref_squeeze %dma_wait3A_146 : memref<1x128xi32, #tpu.memory_space<vmem>> -> memref<128xi32, #tpu.memory_space<vmem>>
    %dma_wait3A_148 = arith.constant 0 : i32
    %dma_wait3A_149 = arith.constant 0 : i32
    %dma_wait3A_150 = tpu.memref_slice %arg2[%dma_wait3A_148, %dma_wait3A_149] : memref<1048576x32xf32, #tpu.memory_space<hbm>> -> memref<1048576x32xf32, #tpu.memory_space<hbm>>
    tpu.wait_indirect_dma semaphore(%arg15 : memref<!tpu.dma_semaphore, #tpu.memory_space<semaphore_mem>>) src(%dma_wait3A_150 : memref<1048576x32xf32, #tpu.memory_space<hbm>>) dst(%dma_wait3A_144 : memref<128x32xf32, #tpu.memory_space<vmem>>)
    %dma_wait3A_151 = arith.constant 1 : i32
    %dma_wait3A_152 = arith.constant 1 : i32
    %dma_wait3A_153 = arith.constant 0 : i32
    %dma_wait3A_154 = arith.constant 0 : i32
    %dma_wait3A_155 = tpu.memref_slice %arg10[%dma_wait3A_152, %dma_wait3A_153, %dma_wait3A_154] : memref<4x256x32xf32, #tpu.memory_space<vmem>> -> memref<1x128x32xf32, #tpu.memory_space<vmem>>
    %dma_wait3A_156 = tpu.memref_squeeze %dma_wait3A_155 : memref<1x128x32xf32, #tpu.memory_space<vmem>> -> memref<128x32xf32, #tpu.memory_space<vmem>>
    %dma_wait3A_157 = arith.constant 0 : i32
    %dma_wait3A_158 = tpu.memref_slice %arg6[%dma_wait3A_151, %dma_wait3A_157] : memref<4x256xi32, #tpu.memory_space<vmem>> -> memref<1x128xi32, #tpu.memory_space<vmem>>
    %dma_wait3A_159 = tpu.memref_squeeze %dma_wait3A_158 : memref<1x128xi32, #tpu.memory_space<vmem>> -> memref<128xi32, #tpu.memory_space<vmem>>
    %dma_wait3A_160 = arith.constant 0 : i32
    %dma_wait3A_161 = arith.constant 0 : i32
    %dma_wait3A_162 = tpu.memref_slice %arg2[%dma_wait3A_160, %dma_wait3A_161] : memref<1048576x32xf32, #tpu.memory_space<hbm>> -> memref<1048576x32xf32, #tpu.memory_space<hbm>>
    tpu.wait_indirect_dma semaphore(%arg15 : memref<!tpu.dma_semaphore, #tpu.memory_space<semaphore_mem>>) src(%dma_wait3A_162 : memref<1048576x32xf32, #tpu.memory_space<hbm>>) dst(%dma_wait3A_156 : memref<128x32xf32, #tpu.memory_space<vmem>>)
    %dma_wait3A_163 = arith.constant 1 : i32
    %dma_wait3A_164 = arith.constant 1 : i32
    %dma_wait3A_165 = arith.constant 128 : i32
    %dma_wait3A_166 = arith.constant 0 : i32
    %dma_wait3A_167 = tpu.memref_slice %arg10[%dma_wait3A_164, %dma_wait3A_165, %dma_wait3A_166] : memref<4x256x32xf32, #tpu.memory_space<vmem>> -> memref<1x128x32xf32, #tpu.memory_space<vmem>>
    %dma_wait3A_168 = tpu.memref_squeeze %dma_wait3A_167 : memref<1x128x32xf32, #tpu.memory_space<vmem>> -> memref<128x32xf32, #tpu.memory_space<vmem>>
    %dma_wait3A_169 = arith.constant 128 : i32
    %dma_wait3A_170 = tpu.memref_slice %arg6[%dma_wait3A_163, %dma_wait3A_169] : memref<4x256xi32, #tpu.memory_space<vmem>> -> memref<1x128xi32, #tpu.memory_space<vmem>>
    %dma_wait3A_171 = tpu.memref_squeeze %dma_wait3A_170 : memref<1x128xi32, #tpu.memory_space<vmem>> -> memref<128xi32, #tpu.memory_space<vmem>>
    %dma_wait3A_172 = arith.constant 0 : i32
    %dma_wait3A_173 = arith.constant 0 : i32
    %dma_wait3A_174 = tpu.memref_slice %arg2[%dma_wait3A_172, %dma_wait3A_173] : memref<1048576x32xf32, #tpu.memory_space<hbm>> -> memref<1048576x32xf32, #tpu.memory_space<hbm>>
    tpu.wait_indirect_dma semaphore(%arg15 : memref<!tpu.dma_semaphore, #tpu.memory_space<semaphore_mem>>) src(%dma_wait3A_174 : memref<1048576x32xf32, #tpu.memory_space<hbm>>) dst(%dma_wait3A_168 : memref<128x32xf32, #tpu.memory_space<vmem>>)
    %dma_wait3A_175 = arith.constant 2 : i32
    %dma_wait3A_176 = arith.constant 2 : i32
    %dma_wait3A_177 = arith.constant 0 : i32
    %dma_wait3A_178 = arith.constant 0 : i32
    %dma_wait3A_179 = tpu.memref_slice %arg10[%dma_wait3A_176, %dma_wait3A_177, %dma_wait3A_178] : memref<4x256x32xf32, #tpu.memory_space<vmem>> -> memref<1x128x32xf32, #tpu.memory_space<vmem>>
    %dma_wait3A_180 = tpu.memref_squeeze %dma_wait3A_179 : memref<1x128x32xf32, #tpu.memory_space<vmem>> -> memref<128x32xf32, #tpu.memory_space<vmem>>
    %dma_wait3A_181 = arith.constant 0 : i32
    %dma_wait3A_182 = tpu.memref_slice %arg6[%dma_wait3A_175, %dma_wait3A_181] : memref<4x256xi32, #tpu.memory_space<vmem>> -> memref<1x128xi32, #tpu.memory_space<vmem>>
    %dma_wait3A_183 = tpu.memref_squeeze %dma_wait3A_182 : memref<1x128xi32, #tpu.memory_space<vmem>> -> memref<128xi32, #tpu.memory_space<vmem>>
    %dma_wait3A_184 = arith.constant 0 : i32
    %dma_wait3A_185 = arith.constant 0 : i32
    %dma_wait3A_186 = tpu.memref_slice %arg2[%dma_wait3A_184, %dma_wait3A_185] : memref<1048576x32xf32, #tpu.memory_space<hbm>> -> memref<1048576x32xf32, #tpu.memory_space<hbm>>
    tpu.wait_indirect_dma semaphore(%arg15 : memref<!tpu.dma_semaphore, #tpu.memory_space<semaphore_mem>>) src(%dma_wait3A_186 : memref<1048576x32xf32, #tpu.memory_space<hbm>>) dst(%dma_wait3A_180 : memref<128x32xf32, #tpu.memory_space<vmem>>)
    %dma_wait3A_187 = arith.constant 2 : i32
    %dma_wait3A_188 = arith.constant 2 : i32
    %dma_wait3A_189 = arith.constant 128 : i32
    %dma_wait3A_190 = arith.constant 0 : i32
    %dma_wait3A_191 = tpu.memref_slice %arg10[%dma_wait3A_188, %dma_wait3A_189, %dma_wait3A_190] : memref<4x256x32xf32, #tpu.memory_space<vmem>> -> memref<1x128x32xf32, #tpu.memory_space<vmem>>
    %dma_wait3A_192 = tpu.memref_squeeze %dma_wait3A_191 : memref<1x128x32xf32, #tpu.memory_space<vmem>> -> memref<128x32xf32, #tpu.memory_space<vmem>>
    %dma_wait3A_193 = arith.constant 128 : i32
    %dma_wait3A_194 = tpu.memref_slice %arg6[%dma_wait3A_187, %dma_wait3A_193] : memref<4x256xi32, #tpu.memory_space<vmem>> -> memref<1x128xi32, #tpu.memory_space<vmem>>
    %dma_wait3A_195 = tpu.memref_squeeze %dma_wait3A_194 : memref<1x128xi32, #tpu.memory_space<vmem>> -> memref<128xi32, #tpu.memory_space<vmem>>
    %dma_wait3A_196 = arith.constant 0 : i32
    %dma_wait3A_197 = arith.constant 0 : i32
    %dma_wait3A_198 = tpu.memref_slice %arg2[%dma_wait3A_196, %dma_wait3A_197] : memref<1048576x32xf32, #tpu.memory_space<hbm>> -> memref<1048576x32xf32, #tpu.memory_space<hbm>>
    tpu.wait_indirect_dma semaphore(%arg15 : memref<!tpu.dma_semaphore, #tpu.memory_space<semaphore_mem>>) src(%dma_wait3A_198 : memref<1048576x32xf32, #tpu.memory_space<hbm>>) dst(%dma_wait3A_192 : memref<128x32xf32, #tpu.memory_space<vmem>>)
    %dma_wait3A_199 = arith.constant 3 : i32
    %dma_wait3A_200 = arith.constant 3 : i32
    %dma_wait3A_201 = arith.constant 0 : i32
    %dma_wait3A_202 = arith.constant 0 : i32
    %dma_wait3A_203 = tpu.memref_slice %arg10[%dma_wait3A_200, %dma_wait3A_201, %dma_wait3A_202] : memref<4x256x32xf32, #tpu.memory_space<vmem>> -> memref<1x128x32xf32, #tpu.memory_space<vmem>>
    %dma_wait3A_204 = tpu.memref_squeeze %dma_wait3A_203 : memref<1x128x32xf32, #tpu.memory_space<vmem>> -> memref<128x32xf32, #tpu.memory_space<vmem>>
    %dma_wait3A_205 = arith.constant 0 : i32
    %dma_wait3A_206 = tpu.memref_slice %arg6[%dma_wait3A_199, %dma_wait3A_205] : memref<4x256xi32, #tpu.memory_space<vmem>> -> memref<1x128xi32, #tpu.memory_space<vmem>>
    %dma_wait3A_207 = tpu.memref_squeeze %dma_wait3A_206 : memref<1x128xi32, #tpu.memory_space<vmem>> -> memref<128xi32, #tpu.memory_space<vmem>>
    %dma_wait3A_208 = arith.constant 0 : i32
    %dma_wait3A_209 = arith.constant 0 : i32
    %dma_wait3A_210 = tpu.memref_slice %arg2[%dma_wait3A_208, %dma_wait3A_209] : memref<1048576x32xf32, #tpu.memory_space<hbm>> -> memref<1048576x32xf32, #tpu.memory_space<hbm>>
    tpu.wait_indirect_dma semaphore(%arg15 : memref<!tpu.dma_semaphore, #tpu.memory_space<semaphore_mem>>) src(%dma_wait3A_210 : memref<1048576x32xf32, #tpu.memory_space<hbm>>) dst(%dma_wait3A_204 : memref<128x32xf32, #tpu.memory_space<vmem>>)
    %dma_wait3A_211 = arith.constant 3 : i32
    %dma_wait3A_212 = arith.constant 3 : i32
    %dma_wait3A_213 = arith.constant 128 : i32
    %dma_wait3A_214 = arith.constant 0 : i32
    %dma_wait3A_215 = tpu.memref_slice %arg10[%dma_wait3A_212, %dma_wait3A_213, %dma_wait3A_214] : memref<4x256x32xf32, #tpu.memory_space<vmem>> -> memref<1x128x32xf32, #tpu.memory_space<vmem>>
    %dma_wait3A_216 = tpu.memref_squeeze %dma_wait3A_215 : memref<1x128x32xf32, #tpu.memory_space<vmem>> -> memref<128x32xf32, #tpu.memory_space<vmem>>
    %dma_wait3A_217 = arith.constant 128 : i32
    %dma_wait3A_218 = tpu.memref_slice %arg6[%dma_wait3A_211, %dma_wait3A_217] : memref<4x256xi32, #tpu.memory_space<vmem>> -> memref<1x128xi32, #tpu.memory_space<vmem>>
    %dma_wait3A_219 = tpu.memref_squeeze %dma_wait3A_218 : memref<1x128xi32, #tpu.memory_space<vmem>> -> memref<128xi32, #tpu.memory_space<vmem>>
    %dma_wait3A_220 = arith.constant 0 : i32
    %dma_wait3A_221 = arith.constant 0 : i32
    %dma_wait3A_222 = tpu.memref_slice %arg2[%dma_wait3A_220, %dma_wait3A_221] : memref<1048576x32xf32, #tpu.memory_space<hbm>> -> memref<1048576x32xf32, #tpu.memory_space<hbm>>
    tpu.wait_indirect_dma semaphore(%arg15 : memref<!tpu.dma_semaphore, #tpu.memory_space<semaphore_mem>>) src(%dma_wait3A_222 : memref<1048576x32xf32, #tpu.memory_space<hbm>>) dst(%dma_wait3A_216 : memref<128x32xf32, #tpu.memory_space<vmem>>)
    %add3A_223 = arith.constant 256 : i32
    %add3A_224 = arith.addi %mul3A_2, %add3A_223 : i32
    %dma_wait3A_225 = arith.constant 0 : i32
    %dma_wait3A_226 = tpu.memref_slice %arg3[%dma_wait3A_225, %add3A_224] : memref<4x1048576xi32, #tpu.memory_space<hbm>> -> memref<4x256xi32, #tpu.memory_space<hbm>>
    %dma_wait3A_227 = arith.constant 0 : i32
    %dma_wait3A_228 = tpu.memref_slice %arg3[%dma_wait3A_227, %add3A_224] : memref<4x1048576xi32, #tpu.memory_space<hbm>> -> memref<4x256xi32, #tpu.memory_space<hbm>>
    tpu.wait_dma2 semaphore(%arg14 : memref<!tpu.dma_semaphore, #tpu.memory_space<semaphore_mem>>) src(%dma_wait3A_228 : memref<4x256xi32, #tpu.memory_space<hbm>>) dst(%arg7 : memref<4x256xi32, #tpu.memory_space<vmem>>)
    %dma_wait3A_229 = arith.constant 0 : i32
    %dma_wait3A_230 = tpu.memref_slice %arg4[%dma_wait3A_229, %add3A_224] : memref<4x1048576xf32, #tpu.memory_space<hbm>> -> memref<4x256xf32, #tpu.memory_space<hbm>>
    %dma_wait3A_231 = arith.constant 0 : i32
    %dma_wait3A_232 = tpu.memref_slice %arg4[%dma_wait3A_231, %add3A_224] : memref<4x1048576xf32, #tpu.memory_space<hbm>> -> memref<4x256xf32, #tpu.memory_space<hbm>>
    tpu.wait_dma2 semaphore(%arg14 : memref<!tpu.dma_semaphore, #tpu.memory_space<semaphore_mem>>) src(%dma_wait3A_232 : memref<4x256xf32, #tpu.memory_space<hbm>>) dst(%arg9 : memref<4x256xf32, #tpu.memory_space<vmem>>)
    %dma_start3A_233 = arith.constant 0 : i32
    %dma_start3A_234 = arith.constant 0 : i32
    %dma_start3A_235 = arith.constant 0 : i32
    %dma_start3A_236 = arith.constant 0 : i32
    %dma_start3A_237 = tpu.memref_slice %arg11[%dma_start3A_234, %dma_start3A_235, %dma_start3A_236] : memref<4x256x32xf32, #tpu.memory_space<vmem>> -> memref<1x128x32xf32, #tpu.memory_space<vmem>>
    %dma_start3A_238 = tpu.memref_squeeze %dma_start3A_237 : memref<1x128x32xf32, #tpu.memory_space<vmem>> -> memref<128x32xf32, #tpu.memory_space<vmem>>
    %dma_start3A_239 = arith.constant 0 : i32
    %dma_start3A_240 = tpu.memref_slice %arg7[%dma_start3A_233, %dma_start3A_239] : memref<4x256xi32, #tpu.memory_space<vmem>> -> memref<1x128xi32, #tpu.memory_space<vmem>>
    %dma_start3A_241 = tpu.memref_squeeze %dma_start3A_240 : memref<1x128xi32, #tpu.memory_space<vmem>> -> memref<128xi32, #tpu.memory_space<vmem>>
    %dma_start3A_242 = arith.constant 0 : i32
    %dma_start3A_243 = arith.constant 0 : i32
    %dma_start3A_244 = tpu.memref_slice %arg2[%dma_start3A_242, %dma_start3A_243] : memref<1048576x32xf32, #tpu.memory_space<hbm>> -> memref<1048576x32xf32, #tpu.memory_space<hbm>>
    tpu.enqueue_indirect_dma source(%dma_start3A_244 : memref<1048576x32xf32, #tpu.memory_space<hbm>>) target(%dma_start3A_238 : memref<128x32xf32, #tpu.memory_space<vmem>>) offsets(%dma_start3A_241 : memref<128xi32, #tpu.memory_space<vmem>>) semaphore(%arg15 : memref<!tpu.dma_semaphore, #tpu.memory_space<semaphore_mem>>)
    %dma_start3A_245 = arith.constant 0 : i32
    %dma_start3A_246 = arith.constant 0 : i32
    %dma_start3A_247 = arith.constant 128 : i32
    %dma_start3A_248 = arith.constant 0 : i32
    %dma_start3A_249 = tpu.memref_slice %arg11[%dma_start3A_246, %dma_start3A_247, %dma_start3A_248] : memref<4x256x32xf32, #tpu.memory_space<vmem>> -> memref<1x128x32xf32, #tpu.memory_space<vmem>>
    %dma_start3A_250 = tpu.memref_squeeze %dma_start3A_249 : memref<1x128x32xf32, #tpu.memory_space<vmem>> -> memref<128x32xf32, #tpu.memory_space<vmem>>
    %dma_start3A_251 = arith.constant 128 : i32
    %dma_start3A_252 = tpu.memref_slice %arg7[%dma_start3A_245, %dma_start3A_251] : memref<4x256xi32, #tpu.memory_space<vmem>> -> memref<1x128xi32, #tpu.memory_space<vmem>>
    %dma_start3A_253 = tpu.memref_squeeze %dma_start3A_252 : memref<1x128xi32, #tpu.memory_space<vmem>> -> memref<128xi32, #tpu.memory_space<vmem>>
    %dma_start3A_254 = arith.constant 0 : i32
    %dma_start3A_255 = arith.constant 0 : i32
    %dma_start3A_256 = tpu.memref_slice %arg2[%dma_start3A_254, %dma_start3A_255] : memref<1048576x32xf32, #tpu.memory_space<hbm>> -> memref<1048576x32xf32, #tpu.memory_space<hbm>>
    tpu.enqueue_indirect_dma source(%dma_start3A_256 : memref<1048576x32xf32, #tpu.memory_space<hbm>>) target(%dma_start3A_250 : memref<128x32xf32, #tpu.memory_space<vmem>>) offsets(%dma_start3A_253 : memref<128xi32, #tpu.memory_space<vmem>>) semaphore(%arg15 : memref<!tpu.dma_semaphore, #tpu.memory_space<semaphore_mem>>)
    %dma_start3A_257 = arith.constant 1 : i32
    %dma_start3A_258 = arith.constant 1 : i32
    %dma_start3A_259 = arith.constant 0 : i32
    %dma_start3A_260 = arith.constant 0 : i32
    %dma_start3A_261 = tpu.memref_slice %arg11[%dma_start3A_258, %dma_start3A_259, %dma_start3A_260] : memref<4x256x32xf32, #tpu.memory_space<vmem>> -> memref<1x128x32xf32, #tpu.memory_space<vmem>>
    %dma_start3A_262 = tpu.memref_squeeze %dma_start3A_261 : memref<1x128x32xf32, #tpu.memory_space<vmem>> -> memref<128x32xf32, #tpu.memory_space<vmem>>
    %dma_start3A_263 = arith.constant 0 : i32
    %dma_start3A_264 = tpu.memref_slice %arg7[%dma_start3A_257, %dma_start3A_263] : memref<4x256xi32, #tpu.memory_space<vmem>> -> memref<1x128xi32, #tpu.memory_space<vmem>>
    %dma_start3A_265 = tpu.memref_squeeze %dma_start3A_264 : memref<1x128xi32, #tpu.memory_space<vmem>> -> memref<128xi32, #tpu.memory_space<vmem>>
    %dma_start3A_266 = arith.constant 0 : i32
    %dma_start3A_267 = arith.constant 0 : i32
    %dma_start3A_268 = tpu.memref_slice %arg2[%dma_start3A_266, %dma_start3A_267] : memref<1048576x32xf32, #tpu.memory_space<hbm>> -> memref<1048576x32xf32, #tpu.memory_space<hbm>>
    tpu.enqueue_indirect_dma source(%dma_start3A_268 : memref<1048576x32xf32, #tpu.memory_space<hbm>>) target(%dma_start3A_262 : memref<128x32xf32, #tpu.memory_space<vmem>>) offsets(%dma_start3A_265 : memref<128xi32, #tpu.memory_space<vmem>>) semaphore(%arg15 : memref<!tpu.dma_semaphore, #tpu.memory_space<semaphore_mem>>)
    %dma_start3A_269 = arith.constant 1 : i32
    %dma_start3A_270 = arith.constant 1 : i32
    %dma_start3A_271 = arith.constant 128 : i32
    %dma_start3A_272 = arith.constant 0 : i32
    %dma_start3A_273 = tpu.memref_slice %arg11[%dma_start3A_270, %dma_start3A_271, %dma_start3A_272] : memref<4x256x32xf32, #tpu.memory_space<vmem>> -> memref<1x128x32xf32, #tpu.memory_space<vmem>>
    %dma_start3A_274 = tpu.memref_squeeze %dma_start3A_273 : memref<1x128x32xf32, #tpu.memory_space<vmem>> -> memref<128x32xf32, #tpu.memory_space<vmem>>
    %dma_start3A_275 = arith.constant 128 : i32
    %dma_start3A_276 = tpu.memref_slice %arg7[%dma_start3A_269, %dma_start3A_275] : memref<4x256xi32, #tpu.memory_space<vmem>> -> memref<1x128xi32, #tpu.memory_space<vmem>>
    %dma_start3A_277 = tpu.memref_squeeze %dma_start3A_276 : memref<1x128xi32, #tpu.memory_space<vmem>> -> memref<128xi32, #tpu.memory_space<vmem>>
    %dma_start3A_278 = arith.constant 0 : i32
    %dma_start3A_279 = arith.constant 0 : i32
    %dma_start3A_280 = tpu.memref_slice %arg2[%dma_start3A_278, %dma_start3A_279] : memref<1048576x32xf32, #tpu.memory_space<hbm>> -> memref<1048576x32xf32, #tpu.memory_space<hbm>>
    tpu.enqueue_indirect_dma source(%dma_start3A_280 : memref<1048576x32xf32, #tpu.memory_space<hbm>>) target(%dma_start3A_274 : memref<128x32xf32, #tpu.memory_space<vmem>>) offsets(%dma_start3A_277 : memref<128xi32, #tpu.memory_space<vmem>>) semaphore(%arg15 : memref<!tpu.dma_semaphore, #tpu.memory_space<semaphore_mem>>)
    %dma_start3A_281 = arith.constant 2 : i32
    %dma_start3A_282 = arith.constant 2 : i32
    %dma_start3A_283 = arith.constant 0 : i32
    %dma_start3A_284 = arith.constant 0 : i32
    %dma_start3A_285 = tpu.memref_slice %arg11[%dma_start3A_282, %dma_start3A_283, %dma_start3A_284] : memref<4x256x32xf32, #tpu.memory_space<vmem>> -> memref<1x128x32xf32, #tpu.memory_space<vmem>>
    %dma_start3A_286 = tpu.memref_squeeze %dma_start3A_285 : memref<1x128x32xf32, #tpu.memory_space<vmem>> -> memref<128x32xf32, #tpu.memory_space<vmem>>
    %dma_start3A_287 = arith.constant 0 : i32
    %dma_start3A_288 = tpu.memref_slice %arg7[%dma_start3A_281, %dma_start3A_287] : memref<4x256xi32, #tpu.memory_space<vmem>> -> memref<1x128xi32, #tpu.memory_space<vmem>>
    %dma_start3A_289 = tpu.memref_squeeze %dma_start3A_288 : memref<1x128xi32, #tpu.memory_space<vmem>> -> memref<128xi32, #tpu.memory_space<vmem>>
    %dma_start3A_290 = arith.constant 0 : i32
    %dma_start3A_291 = arith.constant 0 : i32
    %dma_start3A_292 = tpu.memref_slice %arg2[%dma_start3A_290, %dma_start3A_291] : memref<1048576x32xf32, #tpu.memory_space<hbm>> -> memref<1048576x32xf32, #tpu.memory_space<hbm>>
    tpu.enqueue_indirect_dma source(%dma_start3A_292 : memref<1048576x32xf32, #tpu.memory_space<hbm>>) target(%dma_start3A_286 : memref<128x32xf32, #tpu.memory_space<vmem>>) offsets(%dma_start3A_289 : memref<128xi32, #tpu.memory_space<vmem>>) semaphore(%arg15 : memref<!tpu.dma_semaphore, #tpu.memory_space<semaphore_mem>>)
    %dma_start3A_293 = arith.constant 2 : i32
    %dma_start3A_294 = arith.constant 2 : i32
    %dma_start3A_295 = arith.constant 128 : i32
    %dma_start3A_296 = arith.constant 0 : i32
    %dma_start3A_297 = tpu.memref_slice %arg11[%dma_start3A_294, %dma_start3A_295, %dma_start3A_296] : memref<4x256x32xf32, #tpu.memory_space<vmem>> -> memref<1x128x32xf32, #tpu.memory_space<vmem>>
    %dma_start3A_298 = tpu.memref_squeeze %dma_start3A_297 : memref<1x128x32xf32, #tpu.memory_space<vmem>> -> memref<128x32xf32, #tpu.memory_space<vmem>>
    %dma_start3A_299 = arith.constant 128 : i32
    %dma_start3A_300 = tpu.memref_slice %arg7[%dma_start3A_293, %dma_start3A_299] : memref<4x256xi32, #tpu.memory_space<vmem>> -> memref<1x128xi32, #tpu.memory_space<vmem>>
    %dma_start3A_301 = tpu.memref_squeeze %dma_start3A_300 : memref<1x128xi32, #tpu.memory_space<vmem>> -> memref<128xi32, #tpu.memory_space<vmem>>
    %dma_start3A_302 = arith.constant 0 : i32
    %dma_start3A_303 = arith.constant 0 : i32
    %dma_start3A_304 = tpu.memref_slice %arg2[%dma_start3A_302, %dma_start3A_303] : memref<1048576x32xf32, #tpu.memory_space<hbm>> -> memref<1048576x32xf32, #tpu.memory_space<hbm>>
    tpu.enqueue_indirect_dma source(%dma_start3A_304 : memref<1048576x32xf32, #tpu.memory_space<hbm>>) target(%dma_start3A_298 : memref<128x32xf32, #tpu.memory_space<vmem>>) offsets(%dma_start3A_301 : memref<128xi32, #tpu.memory_space<vmem>>) semaphore(%arg15 : memref<!tpu.dma_semaphore, #tpu.memory_space<semaphore_mem>>)
    %dma_start3A_305 = arith.constant 3 : i32
    %dma_start3A_306 = arith.constant 3 : i32
    %dma_start3A_307 = arith.constant 0 : i32
    %dma_start3A_308 = arith.constant 0 : i32
    %dma_start3A_309 = tpu.memref_slice %arg11[%dma_start3A_306, %dma_start3A_307, %dma_start3A_308] : memref<4x256x32xf32, #tpu.memory_space<vmem>> -> memref<1x128x32xf32, #tpu.memory_space<vmem>>
    %dma_start3A_310 = tpu.memref_squeeze %dma_start3A_309 : memref<1x128x32xf32, #tpu.memory_space<vmem>> -> memref<128x32xf32, #tpu.memory_space<vmem>>
    %dma_start3A_311 = arith.constant 0 : i32
    %dma_start3A_312 = tpu.memref_slice %arg7[%dma_start3A_305, %dma_start3A_311] : memref<4x256xi32, #tpu.memory_space<vmem>> -> memref<1x128xi32, #tpu.memory_space<vmem>>
    %dma_start3A_313 = tpu.memref_squeeze %dma_start3A_312 : memref<1x128xi32, #tpu.memory_space<vmem>> -> memref<128xi32, #tpu.memory_space<vmem>>
    %dma_start3A_314 = arith.constant 0 : i32
    %dma_start3A_315 = arith.constant 0 : i32
    %dma_start3A_316 = tpu.memref_slice %arg2[%dma_start3A_314, %dma_start3A_315] : memref<1048576x32xf32, #tpu.memory_space<hbm>> -> memref<1048576x32xf32, #tpu.memory_space<hbm>>
    tpu.enqueue_indirect_dma source(%dma_start3A_316 : memref<1048576x32xf32, #tpu.memory_space<hbm>>) target(%dma_start3A_310 : memref<128x32xf32, #tpu.memory_space<vmem>>) offsets(%dma_start3A_313 : memref<128xi32, #tpu.memory_space<vmem>>) semaphore(%arg15 : memref<!tpu.dma_semaphore, #tpu.memory_space<semaphore_mem>>)
    %dma_start3A_317 = arith.constant 3 : i32
    %dma_start3A_318 = arith.constant 3 : i32
    %dma_start3A_319 = arith.constant 128 : i32
    %dma_start3A_320 = arith.constant 0 : i32
    %dma_start3A_321 = tpu.memref_slice %arg11[%dma_start3A_318, %dma_start3A_319, %dma_start3A_320] : memref<4x256x32xf32, #tpu.memory_space<vmem>> -> memref<1x128x32xf32, #tpu.memory_space<vmem>>
    %dma_start3A_322 = tpu.memref_squeeze %dma_start3A_321 : memref<1x128x32xf32, #tpu.memory_space<vmem>> -> memref<128x32xf32, #tpu.memory_space<vmem>>
    %dma_start3A_323 = arith.constant 128 : i32
    %dma_start3A_324 = tpu.memref_slice %arg7[%dma_start3A_317, %dma_start3A_323] : memref<4x256xi32, #tpu.memory_space<vmem>> -> memref<1x128xi32, #tpu.memory_space<vmem>>
    %dma_start3A_325 = tpu.memref_squeeze %dma_start3A_324 : memref<1x128xi32, #tpu.memory_space<vmem>> -> memref<128xi32, #tpu.memory_space<vmem>>
    %dma_start3A_326 = arith.constant 0 : i32
    %dma_start3A_327 = arith.constant 0 : i32
    %dma_start3A_328 = tpu.memref_slice %arg2[%dma_start3A_326, %dma_start3A_327] : memref<1048576x32xf32, #tpu.memory_space<hbm>> -> memref<1048576x32xf32, #tpu.memory_space<hbm>>
    tpu.enqueue_indirect_dma source(%dma_start3A_328 : memref<1048576x32xf32, #tpu.memory_space<hbm>>) target(%dma_start3A_322 : memref<128x32xf32, #tpu.memory_space<vmem>>) offsets(%dma_start3A_325 : memref<128xi32, #tpu.memory_space<vmem>>) semaphore(%arg15 : memref<!tpu.dma_semaphore, #tpu.memory_space<semaphore_mem>>)
    %add3A_329 = arith.constant 0 : i32
    %add3A_330 = arith.addi %mul3A_2, %add3A_329 : i32
    %shift_right_logical3A = arith.constant 18 : i32
    %shift_right_logical3A_331 = arith.shrui %add3A_330, %shift_right_logical3A : i32
    %and3A = arith.constant 262143 : i32
    %and3A_332 = arith.andi %add3A_330, %and3A : i32
    %multiple_of3A = tpu.assume_multiple %and3A_332, 256 : i32
    %mul3A_333 = arith.constant 32 : i32
    %mul3A_334 = arith.muli %shift_right_logical3A_331, %mul3A_333 : i32
    %dma_start3A_335 = tpu.memref_slice %arg5[%mul3A_334, %multiple_of3A] : memref<128x262144xf32, #tpu.memory_space<hbm>> -> memref<32x256xf32, #tpu.memory_space<hbm>>
    %dma_start3A_336 = tpu.memref_slice %arg5[%mul3A_334, %multiple_of3A] : memref<128x262144xf32, #tpu.memory_space<hbm>> -> memref<32x256xf32, #tpu.memory_space<hbm>>
    tpu.enqueue_dma source(%arg12 : memref<32x256xf32, #tpu.memory_space<vmem>>) target(%dma_start3A_336 : memref<32x256xf32, #tpu.memory_space<hbm>>) target_semaphore(%arg16 : memref<!tpu.dma_semaphore, #tpu.memory_space<semaphore_mem>>)
    %add3A_337 = arith.constant 512 : i32
    %add3A_338 = arith.addi %mul3A_2, %add3A_337 : i32
    %dma_start3A_339 = arith.constant 0 : i32
    %dma_start3A_340 = tpu.memref_slice %arg3[%dma_start3A_339, %add3A_338] : memref<4x1048576xi32, #tpu.memory_space<hbm>> -> memref<4x256xi32, #tpu.memory_space<hbm>>
    %dma_start3A_341 = arith.constant 0 : i32
    %dma_start3A_342 = tpu.memref_slice %arg3[%dma_start3A_341, %add3A_338] : memref<4x1048576xi32, #tpu.memory_space<hbm>> -> memref<4x256xi32, #tpu.memory_space<hbm>>
    tpu.enqueue_dma source(%dma_start3A_342 : memref<4x256xi32, #tpu.memory_space<hbm>>) target(%arg6 : memref<4x256xi32, #tpu.memory_space<vmem>>) target_semaphore(%arg14 : memref<!tpu.dma_semaphore, #tpu.memory_space<semaphore_mem>>)
    %dma_start3A_343 = arith.constant 0 : i32
    %dma_start3A_344 = tpu.memref_slice %arg4[%dma_start3A_343, %add3A_338] : memref<4x1048576xf32, #tpu.memory_space<hbm>> -> memref<4x256xf32, #tpu.memory_space<hbm>>
    %dma_start3A_345 = arith.constant 0 : i32
    %dma_start3A_346 = tpu.memref_slice %arg4[%dma_start3A_345, %add3A_338] : memref<4x1048576xf32, #tpu.memory_space<hbm>> -> memref<4x256xf32, #tpu.memory_space<hbm>>
    tpu.enqueue_dma source(%dma_start3A_346 : memref<4x256xf32, #tpu.memory_space<hbm>>) target(%arg8 : memref<4x256xf32, #tpu.memory_space<vmem>>) target_semaphore(%arg14 : memref<!tpu.dma_semaphore, #tpu.memory_space<semaphore_mem>>)
    %dma_wait3A_347 = arith.constant 0 : i32
    %dma_wait3A_348 = arith.constant 0 : i32
    %dma_wait3A_349 = arith.constant 0 : i32
    %dma_wait3A_350 = arith.constant 0 : i32
    %dma_wait3A_351 = tpu.memref_slice %arg11[%dma_wait3A_348, %dma_wait3A_349, %dma_wait3A_350] : memref<4x256x32xf32, #tpu.memory_space<vmem>> -> memref<1x128x32xf32, #tpu.memory_space<vmem>>
    %dma_wait3A_352 = tpu.memref_squeeze %dma_wait3A_351 : memref<1x128x32xf32, #tpu.memory_space<vmem>> -> memref<128x32xf32, #tpu.memory_space<vmem>>
    %dma_wait3A_353 = arith.constant 0 : i32
    %dma_wait3A_354 = tpu.memref_slice %arg7[%dma_wait3A_347, %dma_wait3A_353] : memref<4x256xi32, #tpu.memory_space<vmem>> -> memref<1x128xi32, #tpu.memory_space<vmem>>
    %dma_wait3A_355 = tpu.memref_squeeze %dma_wait3A_354 : memref<1x128xi32, #tpu.memory_space<vmem>> -> memref<128xi32, #tpu.memory_space<vmem>>
    %dma_wait3A_356 = arith.constant 0 : i32
    %dma_wait3A_357 = arith.constant 0 : i32
    %dma_wait3A_358 = tpu.memref_slice %arg2[%dma_wait3A_356, %dma_wait3A_357] : memref<1048576x32xf32, #tpu.memory_space<hbm>> -> memref<1048576x32xf32, #tpu.memory_space<hbm>>
    tpu.wait_indirect_dma semaphore(%arg15 : memref<!tpu.dma_semaphore, #tpu.memory_space<semaphore_mem>>) src(%dma_wait3A_358 : memref<1048576x32xf32, #tpu.memory_space<hbm>>) dst(%dma_wait3A_352 : memref<128x32xf32, #tpu.memory_space<vmem>>)
    %dma_wait3A_359 = arith.constant 0 : i32
    %dma_wait3A_360 = arith.constant 0 : i32
    %dma_wait3A_361 = arith.constant 128 : i32
    %dma_wait3A_362 = arith.constant 0 : i32
    %dma_wait3A_363 = tpu.memref_slice %arg11[%dma_wait3A_360, %dma_wait3A_361, %dma_wait3A_362] : memref<4x256x32xf32, #tpu.memory_space<vmem>> -> memref<1x128x32xf32, #tpu.memory_space<vmem>>
    %dma_wait3A_364 = tpu.memref_squeeze %dma_wait3A_363 : memref<1x128x32xf32, #tpu.memory_space<vmem>> -> memref<128x32xf32, #tpu.memory_space<vmem>>
    %dma_wait3A_365 = arith.constant 128 : i32
    %dma_wait3A_366 = tpu.memref_slice %arg7[%dma_wait3A_359, %dma_wait3A_365] : memref<4x256xi32, #tpu.memory_space<vmem>> -> memref<1x128xi32, #tpu.memory_space<vmem>>
    %dma_wait3A_367 = tpu.memref_squeeze %dma_wait3A_366 : memref<1x128xi32, #tpu.memory_space<vmem>> -> memref<128xi32, #tpu.memory_space<vmem>>
    %dma_wait3A_368 = arith.constant 0 : i32
    %dma_wait3A_369 = arith.constant 0 : i32
    %dma_wait3A_370 = tpu.memref_slice %arg2[%dma_wait3A_368, %dma_wait3A_369] : memref<1048576x32xf32, #tpu.memory_space<hbm>> -> memref<1048576x32xf32, #tpu.memory_space<hbm>>
    tpu.wait_indirect_dma semaphore(%arg15 : memref<!tpu.dma_semaphore, #tpu.memory_space<semaphore_mem>>) src(%dma_wait3A_370 : memref<1048576x32xf32, #tpu.memory_space<hbm>>) dst(%dma_wait3A_364 : memref<128x32xf32, #tpu.memory_space<vmem>>)
    %dma_wait3A_371 = arith.constant 1 : i32
    %dma_wait3A_372 = arith.constant 1 : i32
    %dma_wait3A_373 = arith.constant 0 : i32
    %dma_wait3A_374 = arith.constant 0 : i32
    %dma_wait3A_375 = tpu.memref_slice %arg11[%dma_wait3A_372, %dma_wait3A_373, %dma_wait3A_374] : memref<4x256x32xf32, #tpu.memory_space<vmem>> -> memref<1x128x32xf32, #tpu.memory_space<vmem>>
    %dma_wait3A_376 = tpu.memref_squeeze %dma_wait3A_375 : memref<1x128x32xf32, #tpu.memory_space<vmem>> -> memref<128x32xf32, #tpu.memory_space<vmem>>
    %dma_wait3A_377 = arith.constant 0 : i32
    %dma_wait3A_378 = tpu.memref_slice %arg7[%dma_wait3A_371, %dma_wait3A_377] : memref<4x256xi32, #tpu.memory_space<vmem>> -> memref<1x128xi32, #tpu.memory_space<vmem>>
    %dma_wait3A_379 = tpu.memref_squeeze %dma_wait3A_378 : memref<1x128xi32, #tpu.memory_space<vmem>> -> memref<128xi32, #tpu.memory_space<vmem>>
    %dma_wait3A_380 = arith.constant 0 : i32
    %dma_wait3A_381 = arith.constant 0 : i32
    %dma_wait3A_382 = tpu.memref_slice %arg2[%dma_wait3A_380, %dma_wait3A_381] : memref<1048576x32xf32, #tpu.memory_space<hbm>> -> memref<1048576x32xf32, #tpu.memory_space<hbm>>
    tpu.wait_indirect_dma semaphore(%arg15 : memref<!tpu.dma_semaphore, #tpu.memory_space<semaphore_mem>>) src(%dma_wait3A_382 : memref<1048576x32xf32, #tpu.memory_space<hbm>>) dst(%dma_wait3A_376 : memref<128x32xf32, #tpu.memory_space<vmem>>)
    %dma_wait3A_383 = arith.constant 1 : i32
    %dma_wait3A_384 = arith.constant 1 : i32
    %dma_wait3A_385 = arith.constant 128 : i32
    %dma_wait3A_386 = arith.constant 0 : i32
    %dma_wait3A_387 = tpu.memref_slice %arg11[%dma_wait3A_384, %dma_wait3A_385, %dma_wait3A_386] : memref<4x256x32xf32, #tpu.memory_space<vmem>> -> memref<1x128x32xf32, #tpu.memory_space<vmem>>
    %dma_wait3A_388 = tpu.memref_squeeze %dma_wait3A_387 : memref<1x128x32xf32, #tpu.memory_space<vmem>> -> memref<128x32xf32, #tpu.memory_space<vmem>>
    %dma_wait3A_389 = arith.constant 128 : i32
    %dma_wait3A_390 = tpu.memref_slice %arg7[%dma_wait3A_383, %dma_wait3A_389] : memref<4x256xi32, #tpu.memory_space<vmem>> -> memref<1x128xi32, #tpu.memory_space<vmem>>
    %dma_wait3A_391 = tpu.memref_squeeze %dma_wait3A_390 : memref<1x128xi32, #tpu.memory_space<vmem>> -> memref<128xi32, #tpu.memory_space<vmem>>
    %dma_wait3A_392 = arith.constant 0 : i32
    %dma_wait3A_393 = arith.constant 0 : i32
    %dma_wait3A_394 = tpu.memref_slice %arg2[%dma_wait3A_392, %dma_wait3A_393] : memref<1048576x32xf32, #tpu.memory_space<hbm>> -> memref<1048576x32xf32, #tpu.memory_space<hbm>>
    tpu.wait_indirect_dma semaphore(%arg15 : memref<!tpu.dma_semaphore, #tpu.memory_space<semaphore_mem>>) src(%dma_wait3A_394 : memref<1048576x32xf32, #tpu.memory_space<hbm>>) dst(%dma_wait3A_388 : memref<128x32xf32, #tpu.memory_space<vmem>>)
    %dma_wait3A_395 = arith.constant 2 : i32
    %dma_wait3A_396 = arith.constant 2 : i32
    %dma_wait3A_397 = arith.constant 0 : i32
    %dma_wait3A_398 = arith.constant 0 : i32
    %dma_wait3A_399 = tpu.memref_slice %arg11[%dma_wait3A_396, %dma_wait3A_397, %dma_wait3A_398] : memref<4x256x32xf32, #tpu.memory_space<vmem>> -> memref<1x128x32xf32, #tpu.memory_space<vmem>>
    %dma_wait3A_400 = tpu.memref_squeeze %dma_wait3A_399 : memref<1x128x32xf32, #tpu.memory_space<vmem>> -> memref<128x32xf32, #tpu.memory_space<vmem>>
    %dma_wait3A_401 = arith.constant 0 : i32
    %dma_wait3A_402 = tpu.memref_slice %arg7[%dma_wait3A_395, %dma_wait3A_401] : memref<4x256xi32, #tpu.memory_space<vmem>> -> memref<1x128xi32, #tpu.memory_space<vmem>>
    %dma_wait3A_403 = tpu.memref_squeeze %dma_wait3A_402 : memref<1x128xi32, #tpu.memory_space<vmem>> -> memref<128xi32, #tpu.memory_space<vmem>>
    %dma_wait3A_404 = arith.constant 0 : i32
    %dma_wait3A_405 = arith.constant 0 : i32
    %dma_wait3A_406 = tpu.memref_slice %arg2[%dma_wait3A_404, %dma_wait3A_405] : memref<1048576x32xf32, #tpu.memory_space<hbm>> -> memref<1048576x32xf32, #tpu.memory_space<hbm>>
    tpu.wait_indirect_dma semaphore(%arg15 : memref<!tpu.dma_semaphore, #tpu.memory_space<semaphore_mem>>) src(%dma_wait3A_406 : memref<1048576x32xf32, #tpu.memory_space<hbm>>) dst(%dma_wait3A_400 : memref<128x32xf32, #tpu.memory_space<vmem>>)
    %dma_wait3A_407 = arith.constant 2 : i32
    %dma_wait3A_408 = arith.constant 2 : i32
    %dma_wait3A_409 = arith.constant 128 : i32
    %dma_wait3A_410 = arith.constant 0 : i32
    %dma_wait3A_411 = tpu.memref_slice %arg11[%dma_wait3A_408, %dma_wait3A_409, %dma_wait3A_410] : memref<4x256x32xf32, #tpu.memory_space<vmem>> -> memref<1x128x32xf32, #tpu.memory_space<vmem>>
    %dma_wait3A_412 = tpu.memref_squeeze %dma_wait3A_411 : memref<1x128x32xf32, #tpu.memory_space<vmem>> -> memref<128x32xf32, #tpu.memory_space<vmem>>
    %dma_wait3A_413 = arith.constant 128 : i32
    %dma_wait3A_414 = tpu.memref_slice %arg7[%dma_wait3A_407, %dma_wait3A_413] : memref<4x256xi32, #tpu.memory_space<vmem>> -> memref<1x128xi32, #tpu.memory_space<vmem>>
    %dma_wait3A_415 = tpu.memref_squeeze %dma_wait3A_414 : memref<1x128xi32, #tpu.memory_space<vmem>> -> memref<128xi32, #tpu.memory_space<vmem>>
    %dma_wait3A_416 = arith.constant 0 : i32
    %dma_wait3A_417 = arith.constant 0 : i32
    %dma_wait3A_418 = tpu.memref_slice %arg2[%dma_wait3A_416, %dma_wait3A_417] : memref<1048576x32xf32, #tpu.memory_space<hbm>> -> memref<1048576x32xf32, #tpu.memory_space<hbm>>
    tpu.wait_indirect_dma semaphore(%arg15 : memref<!tpu.dma_semaphore, #tpu.memory_space<semaphore_mem>>) src(%dma_wait3A_418 : memref<1048576x32xf32, #tpu.memory_space<hbm>>) dst(%dma_wait3A_412 : memref<128x32xf32, #tpu.memory_space<vmem>>)
    %dma_wait3A_419 = arith.constant 3 : i32
    %dma_wait3A_420 = arith.constant 3 : i32
    %dma_wait3A_421 = arith.constant 0 : i32
    %dma_wait3A_422 = arith.constant 0 : i32
    %dma_wait3A_423 = tpu.memref_slice %arg11[%dma_wait3A_420, %dma_wait3A_421, %dma_wait3A_422] : memref<4x256x32xf32, #tpu.memory_space<vmem>> -> memref<1x128x32xf32, #tpu.memory_space<vmem>>
    %dma_wait3A_424 = tpu.memref_squeeze %dma_wait3A_423 : memref<1x128x32xf32, #tpu.memory_space<vmem>> -> memref<128x32xf32, #tpu.memory_space<vmem>>
    %dma_wait3A_425 = arith.constant 0 : i32
    %dma_wait3A_426 = tpu.memref_slice %arg7[%dma_wait3A_419, %dma_wait3A_425] : memref<4x256xi32, #tpu.memory_space<vmem>> -> memref<1x128xi32, #tpu.memory_space<vmem>>
    %dma_wait3A_427 = tpu.memref_squeeze %dma_wait3A_426 : memref<1x128xi32, #tpu.memory_space<vmem>> -> memref<128xi32, #tpu.memory_space<vmem>>
    %dma_wait3A_428 = arith.constant 0 : i32
    %dma_wait3A_429 = arith.constant 0 : i32
    %dma_wait3A_430 = tpu.memref_slice %arg2[%dma_wait3A_428, %dma_wait3A_429] : memref<1048576x32xf32, #tpu.memory_space<hbm>> -> memref<1048576x32xf32, #tpu.memory_space<hbm>>
    tpu.wait_indirect_dma semaphore(%arg15 : memref<!tpu.dma_semaphore, #tpu.memory_space<semaphore_mem>>) src(%dma_wait3A_430 : memref<1048576x32xf32, #tpu.memory_space<hbm>>) dst(%dma_wait3A_424 : memref<128x32xf32, #tpu.memory_space<vmem>>)
    %dma_wait3A_431 = arith.constant 3 : i32
    %dma_wait3A_432 = arith.constant 3 : i32
    %dma_wait3A_433 = arith.constant 128 : i32
    %dma_wait3A_434 = arith.constant 0 : i32
    %dma_wait3A_435 = tpu.memref_slice %arg11[%dma_wait3A_432, %dma_wait3A_433, %dma_wait3A_434] : memref<4x256x32xf32, #tpu.memory_space<vmem>> -> memref<1x128x32xf32, #tpu.memory_space<vmem>>
    %dma_wait3A_436 = tpu.memref_squeeze %dma_wait3A_435 : memref<1x128x32xf32, #tpu.memory_space<vmem>> -> memref<128x32xf32, #tpu.memory_space<vmem>>
    %dma_wait3A_437 = arith.constant 128 : i32
    %dma_wait3A_438 = tpu.memref_slice %arg7[%dma_wait3A_431, %dma_wait3A_437] : memref<4x256xi32, #tpu.memory_space<vmem>> -> memref<1x128xi32, #tpu.memory_space<vmem>>
    %dma_wait3A_439 = tpu.memref_squeeze %dma_wait3A_438 : memref<1x128xi32, #tpu.memory_space<vmem>> -> memref<128xi32, #tpu.memory_space<vmem>>
    %dma_wait3A_440 = arith.constant 0 : i32
    %dma_wait3A_441 = arith.constant 0 : i32
    %dma_wait3A_442 = tpu.memref_slice %arg2[%dma_wait3A_440, %dma_wait3A_441] : memref<1048576x32xf32, #tpu.memory_space<hbm>> -> memref<1048576x32xf32, #tpu.memory_space<hbm>>
    tpu.wait_indirect_dma semaphore(%arg15 : memref<!tpu.dma_semaphore, #tpu.memory_space<semaphore_mem>>) src(%dma_wait3A_442 : memref<1048576x32xf32, #tpu.memory_space<hbm>>) dst(%dma_wait3A_436 : memref<128x32xf32, #tpu.memory_space<vmem>>)
    %add3A_443 = arith.constant 512 : i32
    %add3A_444 = arith.addi %mul3A_2, %add3A_443 : i32
    %dma_wait3A_445 = arith.constant 0 : i32
    %dma_wait3A_446 = tpu.memref_slice %arg3[%dma_wait3A_445, %add3A_444] : memref<4x1048576xi32, #tpu.memory_space<hbm>> -> memref<4x256xi32, #tpu.memory_space<hbm>>
    %dma_wait3A_447 = arith.constant 0 : i32
    %dma_wait3A_448 = tpu.memref_slice %arg3[%dma_wait3A_447, %add3A_444] : memref<4x1048576xi32, #tpu.memory_space<hbm>> -> memref<4x256xi32, #tpu.memory_space<hbm>>
    tpu.wait_dma2 semaphore(%arg14 : memref<!tpu.dma_semaphore, #tpu.memory_space<semaphore_mem>>) src(%dma_wait3A_448 : memref<4x256xi32, #tpu.memory_space<hbm>>) dst(%arg6 : memref<4x256xi32, #tpu.memory_space<vmem>>)
    %dma_wait3A_449 = arith.constant 0 : i32
    %dma_wait3A_450 = tpu.memref_slice %arg4[%dma_wait3A_449, %add3A_444] : memref<4x1048576xf32, #tpu.memory_space<hbm>> -> memref<4x256xf32, #tpu.memory_space<hbm>>
    %dma_wait3A_451 = arith.constant 0 : i32
    %dma_wait3A_452 = tpu.memref_slice %arg4[%dma_wait3A_451, %add3A_444] : memref<4x1048576xf32, #tpu.memory_space<hbm>> -> memref<4x256xf32, #tpu.memory_space<hbm>>
    tpu.wait_dma2 semaphore(%arg14 : memref<!tpu.dma_semaphore, #tpu.memory_space<semaphore_mem>>) src(%dma_wait3A_452 : memref<4x256xf32, #tpu.memory_space<hbm>>) dst(%arg8 : memref<4x256xf32, #tpu.memory_space<vmem>>)
    %dma_start3A_453 = arith.constant 0 : i32
    %dma_start3A_454 = arith.constant 0 : i32
    %dma_start3A_455 = arith.constant 0 : i32
    %dma_start3A_456 = arith.constant 0 : i32
    %dma_start3A_457 = tpu.memref_slice %arg10[%dma_start3A_454, %dma_start3A_455, %dma_start3A_456] : memref<4x256x32xf32, #tpu.memory_space<vmem>> -> memref<1x128x32xf32, #tpu.memory_space<vmem>>
    %dma_start3A_458 = tpu.memref_squeeze %dma_start3A_457 : memref<1x128x32xf32, #tpu.memory_space<vmem>> -> memref<128x32xf32, #tpu.memory_space<vmem>>
    %dma_start3A_459 = arith.constant 0 : i32
    %dma_start3A_460 = tpu.memref_slice %arg6[%dma_start3A_453, %dma_start3A_459] : memref<4x256xi32, #tpu.memory_space<vmem>> -> memref<1x128xi32, #tpu.memory_space<vmem>>
    %dma_start3A_461 = tpu.memref_squeeze %dma_start3A_460 : memref<1x128xi32, #tpu.memory_space<vmem>> -> memref<128xi32, #tpu.memory_space<vmem>>
    %dma_start3A_462 = arith.constant 0 : i32
    %dma_start3A_463 = arith.constant 0 : i32
    %dma_start3A_464 = tpu.memref_slice %arg2[%dma_start3A_462, %dma_start3A_463] : memref<1048576x32xf32, #tpu.memory_space<hbm>> -> memref<1048576x32xf32, #tpu.memory_space<hbm>>
    tpu.enqueue_indirect_dma source(%dma_start3A_464 : memref<1048576x32xf32, #tpu.memory_space<hbm>>) target(%dma_start3A_458 : memref<128x32xf32, #tpu.memory_space<vmem>>) offsets(%dma_start3A_461 : memref<128xi32, #tpu.memory_space<vmem>>) semaphore(%arg15 : memref<!tpu.dma_semaphore, #tpu.memory_space<semaphore_mem>>)
    %dma_start3A_465 = arith.constant 0 : i32
    %dma_start3A_466 = arith.constant 0 : i32
    %dma_start3A_467 = arith.constant 128 : i32
    %dma_start3A_468 = arith.constant 0 : i32
    %dma_start3A_469 = tpu.memref_slice %arg10[%dma_start3A_466, %dma_start3A_467, %dma_start3A_468] : memref<4x256x32xf32, #tpu.memory_space<vmem>> -> memref<1x128x32xf32, #tpu.memory_space<vmem>>
    %dma_start3A_470 = tpu.memref_squeeze %dma_start3A_469 : memref<1x128x32xf32, #tpu.memory_space<vmem>> -> memref<128x32xf32, #tpu.memory_space<vmem>>
    %dma_start3A_471 = arith.constant 128 : i32
    %dma_start3A_472 = tpu.memref_slice %arg6[%dma_start3A_465, %dma_start3A_471] : memref<4x256xi32, #tpu.memory_space<vmem>> -> memref<1x128xi32, #tpu.memory_space<vmem>>
    %dma_start3A_473 = tpu.memref_squeeze %dma_start3A_472 : memref<1x128xi32, #tpu.memory_space<vmem>> -> memref<128xi32, #tpu.memory_space<vmem>>
    %dma_start3A_474 = arith.constant 0 : i32
    %dma_start3A_475 = arith.constant 0 : i32
    %dma_start3A_476 = tpu.memref_slice %arg2[%dma_start3A_474, %dma_start3A_475] : memref<1048576x32xf32, #tpu.memory_space<hbm>> -> memref<1048576x32xf32, #tpu.memory_space<hbm>>
    tpu.enqueue_indirect_dma source(%dma_start3A_476 : memref<1048576x32xf32, #tpu.memory_space<hbm>>) target(%dma_start3A_470 : memref<128x32xf32, #tpu.memory_space<vmem>>) offsets(%dma_start3A_473 : memref<128xi32, #tpu.memory_space<vmem>>) semaphore(%arg15 : memref<!tpu.dma_semaphore, #tpu.memory_space<semaphore_mem>>)
    %dma_start3A_477 = arith.constant 1 : i32
    %dma_start3A_478 = arith.constant 1 : i32
    %dma_start3A_479 = arith.constant 0 : i32
    %dma_start3A_480 = arith.constant 0 : i32
    %dma_start3A_481 = tpu.memref_slice %arg10[%dma_start3A_478, %dma_start3A_479, %dma_start3A_480] : memref<4x256x32xf32, #tpu.memory_space<vmem>> -> memref<1x128x32xf32, #tpu.memory_space<vmem>>
    %dma_start3A_482 = tpu.memref_squeeze %dma_start3A_481 : memref<1x128x32xf32, #tpu.memory_space<vmem>> -> memref<128x32xf32, #tpu.memory_space<vmem>>
    %dma_start3A_483 = arith.constant 0 : i32
    %dma_start3A_484 = tpu.memref_slice %arg6[%dma_start3A_477, %dma_start3A_483] : memref<4x256xi32, #tpu.memory_space<vmem>> -> memref<1x128xi32, #tpu.memory_space<vmem>>
    %dma_start3A_485 = tpu.memref_squeeze %dma_start3A_484 : memref<1x128xi32, #tpu.memory_space<vmem>> -> memref<128xi32, #tpu.memory_space<vmem>>
    %dma_start3A_486 = arith.constant 0 : i32
    %dma_start3A_487 = arith.constant 0 : i32
    %dma_start3A_488 = tpu.memref_slice %arg2[%dma_start3A_486, %dma_start3A_487] : memref<1048576x32xf32, #tpu.memory_space<hbm>> -> memref<1048576x32xf32, #tpu.memory_space<hbm>>
    tpu.enqueue_indirect_dma source(%dma_start3A_488 : memref<1048576x32xf32, #tpu.memory_space<hbm>>) target(%dma_start3A_482 : memref<128x32xf32, #tpu.memory_space<vmem>>) offsets(%dma_start3A_485 : memref<128xi32, #tpu.memory_space<vmem>>) semaphore(%arg15 : memref<!tpu.dma_semaphore, #tpu.memory_space<semaphore_mem>>)
    %dma_start3A_489 = arith.constant 1 : i32
    %dma_start3A_490 = arith.constant 1 : i32
    %dma_start3A_491 = arith.constant 128 : i32
    %dma_start3A_492 = arith.constant 0 : i32
    %dma_start3A_493 = tpu.memref_slice %arg10[%dma_start3A_490, %dma_start3A_491, %dma_start3A_492] : memref<4x256x32xf32, #tpu.memory_space<vmem>> -> memref<1x128x32xf32, #tpu.memory_space<vmem>>
    %dma_start3A_494 = tpu.memref_squeeze %dma_start3A_493 : memref<1x128x32xf32, #tpu.memory_space<vmem>> -> memref<128x32xf32, #tpu.memory_space<vmem>>
    %dma_start3A_495 = arith.constant 128 : i32
    %dma_start3A_496 = tpu.memref_slice %arg6[%dma_start3A_489, %dma_start3A_495] : memref<4x256xi32, #tpu.memory_space<vmem>> -> memref<1x128xi32, #tpu.memory_space<vmem>>
    %dma_start3A_497 = tpu.memref_squeeze %dma_start3A_496 : memref<1x128xi32, #tpu.memory_space<vmem>> -> memref<128xi32, #tpu.memory_space<vmem>>
    %dma_start3A_498 = arith.constant 0 : i32
    %dma_start3A_499 = arith.constant 0 : i32
    %dma_start3A_500 = tpu.memref_slice %arg2[%dma_start3A_498, %dma_start3A_499] : memref<1048576x32xf32, #tpu.memory_space<hbm>> -> memref<1048576x32xf32, #tpu.memory_space<hbm>>
    tpu.enqueue_indirect_dma source(%dma_start3A_500 : memref<1048576x32xf32, #tpu.memory_space<hbm>>) target(%dma_start3A_494 : memref<128x32xf32, #tpu.memory_space<vmem>>) offsets(%dma_start3A_497 : memref<128xi32, #tpu.memory_space<vmem>>) semaphore(%arg15 : memref<!tpu.dma_semaphore, #tpu.memory_space<semaphore_mem>>)
    %dma_start3A_501 = arith.constant 2 : i32
    %dma_start3A_502 = arith.constant 2 : i32
    %dma_start3A_503 = arith.constant 0 : i32
    %dma_start3A_504 = arith.constant 0 : i32
    %dma_start3A_505 = tpu.memref_slice %arg10[%dma_start3A_502, %dma_start3A_503, %dma_start3A_504] : memref<4x256x32xf32, #tpu.memory_space<vmem>> -> memref<1x128x32xf32, #tpu.memory_space<vmem>>
    %dma_start3A_506 = tpu.memref_squeeze %dma_start3A_505 : memref<1x128x32xf32, #tpu.memory_space<vmem>> -> memref<128x32xf32, #tpu.memory_space<vmem>>
    %dma_start3A_507 = arith.constant 0 : i32
    %dma_start3A_508 = tpu.memref_slice %arg6[%dma_start3A_501, %dma_start3A_507] : memref<4x256xi32, #tpu.memory_space<vmem>> -> memref<1x128xi32, #tpu.memory_space<vmem>>
    %dma_start3A_509 = tpu.memref_squeeze %dma_start3A_508 : memref<1x128xi32, #tpu.memory_space<vmem>> -> memref<128xi32, #tpu.memory_space<vmem>>
    %dma_start3A_510 = arith.constant 0 : i32
    %dma_start3A_511 = arith.constant 0 : i32
    %dma_start3A_512 = tpu.memref_slice %arg2[%dma_start3A_510, %dma_start3A_511] : memref<1048576x32xf32, #tpu.memory_space<hbm>> -> memref<1048576x32xf32, #tpu.memory_space<hbm>>
    tpu.enqueue_indirect_dma source(%dma_start3A_512 : memref<1048576x32xf32, #tpu.memory_space<hbm>>) target(%dma_start3A_506 : memref<128x32xf32, #tpu.memory_space<vmem>>) offsets(%dma_start3A_509 : memref<128xi32, #tpu.memory_space<vmem>>) semaphore(%arg15 : memref<!tpu.dma_semaphore, #tpu.memory_space<semaphore_mem>>)
    %dma_start3A_513 = arith.constant 2 : i32
    %dma_start3A_514 = arith.constant 2 : i32
    %dma_start3A_515 = arith.constant 128 : i32
    %dma_start3A_516 = arith.constant 0 : i32
    %dma_start3A_517 = tpu.memref_slice %arg10[%dma_start3A_514, %dma_start3A_515, %dma_start3A_516] : memref<4x256x32xf32, #tpu.memory_space<vmem>> -> memref<1x128x32xf32, #tpu.memory_space<vmem>>
    %dma_start3A_518 = tpu.memref_squeeze %dma_start3A_517 : memref<1x128x32xf32, #tpu.memory_space<vmem>> -> memref<128x32xf32, #tpu.memory_space<vmem>>
    %dma_start3A_519 = arith.constant 128 : i32
    %dma_start3A_520 = tpu.memref_slice %arg6[%dma_start3A_513, %dma_start3A_519] : memref<4x256xi32, #tpu.memory_space<vmem>> -> memref<1x128xi32, #tpu.memory_space<vmem>>
    %dma_start3A_521 = tpu.memref_squeeze %dma_start3A_520 : memref<1x128xi32, #tpu.memory_space<vmem>> -> memref<128xi32, #tpu.memory_space<vmem>>
    %dma_start3A_522 = arith.constant 0 : i32
    %dma_start3A_523 = arith.constant 0 : i32
    %dma_start3A_524 = tpu.memref_slice %arg2[%dma_start3A_522, %dma_start3A_523] : memref<1048576x32xf32, #tpu.memory_space<hbm>> -> memref<1048576x32xf32, #tpu.memory_space<hbm>>
    tpu.enqueue_indirect_dma source(%dma_start3A_524 : memref<1048576x32xf32, #tpu.memory_space<hbm>>) target(%dma_start3A_518 : memref<128x32xf32, #tpu.memory_space<vmem>>) offsets(%dma_start3A_521 : memref<128xi32, #tpu.memory_space<vmem>>) semaphore(%arg15 : memref<!tpu.dma_semaphore, #tpu.memory_space<semaphore_mem>>)
    %dma_start3A_525 = arith.constant 3 : i32
    %dma_start3A_526 = arith.constant 3 : i32
    %dma_start3A_527 = arith.constant 0 : i32
    %dma_start3A_528 = arith.constant 0 : i32
    %dma_start3A_529 = tpu.memref_slice %arg10[%dma_start3A_526, %dma_start3A_527, %dma_start3A_528] : memref<4x256x32xf32, #tpu.memory_space<vmem>> -> memref<1x128x32xf32, #tpu.memory_space<vmem>>
    %dma_start3A_530 = tpu.memref_squeeze %dma_start3A_529 : memref<1x128x32xf32, #tpu.memory_space<vmem>> -> memref<128x32xf32, #tpu.memory_space<vmem>>
    %dma_start3A_531 = arith.constant 0 : i32
    %dma_start3A_532 = tpu.memref_slice %arg6[%dma_start3A_525, %dma_start3A_531] : memref<4x256xi32, #tpu.memory_space<vmem>> -> memref<1x128xi32, #tpu.memory_space<vmem>>
    %dma_start3A_533 = tpu.memref_squeeze %dma_start3A_532 : memref<1x128xi32, #tpu.memory_space<vmem>> -> memref<128xi32, #tpu.memory_space<vmem>>
    %dma_start3A_534 = arith.constant 0 : i32
    %dma_start3A_535 = arith.constant 0 : i32
    %dma_start3A_536 = tpu.memref_slice %arg2[%dma_start3A_534, %dma_start3A_535] : memref<1048576x32xf32, #tpu.memory_space<hbm>> -> memref<1048576x32xf32, #tpu.memory_space<hbm>>
    tpu.enqueue_indirect_dma source(%dma_start3A_536 : memref<1048576x32xf32, #tpu.memory_space<hbm>>) target(%dma_start3A_530 : memref<128x32xf32, #tpu.memory_space<vmem>>) offsets(%dma_start3A_533 : memref<128xi32, #tpu.memory_space<vmem>>) semaphore(%arg15 : memref<!tpu.dma_semaphore, #tpu.memory_space<semaphore_mem>>)
    %dma_start3A_537 = arith.constant 3 : i32
    %dma_start3A_538 = arith.constant 3 : i32
    %dma_start3A_539 = arith.constant 128 : i32
    %dma_start3A_540 = arith.constant 0 : i32
    %dma_start3A_541 = tpu.memref_slice %arg10[%dma_start3A_538, %dma_start3A_539, %dma_start3A_540] : memref<4x256x32xf32, #tpu.memory_space<vmem>> -> memref<1x128x32xf32, #tpu.memory_space<vmem>>
    %dma_start3A_542 = tpu.memref_squeeze %dma_start3A_541 : memref<1x128x32xf32, #tpu.memory_space<vmem>> -> memref<128x32xf32, #tpu.memory_space<vmem>>
    %dma_start3A_543 = arith.constant 128 : i32
    %dma_start3A_544 = tpu.memref_slice %arg6[%dma_start3A_537, %dma_start3A_543] : memref<4x256xi32, #tpu.memory_space<vmem>> -> memref<1x128xi32, #tpu.memory_space<vmem>>
    %dma_start3A_545 = tpu.memref_squeeze %dma_start3A_544 : memref<1x128xi32, #tpu.memory_space<vmem>> -> memref<128xi32, #tpu.memory_space<vmem>>
    %dma_start3A_546 = arith.constant 0 : i32
    %dma_start3A_547 = arith.constant 0 : i32
    %dma_start3A_548 = tpu.memref_slice %arg2[%dma_start3A_546, %dma_start3A_547] : memref<1048576x32xf32, #tpu.memory_space<hbm>> -> memref<1048576x32xf32, #tpu.memory_space<hbm>>
    tpu.enqueue_indirect_dma source(%dma_start3A_548 : memref<1048576x32xf32, #tpu.memory_space<hbm>>) target(%dma_start3A_542 : memref<128x32xf32, #tpu.memory_space<vmem>>) offsets(%dma_start3A_545 : memref<128xi32, #tpu.memory_space<vmem>>) semaphore(%arg15 : memref<!tpu.dma_semaphore, #tpu.memory_space<semaphore_mem>>)
    %add3A_549 = arith.constant 256 : i32
    %add3A_550 = arith.addi %mul3A_2, %add3A_549 : i32
    %shift_right_logical3A_551 = arith.constant 18 : i32
    %shift_right_logical3A_552 = arith.shrui %add3A_550, %shift_right_logical3A_551 : i32
    %and3A_553 = arith.constant 262143 : i32
    %and3A_554 = arith.andi %add3A_550, %and3A_553 : i32
    %multiple_of3A_555 = tpu.assume_multiple %and3A_554, 256 : i32
    %mul3A_556 = arith.constant 32 : i32
    %mul3A_557 = arith.muli %shift_right_logical3A_552, %mul3A_556 : i32
    %dma_start3A_558 = tpu.memref_slice %arg5[%mul3A_557, %multiple_of3A_555] : memref<128x262144xf32, #tpu.memory_space<hbm>> -> memref<32x256xf32, #tpu.memory_space<hbm>>
    %dma_start3A_559 = tpu.memref_slice %arg5[%mul3A_557, %multiple_of3A_555] : memref<128x262144xf32, #tpu.memory_space<hbm>> -> memref<32x256xf32, #tpu.memory_space<hbm>>
    tpu.enqueue_dma source(%arg13 : memref<32x256xf32, #tpu.memory_space<vmem>>) target(%dma_start3A_559 : memref<32x256xf32, #tpu.memory_space<hbm>>) target_semaphore(%arg16 : memref<!tpu.dma_semaphore, #tpu.memory_space<semaphore_mem>>)
    %add3A_560 = arith.constant 768 : i32
    %add3A_561 = arith.addi %mul3A_2, %add3A_560 : i32
    %dma_start3A_562 = arith.constant 0 : i32
    %dma_start3A_563 = tpu.memref_slice %arg3[%dma_start3A_562, %add3A_561] : memref<4x1048576xi32, #tpu.memory_space<hbm>> -> memref<4x256xi32, #tpu.memory_space<hbm>>
    %dma_start3A_564 = arith.constant 0 : i32
    %dma_start3A_565 = tpu.memref_slice %arg3[%dma_start3A_564, %add3A_561] : memref<4x1048576xi32, #tpu.memory_space<hbm>> -> memref<4x256xi32, #tpu.memory_space<hbm>>
    tpu.enqueue_dma source(%dma_start3A_565 : memref<4x256xi32, #tpu.memory_space<hbm>>) target(%arg7 : memref<4x256xi32, #tpu.memory_space<vmem>>) target_semaphore(%arg14 : memref<!tpu.dma_semaphore, #tpu.memory_space<semaphore_mem>>)
    %dma_start3A_566 = arith.constant 0 : i32
    %dma_start3A_567 = tpu.memref_slice %arg4[%dma_start3A_566, %add3A_561] : memref<4x1048576xf32, #tpu.memory_space<hbm>> -> memref<4x256xf32, #tpu.memory_space<hbm>>
    %dma_start3A_568 = arith.constant 0 : i32
    %dma_start3A_569 = tpu.memref_slice %arg4[%dma_start3A_568, %add3A_561] : memref<4x1048576xf32, #tpu.memory_space<hbm>> -> memref<4x256xf32, #tpu.memory_space<hbm>>
    tpu.enqueue_dma source(%dma_start3A_569 : memref<4x256xf32, #tpu.memory_space<hbm>>) target(%arg9 : memref<4x256xf32, #tpu.memory_space<vmem>>) target_semaphore(%arg14 : memref<!tpu.dma_semaphore, #tpu.memory_space<semaphore_mem>>)
    %scan3A = arith.constant 0 : i32
    %scan3A_570 = arith.constant 0 : i32
    %scan3A_571 = arith.constant 62 : i32
    %scan3A_572 = arith.addi %scan3A_570, %scan3A_571 : i32
    %scan3A_573 = arith.constant 1 : i32
    scf.for %scan3A_939 = %scan3A_570 to %scan3A_572 step %scan3A_573  : i32 {
      %mul3A_940 = arith.constant 2 : i32
      %mul3A_941 = arith.muli %scan3A_939, %mul3A_940 : i32
      %add3A_942 = arith.constant 2 : i32
      %add3A_943 = arith.addi %add3A_942, %mul3A_941 : i32
      %dma_wait3A_944 = arith.constant 0 : i32
      %dma_wait3A_945 = arith.constant 0 : i32
      %dma_wait3A_946 = arith.constant 0 : i32
      %dma_wait3A_947 = arith.constant 0 : i32
      %dma_wait3A_948 = tpu.memref_slice %arg10[%dma_wait3A_945, %dma_wait3A_946, %dma_wait3A_947] : memref<4x256x32xf32, #tpu.memory_space<vmem>> -> memref<1x128x32xf32, #tpu.memory_space<vmem>>
      %dma_wait3A_949 = tpu.memref_squeeze %dma_wait3A_948 : memref<1x128x32xf32, #tpu.memory_space<vmem>> -> memref<128x32xf32, #tpu.memory_space<vmem>>
      %dma_wait3A_950 = arith.constant 0 : i32
      %dma_wait3A_951 = tpu.memref_slice %arg6[%dma_wait3A_944, %dma_wait3A_950] : memref<4x256xi32, #tpu.memory_space<vmem>> -> memref<1x128xi32, #tpu.memory_space<vmem>>
      %dma_wait3A_952 = tpu.memref_squeeze %dma_wait3A_951 : memref<1x128xi32, #tpu.memory_space<vmem>> -> memref<128xi32, #tpu.memory_space<vmem>>
      %dma_wait3A_953 = arith.constant 0 : i32
      %dma_wait3A_954 = arith.constant 0 : i32
      %dma_wait3A_955 = tpu.memref_slice %arg2[%dma_wait3A_953, %dma_wait3A_954] : memref<1048576x32xf32, #tpu.memory_space<hbm>> -> memref<1048576x32xf32, #tpu.memory_space<hbm>>
      tpu.wait_indirect_dma semaphore(%arg15 : memref<!tpu.dma_semaphore, #tpu.memory_space<semaphore_mem>>) src(%dma_wait3A_955 : memref<1048576x32xf32, #tpu.memory_space<hbm>>) dst(%dma_wait3A_949 : memref<128x32xf32, #tpu.memory_space<vmem>>)
      %dma_wait3A_956 = arith.constant 0 : i32
      %dma_wait3A_957 = arith.constant 0 : i32
      %dma_wait3A_958 = arith.constant 128 : i32
      %dma_wait3A_959 = arith.constant 0 : i32
      %dma_wait3A_960 = tpu.memref_slice %arg10[%dma_wait3A_957, %dma_wait3A_958, %dma_wait3A_959] : memref<4x256x32xf32, #tpu.memory_space<vmem>> -> memref<1x128x32xf32, #tpu.memory_space<vmem>>
      %dma_wait3A_961 = tpu.memref_squeeze %dma_wait3A_960 : memref<1x128x32xf32, #tpu.memory_space<vmem>> -> memref<128x32xf32, #tpu.memory_space<vmem>>
      %dma_wait3A_962 = arith.constant 128 : i32
      %dma_wait3A_963 = tpu.memref_slice %arg6[%dma_wait3A_956, %dma_wait3A_962] : memref<4x256xi32, #tpu.memory_space<vmem>> -> memref<1x128xi32, #tpu.memory_space<vmem>>
      %dma_wait3A_964 = tpu.memref_squeeze %dma_wait3A_963 : memref<1x128xi32, #tpu.memory_space<vmem>> -> memref<128xi32, #tpu.memory_space<vmem>>
      %dma_wait3A_965 = arith.constant 0 : i32
      %dma_wait3A_966 = arith.constant 0 : i32
      %dma_wait3A_967 = tpu.memref_slice %arg2[%dma_wait3A_965, %dma_wait3A_966] : memref<1048576x32xf32, #tpu.memory_space<hbm>> -> memref<1048576x32xf32, #tpu.memory_space<hbm>>
      tpu.wait_indirect_dma semaphore(%arg15 : memref<!tpu.dma_semaphore, #tpu.memory_space<semaphore_mem>>) src(%dma_wait3A_967 : memref<1048576x32xf32, #tpu.memory_space<hbm>>) dst(%dma_wait3A_961 : memref<128x32xf32, #tpu.memory_space<vmem>>)
      %dma_wait3A_968 = arith.constant 1 : i32
      %dma_wait3A_969 = arith.constant 1 : i32
      %dma_wait3A_970 = arith.constant 0 : i32
      %dma_wait3A_971 = arith.constant 0 : i32
      %dma_wait3A_972 = tpu.memref_slice %arg10[%dma_wait3A_969, %dma_wait3A_970, %dma_wait3A_971] : memref<4x256x32xf32, #tpu.memory_space<vmem>> -> memref<1x128x32xf32, #tpu.memory_space<vmem>>
      %dma_wait3A_973 = tpu.memref_squeeze %dma_wait3A_972 : memref<1x128x32xf32, #tpu.memory_space<vmem>> -> memref<128x32xf32, #tpu.memory_space<vmem>>
      %dma_wait3A_974 = arith.constant 0 : i32
      %dma_wait3A_975 = tpu.memref_slice %arg6[%dma_wait3A_968, %dma_wait3A_974] : memref<4x256xi32, #tpu.memory_space<vmem>> -> memref<1x128xi32, #tpu.memory_space<vmem>>
      %dma_wait3A_976 = tpu.memref_squeeze %dma_wait3A_975 : memref<1x128xi32, #tpu.memory_space<vmem>> -> memref<128xi32, #tpu.memory_space<vmem>>
      %dma_wait3A_977 = arith.constant 0 : i32
      %dma_wait3A_978 = arith.constant 0 : i32
      %dma_wait3A_979 = tpu.memref_slice %arg2[%dma_wait3A_977, %dma_wait3A_978] : memref<1048576x32xf32, #tpu.memory_space<hbm>> -> memref<1048576x32xf32, #tpu.memory_space<hbm>>
      tpu.wait_indirect_dma semaphore(%arg15 : memref<!tpu.dma_semaphore, #tpu.memory_space<semaphore_mem>>) src(%dma_wait3A_979 : memref<1048576x32xf32, #tpu.memory_space<hbm>>) dst(%dma_wait3A_973 : memref<128x32xf32, #tpu.memory_space<vmem>>)
      %dma_wait3A_980 = arith.constant 1 : i32
      %dma_wait3A_981 = arith.constant 1 : i32
      %dma_wait3A_982 = arith.constant 128 : i32
      %dma_wait3A_983 = arith.constant 0 : i32
      %dma_wait3A_984 = tpu.memref_slice %arg10[%dma_wait3A_981, %dma_wait3A_982, %dma_wait3A_983] : memref<4x256x32xf32, #tpu.memory_space<vmem>> -> memref<1x128x32xf32, #tpu.memory_space<vmem>>
      %dma_wait3A_985 = tpu.memref_squeeze %dma_wait3A_984 : memref<1x128x32xf32, #tpu.memory_space<vmem>> -> memref<128x32xf32, #tpu.memory_space<vmem>>
      %dma_wait3A_986 = arith.constant 128 : i32
      %dma_wait3A_987 = tpu.memref_slice %arg6[%dma_wait3A_980, %dma_wait3A_986] : memref<4x256xi32, #tpu.memory_space<vmem>> -> memref<1x128xi32, #tpu.memory_space<vmem>>
      %dma_wait3A_988 = tpu.memref_squeeze %dma_wait3A_987 : memref<1x128xi32, #tpu.memory_space<vmem>> -> memref<128xi32, #tpu.memory_space<vmem>>
      %dma_wait3A_989 = arith.constant 0 : i32
      %dma_wait3A_990 = arith.constant 0 : i32
      %dma_wait3A_991 = tpu.memref_slice %arg2[%dma_wait3A_989, %dma_wait3A_990] : memref<1048576x32xf32, #tpu.memory_space<hbm>> -> memref<1048576x32xf32, #tpu.memory_space<hbm>>
      tpu.wait_indirect_dma semaphore(%arg15 : memref<!tpu.dma_semaphore, #tpu.memory_space<semaphore_mem>>) src(%dma_wait3A_991 : memref<1048576x32xf32, #tpu.memory_space<hbm>>) dst(%dma_wait3A_985 : memref<128x32xf32, #tpu.memory_space<vmem>>)
      %dma_wait3A_992 = arith.constant 2 : i32
      %dma_wait3A_993 = arith.constant 2 : i32
      %dma_wait3A_994 = arith.constant 0 : i32
      %dma_wait3A_995 = arith.constant 0 : i32
      %dma_wait3A_996 = tpu.memref_slice %arg10[%dma_wait3A_993, %dma_wait3A_994, %dma_wait3A_995] : memref<4x256x32xf32, #tpu.memory_space<vmem>> -> memref<1x128x32xf32, #tpu.memory_space<vmem>>
      %dma_wait3A_997 = tpu.memref_squeeze %dma_wait3A_996 : memref<1x128x32xf32, #tpu.memory_space<vmem>> -> memref<128x32xf32, #tpu.memory_space<vmem>>
      %dma_wait3A_998 = arith.constant 0 : i32
      %dma_wait3A_999 = tpu.memref_slice %arg6[%dma_wait3A_992, %dma_wait3A_998] : memref<4x256xi32, #tpu.memory_space<vmem>> -> memref<1x128xi32, #tpu.memory_space<vmem>>
      %dma_wait3A_1000 = tpu.memref_squeeze %dma_wait3A_999 : memref<1x128xi32, #tpu.memory_space<vmem>> -> memref<128xi32, #tpu.memory_space<vmem>>
      %dma_wait3A_1001 = arith.constant 0 : i32
      %dma_wait3A_1002 = arith.constant 0 : i32
      %dma_wait3A_1003 = tpu.memref_slice %arg2[%dma_wait3A_1001, %dma_wait3A_1002] : memref<1048576x32xf32, #tpu.memory_space<hbm>> -> memref<1048576x32xf32, #tpu.memory_space<hbm>>
      tpu.wait_indirect_dma semaphore(%arg15 : memref<!tpu.dma_semaphore, #tpu.memory_space<semaphore_mem>>) src(%dma_wait3A_1003 : memref<1048576x32xf32, #tpu.memory_space<hbm>>) dst(%dma_wait3A_997 : memref<128x32xf32, #tpu.memory_space<vmem>>)
      %dma_wait3A_1004 = arith.constant 2 : i32
      %dma_wait3A_1005 = arith.constant 2 : i32
      %dma_wait3A_1006 = arith.constant 128 : i32
      %dma_wait3A_1007 = arith.constant 0 : i32
      %dma_wait3A_1008 = tpu.memref_slice %arg10[%dma_wait3A_1005, %dma_wait3A_1006, %dma_wait3A_1007] : memref<4x256x32xf32, #tpu.memory_space<vmem>> -> memref<1x128x32xf32, #tpu.memory_space<vmem>>
      %dma_wait3A_1009 = tpu.memref_squeeze %dma_wait3A_1008 : memref<1x128x32xf32, #tpu.memory_space<vmem>> -> memref<128x32xf32, #tpu.memory_space<vmem>>
      %dma_wait3A_1010 = arith.constant 128 : i32
      %dma_wait3A_1011 = tpu.memref_slice %arg6[%dma_wait3A_1004, %dma_wait3A_1010] : memref<4x256xi32, #tpu.memory_space<vmem>> -> memref<1x128xi32, #tpu.memory_space<vmem>>
      %dma_wait3A_1012 = tpu.memref_squeeze %dma_wait3A_1011 : memref<1x128xi32, #tpu.memory_space<vmem>> -> memref<128xi32, #tpu.memory_space<vmem>>
      %dma_wait3A_1013 = arith.constant 0 : i32
      %dma_wait3A_1014 = arith.constant 0 : i32
      %dma_wait3A_1015 = tpu.memref_slice %arg2[%dma_wait3A_1013, %dma_wait3A_1014] : memref<1048576x32xf32, #tpu.memory_space<hbm>> -> memref<1048576x32xf32, #tpu.memory_space<hbm>>
      tpu.wait_indirect_dma semaphore(%arg15 : memref<!tpu.dma_semaphore, #tpu.memory_space<semaphore_mem>>) src(%dma_wait3A_1015 : memref<1048576x32xf32, #tpu.memory_space<hbm>>) dst(%dma_wait3A_1009 : memref<128x32xf32, #tpu.memory_space<vmem>>)
      %dma_wait3A_1016 = arith.constant 3 : i32
      %dma_wait3A_1017 = arith.constant 3 : i32
      %dma_wait3A_1018 = arith.constant 0 : i32
      %dma_wait3A_1019 = arith.constant 0 : i32
      %dma_wait3A_1020 = tpu.memref_slice %arg10[%dma_wait3A_1017, %dma_wait3A_1018, %dma_wait3A_1019] : memref<4x256x32xf32, #tpu.memory_space<vmem>> -> memref<1x128x32xf32, #tpu.memory_space<vmem>>
      %dma_wait3A_1021 = tpu.memref_squeeze %dma_wait3A_1020 : memref<1x128x32xf32, #tpu.memory_space<vmem>> -> memref<128x32xf32, #tpu.memory_space<vmem>>
      %dma_wait3A_1022 = arith.constant 0 : i32
      %dma_wait3A_1023 = tpu.memref_slice %arg6[%dma_wait3A_1016, %dma_wait3A_1022] : memref<4x256xi32, #tpu.memory_space<vmem>> -> memref<1x128xi32, #tpu.memory_space<vmem>>
      %dma_wait3A_1024 = tpu.memref_squeeze %dma_wait3A_1023 : memref<1x128xi32, #tpu.memory_space<vmem>> -> memref<128xi32, #tpu.memory_space<vmem>>
      %dma_wait3A_1025 = arith.constant 0 : i32
      %dma_wait3A_1026 = arith.constant 0 : i32
      %dma_wait3A_1027 = tpu.memref_slice %arg2[%dma_wait3A_1025, %dma_wait3A_1026] : memref<1048576x32xf32, #tpu.memory_space<hbm>> -> memref<1048576x32xf32, #tpu.memory_space<hbm>>
      tpu.wait_indirect_dma semaphore(%arg15 : memref<!tpu.dma_semaphore, #tpu.memory_space<semaphore_mem>>) src(%dma_wait3A_1027 : memref<1048576x32xf32, #tpu.memory_space<hbm>>) dst(%dma_wait3A_1021 : memref<128x32xf32, #tpu.memory_space<vmem>>)
      %dma_wait3A_1028 = arith.constant 3 : i32
      %dma_wait3A_1029 = arith.constant 3 : i32
      %dma_wait3A_1030 = arith.constant 128 : i32
      %dma_wait3A_1031 = arith.constant 0 : i32
      %dma_wait3A_1032 = tpu.memref_slice %arg10[%dma_wait3A_1029, %dma_wait3A_1030, %dma_wait3A_1031] : memref<4x256x32xf32, #tpu.memory_space<vmem>> -> memref<1x128x32xf32, #tpu.memory_space<vmem>>
      %dma_wait3A_1033 = tpu.memref_squeeze %dma_wait3A_1032 : memref<1x128x32xf32, #tpu.memory_space<vmem>> -> memref<128x32xf32, #tpu.memory_space<vmem>>
      %dma_wait3A_1034 = arith.constant 128 : i32
      %dma_wait3A_1035 = tpu.memref_slice %arg6[%dma_wait3A_1028, %dma_wait3A_1034] : memref<4x256xi32, #tpu.memory_space<vmem>> -> memref<1x128xi32, #tpu.memory_space<vmem>>
      %dma_wait3A_1036 = tpu.memref_squeeze %dma_wait3A_1035 : memref<1x128xi32, #tpu.memory_space<vmem>> -> memref<128xi32, #tpu.memory_space<vmem>>
      %dma_wait3A_1037 = arith.constant 0 : i32
      %dma_wait3A_1038 = arith.constant 0 : i32
      %dma_wait3A_1039 = tpu.memref_slice %arg2[%dma_wait3A_1037, %dma_wait3A_1038] : memref<1048576x32xf32, #tpu.memory_space<hbm>> -> memref<1048576x32xf32, #tpu.memory_space<hbm>>
      tpu.wait_indirect_dma semaphore(%arg15 : memref<!tpu.dma_semaphore, #tpu.memory_space<semaphore_mem>>) src(%dma_wait3A_1039 : memref<1048576x32xf32, #tpu.memory_space<hbm>>) dst(%dma_wait3A_1033 : memref<128x32xf32, #tpu.memory_space<vmem>>)
      %add3A_1040 = arith.constant 1 : i32
      %add3A_1041 = arith.addi %add3A_943, %add3A_1040 : i32
      %mul3A_1042 = arith.constant 256 : i32
      %mul3A_1043 = arith.muli %add3A_1041, %mul3A_1042 : i32
      %add3A_1044 = arith.addi %mul3A_2, %mul3A_1043 : i32
      %dma_wait3A_1045 = arith.constant 0 : i32
      %dma_wait3A_1046 = tpu.memref_slice %arg3[%dma_wait3A_1045, %add3A_1044] : memref<4x1048576xi32, #tpu.memory_space<hbm>> -> memref<4x256xi32, #tpu.memory_space<hbm>>
      %dma_wait3A_1047 = arith.constant 0 : i32
      %dma_wait3A_1048 = tpu.memref_slice %arg3[%dma_wait3A_1047, %add3A_1044] : memref<4x1048576xi32, #tpu.memory_space<hbm>> -> memref<4x256xi32, #tpu.memory_space<hbm>>
      tpu.wait_dma2 semaphore(%arg14 : memref<!tpu.dma_semaphore, #tpu.memory_space<semaphore_mem>>) src(%dma_wait3A_1048 : memref<4x256xi32, #tpu.memory_space<hbm>>) dst(%arg7 : memref<4x256xi32, #tpu.memory_space<vmem>>)
      %dma_wait3A_1049 = arith.constant 0 : i32
      %dma_wait3A_1050 = tpu.memref_slice %arg4[%dma_wait3A_1049, %add3A_1044] : memref<4x1048576xf32, #tpu.memory_space<hbm>> -> memref<4x256xf32, #tpu.memory_space<hbm>>
      %dma_wait3A_1051 = arith.constant 0 : i32
      %dma_wait3A_1052 = tpu.memref_slice %arg4[%dma_wait3A_1051, %add3A_1044] : memref<4x1048576xf32, #tpu.memory_space<hbm>> -> memref<4x256xf32, #tpu.memory_space<hbm>>
      tpu.wait_dma2 semaphore(%arg14 : memref<!tpu.dma_semaphore, #tpu.memory_space<semaphore_mem>>) src(%dma_wait3A_1052 : memref<4x256xf32, #tpu.memory_space<hbm>>) dst(%arg9 : memref<4x256xf32, #tpu.memory_space<vmem>>)
      %dma_start3A_1053 = arith.constant 0 : i32
      %dma_start3A_1054 = arith.constant 0 : i32
      %dma_start3A_1055 = arith.constant 0 : i32
      %dma_start3A_1056 = arith.constant 0 : i32
      %dma_start3A_1057 = tpu.memref_slice %arg11[%dma_start3A_1054, %dma_start3A_1055, %dma_start3A_1056] : memref<4x256x32xf32, #tpu.memory_space<vmem>> -> memref<1x128x32xf32, #tpu.memory_space<vmem>>
      %dma_start3A_1058 = tpu.memref_squeeze %dma_start3A_1057 : memref<1x128x32xf32, #tpu.memory_space<vmem>> -> memref<128x32xf32, #tpu.memory_space<vmem>>
      %dma_start3A_1059 = arith.constant 0 : i32
      %dma_start3A_1060 = tpu.memref_slice %arg7[%dma_start3A_1053, %dma_start3A_1059] : memref<4x256xi32, #tpu.memory_space<vmem>> -> memref<1x128xi32, #tpu.memory_space<vmem>>
      %dma_start3A_1061 = tpu.memref_squeeze %dma_start3A_1060 : memref<1x128xi32, #tpu.memory_space<vmem>> -> memref<128xi32, #tpu.memory_space<vmem>>
      %dma_start3A_1062 = arith.constant 0 : i32
      %dma_start3A_1063 = arith.constant 0 : i32
      %dma_start3A_1064 = tpu.memref_slice %arg2[%dma_start3A_1062, %dma_start3A_1063] : memref<1048576x32xf32, #tpu.memory_space<hbm>> -> memref<1048576x32xf32, #tpu.memory_space<hbm>>
      tpu.enqueue_indirect_dma source(%dma_start3A_1064 : memref<1048576x32xf32, #tpu.memory_space<hbm>>) target(%dma_start3A_1058 : memref<128x32xf32, #tpu.memory_space<vmem>>) offsets(%dma_start3A_1061 : memref<128xi32, #tpu.memory_space<vmem>>) semaphore(%arg15 : memref<!tpu.dma_semaphore, #tpu.memory_space<semaphore_mem>>)
      %dma_start3A_1065 = arith.constant 0 : i32
      %dma_start3A_1066 = arith.constant 0 : i32
      %dma_start3A_1067 = arith.constant 128 : i32
      %dma_start3A_1068 = arith.constant 0 : i32
      %dma_start3A_1069 = tpu.memref_slice %arg11[%dma_start3A_1066, %dma_start3A_1067, %dma_start3A_1068] : memref<4x256x32xf32, #tpu.memory_space<vmem>> -> memref<1x128x32xf32, #tpu.memory_space<vmem>>
      %dma_start3A_1070 = tpu.memref_squeeze %dma_start3A_1069 : memref<1x128x32xf32, #tpu.memory_space<vmem>> -> memref<128x32xf32, #tpu.memory_space<vmem>>
      %dma_start3A_1071 = arith.constant 128 : i32
      %dma_start3A_1072 = tpu.memref_slice %arg7[%dma_start3A_1065, %dma_start3A_1071] : memref<4x256xi32, #tpu.memory_space<vmem>> -> memref<1x128xi32, #tpu.memory_space<vmem>>
      %dma_start3A_1073 = tpu.memref_squeeze %dma_start3A_1072 : memref<1x128xi32, #tpu.memory_space<vmem>> -> memref<128xi32, #tpu.memory_space<vmem>>
      %dma_start3A_1074 = arith.constant 0 : i32
      %dma_start3A_1075 = arith.constant 0 : i32
      %dma_start3A_1076 = tpu.memref_slice %arg2[%dma_start3A_1074, %dma_start3A_1075] : memref<1048576x32xf32, #tpu.memory_space<hbm>> -> memref<1048576x32xf32, #tpu.memory_space<hbm>>
      tpu.enqueue_indirect_dma source(%dma_start3A_1076 : memref<1048576x32xf32, #tpu.memory_space<hbm>>) target(%dma_start3A_1070 : memref<128x32xf32, #tpu.memory_space<vmem>>) offsets(%dma_start3A_1073 : memref<128xi32, #tpu.memory_space<vmem>>) semaphore(%arg15 : memref<!tpu.dma_semaphore, #tpu.memory_space<semaphore_mem>>)
      %dma_start3A_1077 = arith.constant 1 : i32
      %dma_start3A_1078 = arith.constant 1 : i32
      %dma_start3A_1079 = arith.constant 0 : i32
      %dma_start3A_1080 = arith.constant 0 : i32
      %dma_start3A_1081 = tpu.memref_slice %arg11[%dma_start3A_1078, %dma_start3A_1079, %dma_start3A_1080] : memref<4x256x32xf32, #tpu.memory_space<vmem>> -> memref<1x128x32xf32, #tpu.memory_space<vmem>>
      %dma_start3A_1082 = tpu.memref_squeeze %dma_start3A_1081 : memref<1x128x32xf32, #tpu.memory_space<vmem>> -> memref<128x32xf32, #tpu.memory_space<vmem>>
      %dma_start3A_1083 = arith.constant 0 : i32
      %dma_start3A_1084 = tpu.memref_slice %arg7[%dma_start3A_1077, %dma_start3A_1083] : memref<4x256xi32, #tpu.memory_space<vmem>> -> memref<1x128xi32, #tpu.memory_space<vmem>>
      %dma_start3A_1085 = tpu.memref_squeeze %dma_start3A_1084 : memref<1x128xi32, #tpu.memory_space<vmem>> -> memref<128xi32, #tpu.memory_space<vmem>>
      %dma_start3A_1086 = arith.constant 0 : i32
      %dma_start3A_1087 = arith.constant 0 : i32
      %dma_start3A_1088 = tpu.memref_slice %arg2[%dma_start3A_1086, %dma_start3A_1087] : memref<1048576x32xf32, #tpu.memory_space<hbm>> -> memref<1048576x32xf32, #tpu.memory_space<hbm>>
      tpu.enqueue_indirect_dma source(%dma_start3A_1088 : memref<1048576x32xf32, #tpu.memory_space<hbm>>) target(%dma_start3A_1082 : memref<128x32xf32, #tpu.memory_space<vmem>>) offsets(%dma_start3A_1085 : memref<128xi32, #tpu.memory_space<vmem>>) semaphore(%arg15 : memref<!tpu.dma_semaphore, #tpu.memory_space<semaphore_mem>>)
      %dma_start3A_1089 = arith.constant 1 : i32
      %dma_start3A_1090 = arith.constant 1 : i32
      %dma_start3A_1091 = arith.constant 128 : i32
      %dma_start3A_1092 = arith.constant 0 : i32
      %dma_start3A_1093 = tpu.memref_slice %arg11[%dma_start3A_1090, %dma_start3A_1091, %dma_start3A_1092] : memref<4x256x32xf32, #tpu.memory_space<vmem>> -> memref<1x128x32xf32, #tpu.memory_space<vmem>>
      %dma_start3A_1094 = tpu.memref_squeeze %dma_start3A_1093 : memref<1x128x32xf32, #tpu.memory_space<vmem>> -> memref<128x32xf32, #tpu.memory_space<vmem>>
      %dma_start3A_1095 = arith.constant 128 : i32
      %dma_start3A_1096 = tpu.memref_slice %arg7[%dma_start3A_1089, %dma_start3A_1095] : memref<4x256xi32, #tpu.memory_space<vmem>> -> memref<1x128xi32, #tpu.memory_space<vmem>>
      %dma_start3A_1097 = tpu.memref_squeeze %dma_start3A_1096 : memref<1x128xi32, #tpu.memory_space<vmem>> -> memref<128xi32, #tpu.memory_space<vmem>>
      %dma_start3A_1098 = arith.constant 0 : i32
      %dma_start3A_1099 = arith.constant 0 : i32
      %dma_start3A_1100 = tpu.memref_slice %arg2[%dma_start3A_1098, %dma_start3A_1099] : memref<1048576x32xf32, #tpu.memory_space<hbm>> -> memref<1048576x32xf32, #tpu.memory_space<hbm>>
      tpu.enqueue_indirect_dma source(%dma_start3A_1100 : memref<1048576x32xf32, #tpu.memory_space<hbm>>) target(%dma_start3A_1094 : memref<128x32xf32, #tpu.memory_space<vmem>>) offsets(%dma_start3A_1097 : memref<128xi32, #tpu.memory_space<vmem>>) semaphore(%arg15 : memref<!tpu.dma_semaphore, #tpu.memory_space<semaphore_mem>>)
      %dma_start3A_1101 = arith.constant 2 : i32
      %dma_start3A_1102 = arith.constant 2 : i32
      %dma_start3A_1103 = arith.constant 0 : i32
      %dma_start3A_1104 = arith.constant 0 : i32
      %dma_start3A_1105 = tpu.memref_slice %arg11[%dma_start3A_1102, %dma_start3A_1103, %dma_start3A_1104] : memref<4x256x32xf32, #tpu.memory_space<vmem>> -> memref<1x128x32xf32, #tpu.memory_space<vmem>>
      %dma_start3A_1106 = tpu.memref_squeeze %dma_start3A_1105 : memref<1x128x32xf32, #tpu.memory_space<vmem>> -> memref<128x32xf32, #tpu.memory_space<vmem>>
      %dma_start3A_1107 = arith.constant 0 : i32
      %dma_start3A_1108 = tpu.memref_slice %arg7[%dma_start3A_1101, %dma_start3A_1107] : memref<4x256xi32, #tpu.memory_space<vmem>> -> memref<1x128xi32, #tpu.memory_space<vmem>>
      %dma_start3A_1109 = tpu.memref_squeeze %dma_start3A_1108 : memref<1x128xi32, #tpu.memory_space<vmem>> -> memref<128xi32, #tpu.memory_space<vmem>>
      %dma_start3A_1110 = arith.constant 0 : i32
      %dma_start3A_1111 = arith.constant 0 : i32
      %dma_start3A_1112 = tpu.memref_slice %arg2[%dma_start3A_1110, %dma_start3A_1111] : memref<1048576x32xf32, #tpu.memory_space<hbm>> -> memref<1048576x32xf32, #tpu.memory_space<hbm>>
      tpu.enqueue_indirect_dma source(%dma_start3A_1112 : memref<1048576x32xf32, #tpu.memory_space<hbm>>) target(%dma_start3A_1106 : memref<128x32xf32, #tpu.memory_space<vmem>>) offsets(%dma_start3A_1109 : memref<128xi32, #tpu.memory_space<vmem>>) semaphore(%arg15 : memref<!tpu.dma_semaphore, #tpu.memory_space<semaphore_mem>>)
      %dma_start3A_1113 = arith.constant 2 : i32
      %dma_start3A_1114 = arith.constant 2 : i32
      %dma_start3A_1115 = arith.constant 128 : i32
      %dma_start3A_1116 = arith.constant 0 : i32
      %dma_start3A_1117 = tpu.memref_slice %arg11[%dma_start3A_1114, %dma_start3A_1115, %dma_start3A_1116] : memref<4x256x32xf32, #tpu.memory_space<vmem>> -> memref<1x128x32xf32, #tpu.memory_space<vmem>>
      %dma_start3A_1118 = tpu.memref_squeeze %dma_start3A_1117 : memref<1x128x32xf32, #tpu.memory_space<vmem>> -> memref<128x32xf32, #tpu.memory_space<vmem>>
      %dma_start3A_1119 = arith.constant 128 : i32
      %dma_start3A_1120 = tpu.memref_slice %arg7[%dma_start3A_1113, %dma_start3A_1119] : memref<4x256xi32, #tpu.memory_space<vmem>> -> memref<1x128xi32, #tpu.memory_space<vmem>>
      %dma_start3A_1121 = tpu.memref_squeeze %dma_start3A_1120 : memref<1x128xi32, #tpu.memory_space<vmem>> -> memref<128xi32, #tpu.memory_space<vmem>>
      %dma_start3A_1122 = arith.constant 0 : i32
      %dma_start3A_1123 = arith.constant 0 : i32
      %dma_start3A_1124 = tpu.memref_slice %arg2[%dma_start3A_1122, %dma_start3A_1123] : memref<1048576x32xf32, #tpu.memory_space<hbm>> -> memref<1048576x32xf32, #tpu.memory_space<hbm>>
      tpu.enqueue_indirect_dma source(%dma_start3A_1124 : memref<1048576x32xf32, #tpu.memory_space<hbm>>) target(%dma_start3A_1118 : memref<128x32xf32, #tpu.memory_space<vmem>>) offsets(%dma_start3A_1121 : memref<128xi32, #tpu.memory_space<vmem>>) semaphore(%arg15 : memref<!tpu.dma_semaphore, #tpu.memory_space<semaphore_mem>>)
      %dma_start3A_1125 = arith.constant 3 : i32
      %dma_start3A_1126 = arith.constant 3 : i32
      %dma_start3A_1127 = arith.constant 0 : i32
      %dma_start3A_1128 = arith.constant 0 : i32
      %dma_start3A_1129 = tpu.memref_slice %arg11[%dma_start3A_1126, %dma_start3A_1127, %dma_start3A_1128] : memref<4x256x32xf32, #tpu.memory_space<vmem>> -> memref<1x128x32xf32, #tpu.memory_space<vmem>>
      %dma_start3A_1130 = tpu.memref_squeeze %dma_start3A_1129 : memref<1x128x32xf32, #tpu.memory_space<vmem>> -> memref<128x32xf32, #tpu.memory_space<vmem>>
      %dma_start3A_1131 = arith.constant 0 : i32
      %dma_start3A_1132 = tpu.memref_slice %arg7[%dma_start3A_1125, %dma_start3A_1131] : memref<4x256xi32, #tpu.memory_space<vmem>> -> memref<1x128xi32, #tpu.memory_space<vmem>>
      %dma_start3A_1133 = tpu.memref_squeeze %dma_start3A_1132 : memref<1x128xi32, #tpu.memory_space<vmem>> -> memref<128xi32, #tpu.memory_space<vmem>>
      %dma_start3A_1134 = arith.constant 0 : i32
      %dma_start3A_1135 = arith.constant 0 : i32
      %dma_start3A_1136 = tpu.memref_slice %arg2[%dma_start3A_1134, %dma_start3A_1135] : memref<1048576x32xf32, #tpu.memory_space<hbm>> -> memref<1048576x32xf32, #tpu.memory_space<hbm>>
      tpu.enqueue_indirect_dma source(%dma_start3A_1136 : memref<1048576x32xf32, #tpu.memory_space<hbm>>) target(%dma_start3A_1130 : memref<128x32xf32, #tpu.memory_space<vmem>>) offsets(%dma_start3A_1133 : memref<128xi32, #tpu.memory_space<vmem>>) semaphore(%arg15 : memref<!tpu.dma_semaphore, #tpu.memory_space<semaphore_mem>>)
      %dma_start3A_1137 = arith.constant 3 : i32
      %dma_start3A_1138 = arith.constant 3 : i32
      %dma_start3A_1139 = arith.constant 128 : i32
      %dma_start3A_1140 = arith.constant 0 : i32
      %dma_start3A_1141 = tpu.memref_slice %arg11[%dma_start3A_1138, %dma_start3A_1139, %dma_start3A_1140] : memref<4x256x32xf32, #tpu.memory_space<vmem>> -> memref<1x128x32xf32, #tpu.memory_space<vmem>>
      %dma_start3A_1142 = tpu.memref_squeeze %dma_start3A_1141 : memref<1x128x32xf32, #tpu.memory_space<vmem>> -> memref<128x32xf32, #tpu.memory_space<vmem>>
      %dma_start3A_1143 = arith.constant 128 : i32
      %dma_start3A_1144 = tpu.memref_slice %arg7[%dma_start3A_1137, %dma_start3A_1143] : memref<4x256xi32, #tpu.memory_space<vmem>> -> memref<1x128xi32, #tpu.memory_space<vmem>>
      %dma_start3A_1145 = tpu.memref_squeeze %dma_start3A_1144 : memref<1x128xi32, #tpu.memory_space<vmem>> -> memref<128xi32, #tpu.memory_space<vmem>>
      %dma_start3A_1146 = arith.constant 0 : i32
      %dma_start3A_1147 = arith.constant 0 : i32
      %dma_start3A_1148 = tpu.memref_slice %arg2[%dma_start3A_1146, %dma_start3A_1147] : memref<1048576x32xf32, #tpu.memory_space<hbm>> -> memref<1048576x32xf32, #tpu.memory_space<hbm>>
      tpu.enqueue_indirect_dma source(%dma_start3A_1148 : memref<1048576x32xf32, #tpu.memory_space<hbm>>) target(%dma_start3A_1142 : memref<128x32xf32, #tpu.memory_space<vmem>>) offsets(%dma_start3A_1145 : memref<128xi32, #tpu.memory_space<vmem>>) semaphore(%arg15 : memref<!tpu.dma_semaphore, #tpu.memory_space<semaphore_mem>>)
      %sub3A = arith.constant 2 : i32
      %sub3A_1149 = arith.subi %add3A_943, %sub3A : i32
      %mul3A_1150 = arith.constant 256 : i32
      %mul3A_1151 = arith.muli %sub3A_1149, %mul3A_1150 : i32
      %add3A_1152 = arith.addi %mul3A_2, %mul3A_1151 : i32
      %shift_right_logical3A_1153 = arith.constant 18 : i32
      %shift_right_logical3A_1154 = arith.shrui %add3A_1152, %shift_right_logical3A_1153 : i32
      %and3A_1155 = arith.constant 262143 : i32
      %and3A_1156 = arith.andi %add3A_1152, %and3A_1155 : i32
      %multiple_of3A_1157 = tpu.assume_multiple %and3A_1156, 256 : i32
      %mul3A_1158 = arith.constant 32 : i32
      %mul3A_1159 = arith.muli %shift_right_logical3A_1154, %mul3A_1158 : i32
      %dma_wait3A_1160 = tpu.memref_slice %arg5[%mul3A_1159, %multiple_of3A_1157] : memref<128x262144xf32, #tpu.memory_space<hbm>> -> memref<32x256xf32, #tpu.memory_space<hbm>>
      %dma_wait3A_1161 = tpu.memref_slice %arg5[%mul3A_1159, %multiple_of3A_1157] : memref<128x262144xf32, #tpu.memory_space<hbm>> -> memref<32x256xf32, #tpu.memory_space<hbm>>
      tpu.wait_dma2 semaphore(%arg16 : memref<!tpu.dma_semaphore, #tpu.memory_space<semaphore_mem>>) src(%arg12 : memref<32x256xf32, #tpu.memory_space<vmem>>) dst(%dma_wait3A_1161 : memref<32x256xf32, #tpu.memory_space<hbm>>)
      %mul3A_1162 = arith.constant 256 : i32
      %mul3A_1163 = arith.muli %add3A_943, %mul3A_1162 : i32
      %add3A_1164 = arith.addi %mul3A_2, %mul3A_1163 : i32
      %shift_right_logical3A_1165 = arith.constant 18 : i32
      %shift_right_logical3A_1166 = arith.shrui %add3A_1164, %shift_right_logical3A_1165 : i32
      %and3A_1167 = arith.constant 262143 : i32
      %and3A_1168 = arith.andi %add3A_1164, %and3A_1167 : i32
      %multiple_of3A_1169 = tpu.assume_multiple %and3A_1168, 256 : i32
      %mul3A_1170 = arith.constant 32 : i32
      %mul3A_1171 = arith.muli %shift_right_logical3A_1166, %mul3A_1170 : i32
      %dma_start3A_1172 = tpu.memref_slice %arg5[%mul3A_1171, %multiple_of3A_1169] : memref<128x262144xf32, #tpu.memory_space<hbm>> -> memref<32x256xf32, #tpu.memory_space<hbm>>
      %dma_start3A_1173 = tpu.memref_slice %arg5[%mul3A_1171, %multiple_of3A_1169] : memref<128x262144xf32, #tpu.memory_space<hbm>> -> memref<32x256xf32, #tpu.memory_space<hbm>>
      tpu.enqueue_dma source(%arg12 : memref<32x256xf32, #tpu.memory_space<vmem>>) target(%dma_start3A_1173 : memref<32x256xf32, #tpu.memory_space<hbm>>) target_semaphore(%arg16 : memref<!tpu.dma_semaphore, #tpu.memory_space<semaphore_mem>>)
      %add3A_1174 = arith.constant 2 : i32
      %add3A_1175 = arith.addi %add3A_943, %add3A_1174 : i32
      %mul3A_1176 = arith.constant 256 : i32
      %mul3A_1177 = arith.muli %add3A_1175, %mul3A_1176 : i32
      %add3A_1178 = arith.addi %mul3A_2, %mul3A_1177 : i32
      %dma_start3A_1179 = arith.constant 0 : i32
      %dma_start3A_1180 = tpu.memref_slice %arg3[%dma_start3A_1179, %add3A_1178] : memref<4x1048576xi32, #tpu.memory_space<hbm>> -> memref<4x256xi32, #tpu.memory_space<hbm>>
      %dma_start3A_1181 = arith.constant 0 : i32
      %dma_start3A_1182 = tpu.memref_slice %arg3[%dma_start3A_1181, %add3A_1178] : memref<4x1048576xi32, #tpu.memory_space<hbm>> -> memref<4x256xi32, #tpu.memory_space<hbm>>
      tpu.enqueue_dma source(%dma_start3A_1182 : memref<4x256xi32, #tpu.memory_space<hbm>>) target(%arg6 : memref<4x256xi32, #tpu.memory_space<vmem>>) target_semaphore(%arg14 : memref<!tpu.dma_semaphore, #tpu.memory_space<semaphore_mem>>)
      %dma_start3A_1183 = arith.constant 0 : i32
      %dma_start3A_1184 = tpu.memref_slice %arg4[%dma_start3A_1183, %add3A_1178] : memref<4x1048576xf32, #tpu.memory_space<hbm>> -> memref<4x256xf32, #tpu.memory_space<hbm>>
      %dma_start3A_1185 = arith.constant 0 : i32
      %dma_start3A_1186 = tpu.memref_slice %arg4[%dma_start3A_1185, %add3A_1178] : memref<4x1048576xf32, #tpu.memory_space<hbm>> -> memref<4x256xf32, #tpu.memory_space<hbm>>
      tpu.enqueue_dma source(%dma_start3A_1186 : memref<4x256xf32, #tpu.memory_space<hbm>>) target(%arg8 : memref<4x256xf32, #tpu.memory_space<vmem>>) target_semaphore(%arg14 : memref<!tpu.dma_semaphore, #tpu.memory_space<semaphore_mem>>)
      %add3A_1187 = arith.constant 1 : i32
      %add3A_1188 = arith.addi %add3A_943, %add3A_1187 : i32
      %dma_wait3A_1189 = arith.constant 0 : i32
      %dma_wait3A_1190 = arith.constant 0 : i32
      %dma_wait3A_1191 = arith.constant 0 : i32
      %dma_wait3A_1192 = arith.constant 0 : i32
      %dma_wait3A_1193 = tpu.memref_slice %arg11[%dma_wait3A_1190, %dma_wait3A_1191, %dma_wait3A_1192] : memref<4x256x32xf32, #tpu.memory_space<vmem>> -> memref<1x128x32xf32, #tpu.memory_space<vmem>>
      %dma_wait3A_1194 = tpu.memref_squeeze %dma_wait3A_1193 : memref<1x128x32xf32, #tpu.memory_space<vmem>> -> memref<128x32xf32, #tpu.memory_space<vmem>>
      %dma_wait3A_1195 = arith.constant 0 : i32
      %dma_wait3A_1196 = tpu.memref_slice %arg7[%dma_wait3A_1189, %dma_wait3A_1195] : memref<4x256xi32, #tpu.memory_space<vmem>> -> memref<1x128xi32, #tpu.memory_space<vmem>>
      %dma_wait3A_1197 = tpu.memref_squeeze %dma_wait3A_1196 : memref<1x128xi32, #tpu.memory_space<vmem>> -> memref<128xi32, #tpu.memory_space<vmem>>
      %dma_wait3A_1198 = arith.constant 0 : i32
      %dma_wait3A_1199 = arith.constant 0 : i32
      %dma_wait3A_1200 = tpu.memref_slice %arg2[%dma_wait3A_1198, %dma_wait3A_1199] : memref<1048576x32xf32, #tpu.memory_space<hbm>> -> memref<1048576x32xf32, #tpu.memory_space<hbm>>
      tpu.wait_indirect_dma semaphore(%arg15 : memref<!tpu.dma_semaphore, #tpu.memory_space<semaphore_mem>>) src(%dma_wait3A_1200 : memref<1048576x32xf32, #tpu.memory_space<hbm>>) dst(%dma_wait3A_1194 : memref<128x32xf32, #tpu.memory_space<vmem>>)
      %dma_wait3A_1201 = arith.constant 0 : i32
      %dma_wait3A_1202 = arith.constant 0 : i32
      %dma_wait3A_1203 = arith.constant 128 : i32
      %dma_wait3A_1204 = arith.constant 0 : i32
      %dma_wait3A_1205 = tpu.memref_slice %arg11[%dma_wait3A_1202, %dma_wait3A_1203, %dma_wait3A_1204] : memref<4x256x32xf32, #tpu.memory_space<vmem>> -> memref<1x128x32xf32, #tpu.memory_space<vmem>>
      %dma_wait3A_1206 = tpu.memref_squeeze %dma_wait3A_1205 : memref<1x128x32xf32, #tpu.memory_space<vmem>> -> memref<128x32xf32, #tpu.memory_space<vmem>>
      %dma_wait3A_1207 = arith.constant 128 : i32
      %dma_wait3A_1208 = tpu.memref_slice %arg7[%dma_wait3A_1201, %dma_wait3A_1207] : memref<4x256xi32, #tpu.memory_space<vmem>> -> memref<1x128xi32, #tpu.memory_space<vmem>>
      %dma_wait3A_1209 = tpu.memref_squeeze %dma_wait3A_1208 : memref<1x128xi32, #tpu.memory_space<vmem>> -> memref<128xi32, #tpu.memory_space<vmem>>
      %dma_wait3A_1210 = arith.constant 0 : i32
      %dma_wait3A_1211 = arith.constant 0 : i32
      %dma_wait3A_1212 = tpu.memref_slice %arg2[%dma_wait3A_1210, %dma_wait3A_1211] : memref<1048576x32xf32, #tpu.memory_space<hbm>> -> memref<1048576x32xf32, #tpu.memory_space<hbm>>
      tpu.wait_indirect_dma semaphore(%arg15 : memref<!tpu.dma_semaphore, #tpu.memory_space<semaphore_mem>>) src(%dma_wait3A_1212 : memref<1048576x32xf32, #tpu.memory_space<hbm>>) dst(%dma_wait3A_1206 : memref<128x32xf32, #tpu.memory_space<vmem>>)
      %dma_wait3A_1213 = arith.constant 1 : i32
      %dma_wait3A_1214 = arith.constant 1 : i32
      %dma_wait3A_1215 = arith.constant 0 : i32
      %dma_wait3A_1216 = arith.constant 0 : i32
      %dma_wait3A_1217 = tpu.memref_slice %arg11[%dma_wait3A_1214, %dma_wait3A_1215, %dma_wait3A_1216] : memref<4x256x32xf32, #tpu.memory_space<vmem>> -> memref<1x128x32xf32, #tpu.memory_space<vmem>>
      %dma_wait3A_1218 = tpu.memref_squeeze %dma_wait3A_1217 : memref<1x128x32xf32, #tpu.memory_space<vmem>> -> memref<128x32xf32, #tpu.memory_space<vmem>>
      %dma_wait3A_1219 = arith.constant 0 : i32
      %dma_wait3A_1220 = tpu.memref_slice %arg7[%dma_wait3A_1213, %dma_wait3A_1219] : memref<4x256xi32, #tpu.memory_space<vmem>> -> memref<1x128xi32, #tpu.memory_space<vmem>>
      %dma_wait3A_1221 = tpu.memref_squeeze %dma_wait3A_1220 : memref<1x128xi32, #tpu.memory_space<vmem>> -> memref<128xi32, #tpu.memory_space<vmem>>
      %dma_wait3A_1222 = arith.constant 0 : i32
      %dma_wait3A_1223 = arith.constant 0 : i32
      %dma_wait3A_1224 = tpu.memref_slice %arg2[%dma_wait3A_1222, %dma_wait3A_1223] : memref<1048576x32xf32, #tpu.memory_space<hbm>> -> memref<1048576x32xf32, #tpu.memory_space<hbm>>
      tpu.wait_indirect_dma semaphore(%arg15 : memref<!tpu.dma_semaphore, #tpu.memory_space<semaphore_mem>>) src(%dma_wait3A_1224 : memref<1048576x32xf32, #tpu.memory_space<hbm>>) dst(%dma_wait3A_1218 : memref<128x32xf32, #tpu.memory_space<vmem>>)
      %dma_wait3A_1225 = arith.constant 1 : i32
      %dma_wait3A_1226 = arith.constant 1 : i32
      %dma_wait3A_1227 = arith.constant 128 : i32
      %dma_wait3A_1228 = arith.constant 0 : i32
      %dma_wait3A_1229 = tpu.memref_slice %arg11[%dma_wait3A_1226, %dma_wait3A_1227, %dma_wait3A_1228] : memref<4x256x32xf32, #tpu.memory_space<vmem>> -> memref<1x128x32xf32, #tpu.memory_space<vmem>>
      %dma_wait3A_1230 = tpu.memref_squeeze %dma_wait3A_1229 : memref<1x128x32xf32, #tpu.memory_space<vmem>> -> memref<128x32xf32, #tpu.memory_space<vmem>>
      %dma_wait3A_1231 = arith.constant 128 : i32
      %dma_wait3A_1232 = tpu.memref_slice %arg7[%dma_wait3A_1225, %dma_wait3A_1231] : memref<4x256xi32, #tpu.memory_space<vmem>> -> memref<1x128xi32, #tpu.memory_space<vmem>>
      %dma_wait3A_1233 = tpu.memref_squeeze %dma_wait3A_1232 : memref<1x128xi32, #tpu.memory_space<vmem>> -> memref<128xi32, #tpu.memory_space<vmem>>
      %dma_wait3A_1234 = arith.constant 0 : i32
      %dma_wait3A_1235 = arith.constant 0 : i32
      %dma_wait3A_1236 = tpu.memref_slice %arg2[%dma_wait3A_1234, %dma_wait3A_1235] : memref<1048576x32xf32, #tpu.memory_space<hbm>> -> memref<1048576x32xf32, #tpu.memory_space<hbm>>
      tpu.wait_indirect_dma semaphore(%arg15 : memref<!tpu.dma_semaphore, #tpu.memory_space<semaphore_mem>>) src(%dma_wait3A_1236 : memref<1048576x32xf32, #tpu.memory_space<hbm>>) dst(%dma_wait3A_1230 : memref<128x32xf32, #tpu.memory_space<vmem>>)
      %dma_wait3A_1237 = arith.constant 2 : i32
      %dma_wait3A_1238 = arith.constant 2 : i32
      %dma_wait3A_1239 = arith.constant 0 : i32
      %dma_wait3A_1240 = arith.constant 0 : i32
      %dma_wait3A_1241 = tpu.memref_slice %arg11[%dma_wait3A_1238, %dma_wait3A_1239, %dma_wait3A_1240] : memref<4x256x32xf32, #tpu.memory_space<vmem>> -> memref<1x128x32xf32, #tpu.memory_space<vmem>>
      %dma_wait3A_1242 = tpu.memref_squeeze %dma_wait3A_1241 : memref<1x128x32xf32, #tpu.memory_space<vmem>> -> memref<128x32xf32, #tpu.memory_space<vmem>>
      %dma_wait3A_1243 = arith.constant 0 : i32
      %dma_wait3A_1244 = tpu.memref_slice %arg7[%dma_wait3A_1237, %dma_wait3A_1243] : memref<4x256xi32, #tpu.memory_space<vmem>> -> memref<1x128xi32, #tpu.memory_space<vmem>>
      %dma_wait3A_1245 = tpu.memref_squeeze %dma_wait3A_1244 : memref<1x128xi32, #tpu.memory_space<vmem>> -> memref<128xi32, #tpu.memory_space<vmem>>
      %dma_wait3A_1246 = arith.constant 0 : i32
      %dma_wait3A_1247 = arith.constant 0 : i32
      %dma_wait3A_1248 = tpu.memref_slice %arg2[%dma_wait3A_1246, %dma_wait3A_1247] : memref<1048576x32xf32, #tpu.memory_space<hbm>> -> memref<1048576x32xf32, #tpu.memory_space<hbm>>
      tpu.wait_indirect_dma semaphore(%arg15 : memref<!tpu.dma_semaphore, #tpu.memory_space<semaphore_mem>>) src(%dma_wait3A_1248 : memref<1048576x32xf32, #tpu.memory_space<hbm>>) dst(%dma_wait3A_1242 : memref<128x32xf32, #tpu.memory_space<vmem>>)
      %dma_wait3A_1249 = arith.constant 2 : i32
      %dma_wait3A_1250 = arith.constant 2 : i32
      %dma_wait3A_1251 = arith.constant 128 : i32
      %dma_wait3A_1252 = arith.constant 0 : i32
      %dma_wait3A_1253 = tpu.memref_slice %arg11[%dma_wait3A_1250, %dma_wait3A_1251, %dma_wait3A_1252] : memref<4x256x32xf32, #tpu.memory_space<vmem>> -> memref<1x128x32xf32, #tpu.memory_space<vmem>>
      %dma_wait3A_1254 = tpu.memref_squeeze %dma_wait3A_1253 : memref<1x128x32xf32, #tpu.memory_space<vmem>> -> memref<128x32xf32, #tpu.memory_space<vmem>>
      %dma_wait3A_1255 = arith.constant 128 : i32
      %dma_wait3A_1256 = tpu.memref_slice %arg7[%dma_wait3A_1249, %dma_wait3A_1255] : memref<4x256xi32, #tpu.memory_space<vmem>> -> memref<1x128xi32, #tpu.memory_space<vmem>>
      %dma_wait3A_1257 = tpu.memref_squeeze %dma_wait3A_1256 : memref<1x128xi32, #tpu.memory_space<vmem>> -> memref<128xi32, #tpu.memory_space<vmem>>
      %dma_wait3A_1258 = arith.constant 0 : i32
      %dma_wait3A_1259 = arith.constant 0 : i32
      %dma_wait3A_1260 = tpu.memref_slice %arg2[%dma_wait3A_1258, %dma_wait3A_1259] : memref<1048576x32xf32, #tpu.memory_space<hbm>> -> memref<1048576x32xf32, #tpu.memory_space<hbm>>
      tpu.wait_indirect_dma semaphore(%arg15 : memref<!tpu.dma_semaphore, #tpu.memory_space<semaphore_mem>>) src(%dma_wait3A_1260 : memref<1048576x32xf32, #tpu.memory_space<hbm>>) dst(%dma_wait3A_1254 : memref<128x32xf32, #tpu.memory_space<vmem>>)
      %dma_wait3A_1261 = arith.constant 3 : i32
      %dma_wait3A_1262 = arith.constant 3 : i32
      %dma_wait3A_1263 = arith.constant 0 : i32
      %dma_wait3A_1264 = arith.constant 0 : i32
      %dma_wait3A_1265 = tpu.memref_slice %arg11[%dma_wait3A_1262, %dma_wait3A_1263, %dma_wait3A_1264] : memref<4x256x32xf32, #tpu.memory_space<vmem>> -> memref<1x128x32xf32, #tpu.memory_space<vmem>>
      %dma_wait3A_1266 = tpu.memref_squeeze %dma_wait3A_1265 : memref<1x128x32xf32, #tpu.memory_space<vmem>> -> memref<128x32xf32, #tpu.memory_space<vmem>>
      %dma_wait3A_1267 = arith.constant 0 : i32
      %dma_wait3A_1268 = tpu.memref_slice %arg7[%dma_wait3A_1261, %dma_wait3A_1267] : memref<4x256xi32, #tpu.memory_space<vmem>> -> memref<1x128xi32, #tpu.memory_space<vmem>>
      %dma_wait3A_1269 = tpu.memref_squeeze %dma_wait3A_1268 : memref<1x128xi32, #tpu.memory_space<vmem>> -> memref<128xi32, #tpu.memory_space<vmem>>
      %dma_wait3A_1270 = arith.constant 0 : i32
      %dma_wait3A_1271 = arith.constant 0 : i32
      %dma_wait3A_1272 = tpu.memref_slice %arg2[%dma_wait3A_1270, %dma_wait3A_1271] : memref<1048576x32xf32, #tpu.memory_space<hbm>> -> memref<1048576x32xf32, #tpu.memory_space<hbm>>
      tpu.wait_indirect_dma semaphore(%arg15 : memref<!tpu.dma_semaphore, #tpu.memory_space<semaphore_mem>>) src(%dma_wait3A_1272 : memref<1048576x32xf32, #tpu.memory_space<hbm>>) dst(%dma_wait3A_1266 : memref<128x32xf32, #tpu.memory_space<vmem>>)
      %dma_wait3A_1273 = arith.constant 3 : i32
      %dma_wait3A_1274 = arith.constant 3 : i32
      %dma_wait3A_1275 = arith.constant 128 : i32
      %dma_wait3A_1276 = arith.constant 0 : i32
      %dma_wait3A_1277 = tpu.memref_slice %arg11[%dma_wait3A_1274, %dma_wait3A_1275, %dma_wait3A_1276] : memref<4x256x32xf32, #tpu.memory_space<vmem>> -> memref<1x128x32xf32, #tpu.memory_space<vmem>>
      %dma_wait3A_1278 = tpu.memref_squeeze %dma_wait3A_1277 : memref<1x128x32xf32, #tpu.memory_space<vmem>> -> memref<128x32xf32, #tpu.memory_space<vmem>>
      %dma_wait3A_1279 = arith.constant 128 : i32
      %dma_wait3A_1280 = tpu.memref_slice %arg7[%dma_wait3A_1273, %dma_wait3A_1279] : memref<4x256xi32, #tpu.memory_space<vmem>> -> memref<1x128xi32, #tpu.memory_space<vmem>>
      %dma_wait3A_1281 = tpu.memref_squeeze %dma_wait3A_1280 : memref<1x128xi32, #tpu.memory_space<vmem>> -> memref<128xi32, #tpu.memory_space<vmem>>
      %dma_wait3A_1282 = arith.constant 0 : i32
      %dma_wait3A_1283 = arith.constant 0 : i32
      %dma_wait3A_1284 = tpu.memref_slice %arg2[%dma_wait3A_1282, %dma_wait3A_1283] : memref<1048576x32xf32, #tpu.memory_space<hbm>> -> memref<1048576x32xf32, #tpu.memory_space<hbm>>
      tpu.wait_indirect_dma semaphore(%arg15 : memref<!tpu.dma_semaphore, #tpu.memory_space<semaphore_mem>>) src(%dma_wait3A_1284 : memref<1048576x32xf32, #tpu.memory_space<hbm>>) dst(%dma_wait3A_1278 : memref<128x32xf32, #tpu.memory_space<vmem>>)
      %add3A_1285 = arith.constant 1 : i32
      %add3A_1286 = arith.addi %add3A_1188, %add3A_1285 : i32
      %mul3A_1287 = arith.constant 256 : i32
      %mul3A_1288 = arith.muli %add3A_1286, %mul3A_1287 : i32
      %add3A_1289 = arith.addi %mul3A_2, %mul3A_1288 : i32
      %dma_wait3A_1290 = arith.constant 0 : i32
      %dma_wait3A_1291 = tpu.memref_slice %arg3[%dma_wait3A_1290, %add3A_1289] : memref<4x1048576xi32, #tpu.memory_space<hbm>> -> memref<4x256xi32, #tpu.memory_space<hbm>>
      %dma_wait3A_1292 = arith.constant 0 : i32
      %dma_wait3A_1293 = tpu.memref_slice %arg3[%dma_wait3A_1292, %add3A_1289] : memref<4x1048576xi32, #tpu.memory_space<hbm>> -> memref<4x256xi32, #tpu.memory_space<hbm>>
      tpu.wait_dma2 semaphore(%arg14 : memref<!tpu.dma_semaphore, #tpu.memory_space<semaphore_mem>>) src(%dma_wait3A_1293 : memref<4x256xi32, #tpu.memory_space<hbm>>) dst(%arg6 : memref<4x256xi32, #tpu.memory_space<vmem>>)
      %dma_wait3A_1294 = arith.constant 0 : i32
      %dma_wait3A_1295 = tpu.memref_slice %arg4[%dma_wait3A_1294, %add3A_1289] : memref<4x1048576xf32, #tpu.memory_space<hbm>> -> memref<4x256xf32, #tpu.memory_space<hbm>>
      %dma_wait3A_1296 = arith.constant 0 : i32
      %dma_wait3A_1297 = tpu.memref_slice %arg4[%dma_wait3A_1296, %add3A_1289] : memref<4x1048576xf32, #tpu.memory_space<hbm>> -> memref<4x256xf32, #tpu.memory_space<hbm>>
      tpu.wait_dma2 semaphore(%arg14 : memref<!tpu.dma_semaphore, #tpu.memory_space<semaphore_mem>>) src(%dma_wait3A_1297 : memref<4x256xf32, #tpu.memory_space<hbm>>) dst(%arg8 : memref<4x256xf32, #tpu.memory_space<vmem>>)
      %dma_start3A_1298 = arith.constant 0 : i32
      %dma_start3A_1299 = arith.constant 0 : i32
      %dma_start3A_1300 = arith.constant 0 : i32
      %dma_start3A_1301 = arith.constant 0 : i32
      %dma_start3A_1302 = tpu.memref_slice %arg10[%dma_start3A_1299, %dma_start3A_1300, %dma_start3A_1301] : memref<4x256x32xf32, #tpu.memory_space<vmem>> -> memref<1x128x32xf32, #tpu.memory_space<vmem>>
      %dma_start3A_1303 = tpu.memref_squeeze %dma_start3A_1302 : memref<1x128x32xf32, #tpu.memory_space<vmem>> -> memref<128x32xf32, #tpu.memory_space<vmem>>
      %dma_start3A_1304 = arith.constant 0 : i32
      %dma_start3A_1305 = tpu.memref_slice %arg6[%dma_start3A_1298, %dma_start3A_1304] : memref<4x256xi32, #tpu.memory_space<vmem>> -> memref<1x128xi32, #tpu.memory_space<vmem>>
      %dma_start3A_1306 = tpu.memref_squeeze %dma_start3A_1305 : memref<1x128xi32, #tpu.memory_space<vmem>> -> memref<128xi32, #tpu.memory_space<vmem>>
      %dma_start3A_1307 = arith.constant 0 : i32
      %dma_start3A_1308 = arith.constant 0 : i32
      %dma_start3A_1309 = tpu.memref_slice %arg2[%dma_start3A_1307, %dma_start3A_1308] : memref<1048576x32xf32, #tpu.memory_space<hbm>> -> memref<1048576x32xf32, #tpu.memory_space<hbm>>
      tpu.enqueue_indirect_dma source(%dma_start3A_1309 : memref<1048576x32xf32, #tpu.memory_space<hbm>>) target(%dma_start3A_1303 : memref<128x32xf32, #tpu.memory_space<vmem>>) offsets(%dma_start3A_1306 : memref<128xi32, #tpu.memory_space<vmem>>) semaphore(%arg15 : memref<!tpu.dma_semaphore, #tpu.memory_space<semaphore_mem>>)
      %dma_start3A_1310 = arith.constant 0 : i32
      %dma_start3A_1311 = arith.constant 0 : i32
      %dma_start3A_1312 = arith.constant 128 : i32
      %dma_start3A_1313 = arith.constant 0 : i32
      %dma_start3A_1314 = tpu.memref_slice %arg10[%dma_start3A_1311, %dma_start3A_1312, %dma_start3A_1313] : memref<4x256x32xf32, #tpu.memory_space<vmem>> -> memref<1x128x32xf32, #tpu.memory_space<vmem>>
      %dma_start3A_1315 = tpu.memref_squeeze %dma_start3A_1314 : memref<1x128x32xf32, #tpu.memory_space<vmem>> -> memref<128x32xf32, #tpu.memory_space<vmem>>
      %dma_start3A_1316 = arith.constant 128 : i32
      %dma_start3A_1317 = tpu.memref_slice %arg6[%dma_start3A_1310, %dma_start3A_1316] : memref<4x256xi32, #tpu.memory_space<vmem>> -> memref<1x128xi32, #tpu.memory_space<vmem>>
      %dma_start3A_1318 = tpu.memref_squeeze %dma_start3A_1317 : memref<1x128xi32, #tpu.memory_space<vmem>> -> memref<128xi32, #tpu.memory_space<vmem>>
      %dma_start3A_1319 = arith.constant 0 : i32
      %dma_start3A_1320 = arith.constant 0 : i32
      %dma_start3A_1321 = tpu.memref_slice %arg2[%dma_start3A_1319, %dma_start3A_1320] : memref<1048576x32xf32, #tpu.memory_space<hbm>> -> memref<1048576x32xf32, #tpu.memory_space<hbm>>
      tpu.enqueue_indirect_dma source(%dma_start3A_1321 : memref<1048576x32xf32, #tpu.memory_space<hbm>>) target(%dma_start3A_1315 : memref<128x32xf32, #tpu.memory_space<vmem>>) offsets(%dma_start3A_1318 : memref<128xi32, #tpu.memory_space<vmem>>) semaphore(%arg15 : memref<!tpu.dma_semaphore, #tpu.memory_space<semaphore_mem>>)
      %dma_start3A_1322 = arith.constant 1 : i32
      %dma_start3A_1323 = arith.constant 1 : i32
      %dma_start3A_1324 = arith.constant 0 : i32
      %dma_start3A_1325 = arith.constant 0 : i32
      %dma_start3A_1326 = tpu.memref_slice %arg10[%dma_start3A_1323, %dma_start3A_1324, %dma_start3A_1325] : memref<4x256x32xf32, #tpu.memory_space<vmem>> -> memref<1x128x32xf32, #tpu.memory_space<vmem>>
      %dma_start3A_1327 = tpu.memref_squeeze %dma_start3A_1326 : memref<1x128x32xf32, #tpu.memory_space<vmem>> -> memref<128x32xf32, #tpu.memory_space<vmem>>
      %dma_start3A_1328 = arith.constant 0 : i32
      %dma_start3A_1329 = tpu.memref_slice %arg6[%dma_start3A_1322, %dma_start3A_1328] : memref<4x256xi32, #tpu.memory_space<vmem>> -> memref<1x128xi32, #tpu.memory_space<vmem>>
      %dma_start3A_1330 = tpu.memref_squeeze %dma_start3A_1329 : memref<1x128xi32, #tpu.memory_space<vmem>> -> memref<128xi32, #tpu.memory_space<vmem>>
      %dma_start3A_1331 = arith.constant 0 : i32
      %dma_start3A_1332 = arith.constant 0 : i32
      %dma_start3A_1333 = tpu.memref_slice %arg2[%dma_start3A_1331, %dma_start3A_1332] : memref<1048576x32xf32, #tpu.memory_space<hbm>> -> memref<1048576x32xf32, #tpu.memory_space<hbm>>
      tpu.enqueue_indirect_dma source(%dma_start3A_1333 : memref<1048576x32xf32, #tpu.memory_space<hbm>>) target(%dma_start3A_1327 : memref<128x32xf32, #tpu.memory_space<vmem>>) offsets(%dma_start3A_1330 : memref<128xi32, #tpu.memory_space<vmem>>) semaphore(%arg15 : memref<!tpu.dma_semaphore, #tpu.memory_space<semaphore_mem>>)
      %dma_start3A_1334 = arith.constant 1 : i32
      %dma_start3A_1335 = arith.constant 1 : i32
      %dma_start3A_1336 = arith.constant 128 : i32
      %dma_start3A_1337 = arith.constant 0 : i32
      %dma_start3A_1338 = tpu.memref_slice %arg10[%dma_start3A_1335, %dma_start3A_1336, %dma_start3A_1337] : memref<4x256x32xf32, #tpu.memory_space<vmem>> -> memref<1x128x32xf32, #tpu.memory_space<vmem>>
      %dma_start3A_1339 = tpu.memref_squeeze %dma_start3A_1338 : memref<1x128x32xf32, #tpu.memory_space<vmem>> -> memref<128x32xf32, #tpu.memory_space<vmem>>
      %dma_start3A_1340 = arith.constant 128 : i32
      %dma_start3A_1341 = tpu.memref_slice %arg6[%dma_start3A_1334, %dma_start3A_1340] : memref<4x256xi32, #tpu.memory_space<vmem>> -> memref<1x128xi32, #tpu.memory_space<vmem>>
      %dma_start3A_1342 = tpu.memref_squeeze %dma_start3A_1341 : memref<1x128xi32, #tpu.memory_space<vmem>> -> memref<128xi32, #tpu.memory_space<vmem>>
      %dma_start3A_1343 = arith.constant 0 : i32
      %dma_start3A_1344 = arith.constant 0 : i32
      %dma_start3A_1345 = tpu.memref_slice %arg2[%dma_start3A_1343, %dma_start3A_1344] : memref<1048576x32xf32, #tpu.memory_space<hbm>> -> memref<1048576x32xf32, #tpu.memory_space<hbm>>
      tpu.enqueue_indirect_dma source(%dma_start3A_1345 : memref<1048576x32xf32, #tpu.memory_space<hbm>>) target(%dma_start3A_1339 : memref<128x32xf32, #tpu.memory_space<vmem>>) offsets(%dma_start3A_1342 : memref<128xi32, #tpu.memory_space<vmem>>) semaphore(%arg15 : memref<!tpu.dma_semaphore, #tpu.memory_space<semaphore_mem>>)
      %dma_start3A_1346 = arith.constant 2 : i32
      %dma_start3A_1347 = arith.constant 2 : i32
      %dma_start3A_1348 = arith.constant 0 : i32
      %dma_start3A_1349 = arith.constant 0 : i32
      %dma_start3A_1350 = tpu.memref_slice %arg10[%dma_start3A_1347, %dma_start3A_1348, %dma_start3A_1349] : memref<4x256x32xf32, #tpu.memory_space<vmem>> -> memref<1x128x32xf32, #tpu.memory_space<vmem>>
      %dma_start3A_1351 = tpu.memref_squeeze %dma_start3A_1350 : memref<1x128x32xf32, #tpu.memory_space<vmem>> -> memref<128x32xf32, #tpu.memory_space<vmem>>
      %dma_start3A_1352 = arith.constant 0 : i32
      %dma_start3A_1353 = tpu.memref_slice %arg6[%dma_start3A_1346, %dma_start3A_1352] : memref<4x256xi32, #tpu.memory_space<vmem>> -> memref<1x128xi32, #tpu.memory_space<vmem>>
      %dma_start3A_1354 = tpu.memref_squeeze %dma_start3A_1353 : memref<1x128xi32, #tpu.memory_space<vmem>> -> memref<128xi32, #tpu.memory_space<vmem>>
      %dma_start3A_1355 = arith.constant 0 : i32
      %dma_start3A_1356 = arith.constant 0 : i32
      %dma_start3A_1357 = tpu.memref_slice %arg2[%dma_start3A_1355, %dma_start3A_1356] : memref<1048576x32xf32, #tpu.memory_space<hbm>> -> memref<1048576x32xf32, #tpu.memory_space<hbm>>
      tpu.enqueue_indirect_dma source(%dma_start3A_1357 : memref<1048576x32xf32, #tpu.memory_space<hbm>>) target(%dma_start3A_1351 : memref<128x32xf32, #tpu.memory_space<vmem>>) offsets(%dma_start3A_1354 : memref<128xi32, #tpu.memory_space<vmem>>) semaphore(%arg15 : memref<!tpu.dma_semaphore, #tpu.memory_space<semaphore_mem>>)
      %dma_start3A_1358 = arith.constant 2 : i32
      %dma_start3A_1359 = arith.constant 2 : i32
      %dma_start3A_1360 = arith.constant 128 : i32
      %dma_start3A_1361 = arith.constant 0 : i32
      %dma_start3A_1362 = tpu.memref_slice %arg10[%dma_start3A_1359, %dma_start3A_1360, %dma_start3A_1361] : memref<4x256x32xf32, #tpu.memory_space<vmem>> -> memref<1x128x32xf32, #tpu.memory_space<vmem>>
      %dma_start3A_1363 = tpu.memref_squeeze %dma_start3A_1362 : memref<1x128x32xf32, #tpu.memory_space<vmem>> -> memref<128x32xf32, #tpu.memory_space<vmem>>
      %dma_start3A_1364 = arith.constant 128 : i32
      %dma_start3A_1365 = tpu.memref_slice %arg6[%dma_start3A_1358, %dma_start3A_1364] : memref<4x256xi32, #tpu.memory_space<vmem>> -> memref<1x128xi32, #tpu.memory_space<vmem>>
      %dma_start3A_1366 = tpu.memref_squeeze %dma_start3A_1365 : memref<1x128xi32, #tpu.memory_space<vmem>> -> memref<128xi32, #tpu.memory_space<vmem>>
      %dma_start3A_1367 = arith.constant 0 : i32
      %dma_start3A_1368 = arith.constant 0 : i32
      %dma_start3A_1369 = tpu.memref_slice %arg2[%dma_start3A_1367, %dma_start3A_1368] : memref<1048576x32xf32, #tpu.memory_space<hbm>> -> memref<1048576x32xf32, #tpu.memory_space<hbm>>
      tpu.enqueue_indirect_dma source(%dma_start3A_1369 : memref<1048576x32xf32, #tpu.memory_space<hbm>>) target(%dma_start3A_1363 : memref<128x32xf32, #tpu.memory_space<vmem>>) offsets(%dma_start3A_1366 : memref<128xi32, #tpu.memory_space<vmem>>) semaphore(%arg15 : memref<!tpu.dma_semaphore, #tpu.memory_space<semaphore_mem>>)
      %dma_start3A_1370 = arith.constant 3 : i32
      %dma_start3A_1371 = arith.constant 3 : i32
      %dma_start3A_1372 = arith.constant 0 : i32
      %dma_start3A_1373 = arith.constant 0 : i32
      %dma_start3A_1374 = tpu.memref_slice %arg10[%dma_start3A_1371, %dma_start3A_1372, %dma_start3A_1373] : memref<4x256x32xf32, #tpu.memory_space<vmem>> -> memref<1x128x32xf32, #tpu.memory_space<vmem>>
      %dma_start3A_1375 = tpu.memref_squeeze %dma_start3A_1374 : memref<1x128x32xf32, #tpu.memory_space<vmem>> -> memref<128x32xf32, #tpu.memory_space<vmem>>
      %dma_start3A_1376 = arith.constant 0 : i32
      %dma_start3A_1377 = tpu.memref_slice %arg6[%dma_start3A_1370, %dma_start3A_1376] : memref<4x256xi32, #tpu.memory_space<vmem>> -> memref<1x128xi32, #tpu.memory_space<vmem>>
      %dma_start3A_1378 = tpu.memref_squeeze %dma_start3A_1377 : memref<1x128xi32, #tpu.memory_space<vmem>> -> memref<128xi32, #tpu.memory_space<vmem>>
      %dma_start3A_1379 = arith.constant 0 : i32
      %dma_start3A_1380 = arith.constant 0 : i32
      %dma_start3A_1381 = tpu.memref_slice %arg2[%dma_start3A_1379, %dma_start3A_1380] : memref<1048576x32xf32, #tpu.memory_space<hbm>> -> memref<1048576x32xf32, #tpu.memory_space<hbm>>
      tpu.enqueue_indirect_dma source(%dma_start3A_1381 : memref<1048576x32xf32, #tpu.memory_space<hbm>>) target(%dma_start3A_1375 : memref<128x32xf32, #tpu.memory_space<vmem>>) offsets(%dma_start3A_1378 : memref<128xi32, #tpu.memory_space<vmem>>) semaphore(%arg15 : memref<!tpu.dma_semaphore, #tpu.memory_space<semaphore_mem>>)
      %dma_start3A_1382 = arith.constant 3 : i32
      %dma_start3A_1383 = arith.constant 3 : i32
      %dma_start3A_1384 = arith.constant 128 : i32
      %dma_start3A_1385 = arith.constant 0 : i32
      %dma_start3A_1386 = tpu.memref_slice %arg10[%dma_start3A_1383, %dma_start3A_1384, %dma_start3A_1385] : memref<4x256x32xf32, #tpu.memory_space<vmem>> -> memref<1x128x32xf32, #tpu.memory_space<vmem>>
      %dma_start3A_1387 = tpu.memref_squeeze %dma_start3A_1386 : memref<1x128x32xf32, #tpu.memory_space<vmem>> -> memref<128x32xf32, #tpu.memory_space<vmem>>
      %dma_start3A_1388 = arith.constant 128 : i32
      %dma_start3A_1389 = tpu.memref_slice %arg6[%dma_start3A_1382, %dma_start3A_1388] : memref<4x256xi32, #tpu.memory_space<vmem>> -> memref<1x128xi32, #tpu.memory_space<vmem>>
      %dma_start3A_1390 = tpu.memref_squeeze %dma_start3A_1389 : memref<1x128xi32, #tpu.memory_space<vmem>> -> memref<128xi32, #tpu.memory_space<vmem>>
      %dma_start3A_1391 = arith.constant 0 : i32
      %dma_start3A_1392 = arith.constant 0 : i32
      %dma_start3A_1393 = tpu.memref_slice %arg2[%dma_start3A_1391, %dma_start3A_1392] : memref<1048576x32xf32, #tpu.memory_space<hbm>> -> memref<1048576x32xf32, #tpu.memory_space<hbm>>
      tpu.enqueue_indirect_dma source(%dma_start3A_1393 : memref<1048576x32xf32, #tpu.memory_space<hbm>>) target(%dma_start3A_1387 : memref<128x32xf32, #tpu.memory_space<vmem>>) offsets(%dma_start3A_1390 : memref<128xi32, #tpu.memory_space<vmem>>) semaphore(%arg15 : memref<!tpu.dma_semaphore, #tpu.memory_space<semaphore_mem>>)
      %sub3A_1394 = arith.constant 1 : i32
      %sub3A_1395 = arith.subi %add3A_943, %sub3A_1394 : i32
      %mul3A_1396 = arith.constant 256 : i32
      %mul3A_1397 = arith.muli %sub3A_1395, %mul3A_1396 : i32
      %add3A_1398 = arith.addi %mul3A_2, %mul3A_1397 : i32
      %shift_right_logical3A_1399 = arith.constant 18 : i32
      %shift_right_logical3A_1400 = arith.shrui %add3A_1398, %shift_right_logical3A_1399 : i32
      %and3A_1401 = arith.constant 262143 : i32
      %and3A_1402 = arith.andi %add3A_1398, %and3A_1401 : i32
      %multiple_of3A_1403 = tpu.assume_multiple %and3A_1402, 256 : i32
      %mul3A_1404 = arith.constant 32 : i32
      %mul3A_1405 = arith.muli %shift_right_logical3A_1400, %mul3A_1404 : i32
      %dma_wait3A_1406 = tpu.memref_slice %arg5[%mul3A_1405, %multiple_of3A_1403] : memref<128x262144xf32, #tpu.memory_space<hbm>> -> memref<32x256xf32, #tpu.memory_space<hbm>>
      %dma_wait3A_1407 = tpu.memref_slice %arg5[%mul3A_1405, %multiple_of3A_1403] : memref<128x262144xf32, #tpu.memory_space<hbm>> -> memref<32x256xf32, #tpu.memory_space<hbm>>
      tpu.wait_dma2 semaphore(%arg16 : memref<!tpu.dma_semaphore, #tpu.memory_space<semaphore_mem>>) src(%arg13 : memref<32x256xf32, #tpu.memory_space<vmem>>) dst(%dma_wait3A_1407 : memref<32x256xf32, #tpu.memory_space<hbm>>)
      %add3A_1408 = arith.constant 1 : i32
      %add3A_1409 = arith.addi %add3A_943, %add3A_1408 : i32
      %mul3A_1410 = arith.constant 256 : i32
      %mul3A_1411 = arith.muli %add3A_1409, %mul3A_1410 : i32
      %add3A_1412 = arith.addi %mul3A_2, %mul3A_1411 : i32
      %shift_right_logical3A_1413 = arith.constant 18 : i32
      %shift_right_logical3A_1414 = arith.shrui %add3A_1412, %shift_right_logical3A_1413 : i32
      %and3A_1415 = arith.constant 262143 : i32
      %and3A_1416 = arith.andi %add3A_1412, %and3A_1415 : i32
      %multiple_of3A_1417 = tpu.assume_multiple %and3A_1416, 256 : i32
      %mul3A_1418 = arith.constant 32 : i32
      %mul3A_1419 = arith.muli %shift_right_logical3A_1414, %mul3A_1418 : i32
      %dma_start3A_1420 = tpu.memref_slice %arg5[%mul3A_1419, %multiple_of3A_1417] : memref<128x262144xf32, #tpu.memory_space<hbm>> -> memref<32x256xf32, #tpu.memory_space<hbm>>
      %dma_start3A_1421 = tpu.memref_slice %arg5[%mul3A_1419, %multiple_of3A_1417] : memref<128x262144xf32, #tpu.memory_space<hbm>> -> memref<32x256xf32, #tpu.memory_space<hbm>>
      tpu.enqueue_dma source(%arg13 : memref<32x256xf32, #tpu.memory_space<vmem>>) target(%dma_start3A_1421 : memref<32x256xf32, #tpu.memory_space<hbm>>) target_semaphore(%arg16 : memref<!tpu.dma_semaphore, #tpu.memory_space<semaphore_mem>>)
      %add3A_1422 = arith.constant 3 : i32
      %add3A_1423 = arith.addi %add3A_943, %add3A_1422 : i32
      %mul3A_1424 = arith.constant 256 : i32
      %mul3A_1425 = arith.muli %add3A_1423, %mul3A_1424 : i32
      %add3A_1426 = arith.addi %mul3A_2, %mul3A_1425 : i32
      %dma_start3A_1427 = arith.constant 0 : i32
      %dma_start3A_1428 = tpu.memref_slice %arg3[%dma_start3A_1427, %add3A_1426] : memref<4x1048576xi32, #tpu.memory_space<hbm>> -> memref<4x256xi32, #tpu.memory_space<hbm>>
      %dma_start3A_1429 = arith.constant 0 : i32
      %dma_start3A_1430 = tpu.memref_slice %arg3[%dma_start3A_1429, %add3A_1426] : memref<4x1048576xi32, #tpu.memory_space<hbm>> -> memref<4x256xi32, #tpu.memory_space<hbm>>
      tpu.enqueue_dma source(%dma_start3A_1430 : memref<4x256xi32, #tpu.memory_space<hbm>>) target(%arg7 : memref<4x256xi32, #tpu.memory_space<vmem>>) target_semaphore(%arg14 : memref<!tpu.dma_semaphore, #tpu.memory_space<semaphore_mem>>)
      %dma_start3A_1431 = arith.constant 0 : i32
      %dma_start3A_1432 = tpu.memref_slice %arg4[%dma_start3A_1431, %add3A_1426] : memref<4x1048576xf32, #tpu.memory_space<hbm>> -> memref<4x256xf32, #tpu.memory_space<hbm>>
      %dma_start3A_1433 = arith.constant 0 : i32
      %dma_start3A_1434 = tpu.memref_slice %arg4[%dma_start3A_1433, %add3A_1426] : memref<4x1048576xf32, #tpu.memory_space<hbm>> -> memref<4x256xf32, #tpu.memory_space<hbm>>
      tpu.enqueue_dma source(%dma_start3A_1434 : memref<4x256xf32, #tpu.memory_space<hbm>>) target(%arg9 : memref<4x256xf32, #tpu.memory_space<vmem>>) target_semaphore(%arg14 : memref<!tpu.dma_semaphore, #tpu.memory_space<semaphore_mem>>)
    }
    %scan3A_574 = arith.constant 62 : i32
    %dma_wait3A_575 = arith.constant 0 : i32
    %dma_wait3A_576 = arith.constant 0 : i32
    %dma_wait3A_577 = arith.constant 0 : i32
    %dma_wait3A_578 = arith.constant 0 : i32
    %dma_wait3A_579 = tpu.memref_slice %arg10[%dma_wait3A_576, %dma_wait3A_577, %dma_wait3A_578] : memref<4x256x32xf32, #tpu.memory_space<vmem>> -> memref<1x128x32xf32, #tpu.memory_space<vmem>>
    %dma_wait3A_580 = tpu.memref_squeeze %dma_wait3A_579 : memref<1x128x32xf32, #tpu.memory_space<vmem>> -> memref<128x32xf32, #tpu.memory_space<vmem>>
    %dma_wait3A_581 = arith.constant 0 : i32
    %dma_wait3A_582 = tpu.memref_slice %arg6[%dma_wait3A_575, %dma_wait3A_581] : memref<4x256xi32, #tpu.memory_space<vmem>> -> memref<1x128xi32, #tpu.memory_space<vmem>>
    %dma_wait3A_583 = tpu.memref_squeeze %dma_wait3A_582 : memref<1x128xi32, #tpu.memory_space<vmem>> -> memref<128xi32, #tpu.memory_space<vmem>>
    %dma_wait3A_584 = arith.constant 0 : i32
    %dma_wait3A_585 = arith.constant 0 : i32
    %dma_wait3A_586 = tpu.memref_slice %arg2[%dma_wait3A_584, %dma_wait3A_585] : memref<1048576x32xf32, #tpu.memory_space<hbm>> -> memref<1048576x32xf32, #tpu.memory_space<hbm>>
    tpu.wait_indirect_dma semaphore(%arg15 : memref<!tpu.dma_semaphore, #tpu.memory_space<semaphore_mem>>) src(%dma_wait3A_586 : memref<1048576x32xf32, #tpu.memory_space<hbm>>) dst(%dma_wait3A_580 : memref<128x32xf32, #tpu.memory_space<vmem>>)
    %dma_wait3A_587 = arith.constant 0 : i32
    %dma_wait3A_588 = arith.constant 0 : i32
    %dma_wait3A_589 = arith.constant 128 : i32
    %dma_wait3A_590 = arith.constant 0 : i32
    %dma_wait3A_591 = tpu.memref_slice %arg10[%dma_wait3A_588, %dma_wait3A_589, %dma_wait3A_590] : memref<4x256x32xf32, #tpu.memory_space<vmem>> -> memref<1x128x32xf32, #tpu.memory_space<vmem>>
    %dma_wait3A_592 = tpu.memref_squeeze %dma_wait3A_591 : memref<1x128x32xf32, #tpu.memory_space<vmem>> -> memref<128x32xf32, #tpu.memory_space<vmem>>
    %dma_wait3A_593 = arith.constant 128 : i32
    %dma_wait3A_594 = tpu.memref_slice %arg6[%dma_wait3A_587, %dma_wait3A_593] : memref<4x256xi32, #tpu.memory_space<vmem>> -> memref<1x128xi32, #tpu.memory_space<vmem>>
    %dma_wait3A_595 = tpu.memref_squeeze %dma_wait3A_594 : memref<1x128xi32, #tpu.memory_space<vmem>> -> memref<128xi32, #tpu.memory_space<vmem>>
    %dma_wait3A_596 = arith.constant 0 : i32
    %dma_wait3A_597 = arith.constant 0 : i32
    %dma_wait3A_598 = tpu.memref_slice %arg2[%dma_wait3A_596, %dma_wait3A_597] : memref<1048576x32xf32, #tpu.memory_space<hbm>> -> memref<1048576x32xf32, #tpu.memory_space<hbm>>
    tpu.wait_indirect_dma semaphore(%arg15 : memref<!tpu.dma_semaphore, #tpu.memory_space<semaphore_mem>>) src(%dma_wait3A_598 : memref<1048576x32xf32, #tpu.memory_space<hbm>>) dst(%dma_wait3A_592 : memref<128x32xf32, #tpu.memory_space<vmem>>)
    %dma_wait3A_599 = arith.constant 1 : i32
    %dma_wait3A_600 = arith.constant 1 : i32
    %dma_wait3A_601 = arith.constant 0 : i32
    %dma_wait3A_602 = arith.constant 0 : i32
    %dma_wait3A_603 = tpu.memref_slice %arg10[%dma_wait3A_600, %dma_wait3A_601, %dma_wait3A_602] : memref<4x256x32xf32, #tpu.memory_space<vmem>> -> memref<1x128x32xf32, #tpu.memory_space<vmem>>
    %dma_wait3A_604 = tpu.memref_squeeze %dma_wait3A_603 : memref<1x128x32xf32, #tpu.memory_space<vmem>> -> memref<128x32xf32, #tpu.memory_space<vmem>>
    %dma_wait3A_605 = arith.constant 0 : i32
    %dma_wait3A_606 = tpu.memref_slice %arg6[%dma_wait3A_599, %dma_wait3A_605] : memref<4x256xi32, #tpu.memory_space<vmem>> -> memref<1x128xi32, #tpu.memory_space<vmem>>
    %dma_wait3A_607 = tpu.memref_squeeze %dma_wait3A_606 : memref<1x128xi32, #tpu.memory_space<vmem>> -> memref<128xi32, #tpu.memory_space<vmem>>
    %dma_wait3A_608 = arith.constant 0 : i32
    %dma_wait3A_609 = arith.constant 0 : i32
    %dma_wait3A_610 = tpu.memref_slice %arg2[%dma_wait3A_608, %dma_wait3A_609] : memref<1048576x32xf32, #tpu.memory_space<hbm>> -> memref<1048576x32xf32, #tpu.memory_space<hbm>>
    tpu.wait_indirect_dma semaphore(%arg15 : memref<!tpu.dma_semaphore, #tpu.memory_space<semaphore_mem>>) src(%dma_wait3A_610 : memref<1048576x32xf32, #tpu.memory_space<hbm>>) dst(%dma_wait3A_604 : memref<128x32xf32, #tpu.memory_space<vmem>>)
    %dma_wait3A_611 = arith.constant 1 : i32
    %dma_wait3A_612 = arith.constant 1 : i32
    %dma_wait3A_613 = arith.constant 128 : i32
    %dma_wait3A_614 = arith.constant 0 : i32
    %dma_wait3A_615 = tpu.memref_slice %arg10[%dma_wait3A_612, %dma_wait3A_613, %dma_wait3A_614] : memref<4x256x32xf32, #tpu.memory_space<vmem>> -> memref<1x128x32xf32, #tpu.memory_space<vmem>>
    %dma_wait3A_616 = tpu.memref_squeeze %dma_wait3A_615 : memref<1x128x32xf32, #tpu.memory_space<vmem>> -> memref<128x32xf32, #tpu.memory_space<vmem>>
    %dma_wait3A_617 = arith.constant 128 : i32
    %dma_wait3A_618 = tpu.memref_slice %arg6[%dma_wait3A_611, %dma_wait3A_617] : memref<4x256xi32, #tpu.memory_space<vmem>> -> memref<1x128xi32, #tpu.memory_space<vmem>>
    %dma_wait3A_619 = tpu.memref_squeeze %dma_wait3A_618 : memref<1x128xi32, #tpu.memory_space<vmem>> -> memref<128xi32, #tpu.memory_space<vmem>>
    %dma_wait3A_620 = arith.constant 0 : i32
    %dma_wait3A_621 = arith.constant 0 : i32
    %dma_wait3A_622 = tpu.memref_slice %arg2[%dma_wait3A_620, %dma_wait3A_621] : memref<1048576x32xf32, #tpu.memory_space<hbm>> -> memref<1048576x32xf32, #tpu.memory_space<hbm>>
    tpu.wait_indirect_dma semaphore(%arg15 : memref<!tpu.dma_semaphore, #tpu.memory_space<semaphore_mem>>) src(%dma_wait3A_622 : memref<1048576x32xf32, #tpu.memory_space<hbm>>) dst(%dma_wait3A_616 : memref<128x32xf32, #tpu.memory_space<vmem>>)
    %dma_wait3A_623 = arith.constant 2 : i32
    %dma_wait3A_624 = arith.constant 2 : i32
    %dma_wait3A_625 = arith.constant 0 : i32
    %dma_wait3A_626 = arith.constant 0 : i32
    %dma_wait3A_627 = tpu.memref_slice %arg10[%dma_wait3A_624, %dma_wait3A_625, %dma_wait3A_626] : memref<4x256x32xf32, #tpu.memory_space<vmem>> -> memref<1x128x32xf32, #tpu.memory_space<vmem>>
    %dma_wait3A_628 = tpu.memref_squeeze %dma_wait3A_627 : memref<1x128x32xf32, #tpu.memory_space<vmem>> -> memref<128x32xf32, #tpu.memory_space<vmem>>
    %dma_wait3A_629 = arith.constant 0 : i32
    %dma_wait3A_630 = tpu.memref_slice %arg6[%dma_wait3A_623, %dma_wait3A_629] : memref<4x256xi32, #tpu.memory_space<vmem>> -> memref<1x128xi32, #tpu.memory_space<vmem>>
    %dma_wait3A_631 = tpu.memref_squeeze %dma_wait3A_630 : memref<1x128xi32, #tpu.memory_space<vmem>> -> memref<128xi32, #tpu.memory_space<vmem>>
    %dma_wait3A_632 = arith.constant 0 : i32
    %dma_wait3A_633 = arith.constant 0 : i32
    %dma_wait3A_634 = tpu.memref_slice %arg2[%dma_wait3A_632, %dma_wait3A_633] : memref<1048576x32xf32, #tpu.memory_space<hbm>> -> memref<1048576x32xf32, #tpu.memory_space<hbm>>
    tpu.wait_indirect_dma semaphore(%arg15 : memref<!tpu.dma_semaphore, #tpu.memory_space<semaphore_mem>>) src(%dma_wait3A_634 : memref<1048576x32xf32, #tpu.memory_space<hbm>>) dst(%dma_wait3A_628 : memref<128x32xf32, #tpu.memory_space<vmem>>)
    %dma_wait3A_635 = arith.constant 2 : i32
    %dma_wait3A_636 = arith.constant 2 : i32
    %dma_wait3A_637 = arith.constant 128 : i32
    %dma_wait3A_638 = arith.constant 0 : i32
    %dma_wait3A_639 = tpu.memref_slice %arg10[%dma_wait3A_636, %dma_wait3A_637, %dma_wait3A_638] : memref<4x256x32xf32, #tpu.memory_space<vmem>> -> memref<1x128x32xf32, #tpu.memory_space<vmem>>
    %dma_wait3A_640 = tpu.memref_squeeze %dma_wait3A_639 : memref<1x128x32xf32, #tpu.memory_space<vmem>> -> memref<128x32xf32, #tpu.memory_space<vmem>>
    %dma_wait3A_641 = arith.constant 128 : i32
    %dma_wait3A_642 = tpu.memref_slice %arg6[%dma_wait3A_635, %dma_wait3A_641] : memref<4x256xi32, #tpu.memory_space<vmem>> -> memref<1x128xi32, #tpu.memory_space<vmem>>
    %dma_wait3A_643 = tpu.memref_squeeze %dma_wait3A_642 : memref<1x128xi32, #tpu.memory_space<vmem>> -> memref<128xi32, #tpu.memory_space<vmem>>
    %dma_wait3A_644 = arith.constant 0 : i32
    %dma_wait3A_645 = arith.constant 0 : i32
    %dma_wait3A_646 = tpu.memref_slice %arg2[%dma_wait3A_644, %dma_wait3A_645] : memref<1048576x32xf32, #tpu.memory_space<hbm>> -> memref<1048576x32xf32, #tpu.memory_space<hbm>>
    tpu.wait_indirect_dma semaphore(%arg15 : memref<!tpu.dma_semaphore, #tpu.memory_space<semaphore_mem>>) src(%dma_wait3A_646 : memref<1048576x32xf32, #tpu.memory_space<hbm>>) dst(%dma_wait3A_640 : memref<128x32xf32, #tpu.memory_space<vmem>>)
    %dma_wait3A_647 = arith.constant 3 : i32
    %dma_wait3A_648 = arith.constant 3 : i32
    %dma_wait3A_649 = arith.constant 0 : i32
    %dma_wait3A_650 = arith.constant 0 : i32
    %dma_wait3A_651 = tpu.memref_slice %arg10[%dma_wait3A_648, %dma_wait3A_649, %dma_wait3A_650] : memref<4x256x32xf32, #tpu.memory_space<vmem>> -> memref<1x128x32xf32, #tpu.memory_space<vmem>>
    %dma_wait3A_652 = tpu.memref_squeeze %dma_wait3A_651 : memref<1x128x32xf32, #tpu.memory_space<vmem>> -> memref<128x32xf32, #tpu.memory_space<vmem>>
    %dma_wait3A_653 = arith.constant 0 : i32
    %dma_wait3A_654 = tpu.memref_slice %arg6[%dma_wait3A_647, %dma_wait3A_653] : memref<4x256xi32, #tpu.memory_space<vmem>> -> memref<1x128xi32, #tpu.memory_space<vmem>>
    %dma_wait3A_655 = tpu.memref_squeeze %dma_wait3A_654 : memref<1x128xi32, #tpu.memory_space<vmem>> -> memref<128xi32, #tpu.memory_space<vmem>>
    %dma_wait3A_656 = arith.constant 0 : i32
    %dma_wait3A_657 = arith.constant 0 : i32
    %dma_wait3A_658 = tpu.memref_slice %arg2[%dma_wait3A_656, %dma_wait3A_657] : memref<1048576x32xf32, #tpu.memory_space<hbm>> -> memref<1048576x32xf32, #tpu.memory_space<hbm>>
    tpu.wait_indirect_dma semaphore(%arg15 : memref<!tpu.dma_semaphore, #tpu.memory_space<semaphore_mem>>) src(%dma_wait3A_658 : memref<1048576x32xf32, #tpu.memory_space<hbm>>) dst(%dma_wait3A_652 : memref<128x32xf32, #tpu.memory_space<vmem>>)
    %dma_wait3A_659 = arith.constant 3 : i32
    %dma_wait3A_660 = arith.constant 3 : i32
    %dma_wait3A_661 = arith.constant 128 : i32
    %dma_wait3A_662 = arith.constant 0 : i32
    %dma_wait3A_663 = tpu.memref_slice %arg10[%dma_wait3A_660, %dma_wait3A_661, %dma_wait3A_662] : memref<4x256x32xf32, #tpu.memory_space<vmem>> -> memref<1x128x32xf32, #tpu.memory_space<vmem>>
    %dma_wait3A_664 = tpu.memref_squeeze %dma_wait3A_663 : memref<1x128x32xf32, #tpu.memory_space<vmem>> -> memref<128x32xf32, #tpu.memory_space<vmem>>
    %dma_wait3A_665 = arith.constant 128 : i32
    %dma_wait3A_666 = tpu.memref_slice %arg6[%dma_wait3A_659, %dma_wait3A_665] : memref<4x256xi32, #tpu.memory_space<vmem>> -> memref<1x128xi32, #tpu.memory_space<vmem>>
    %dma_wait3A_667 = tpu.memref_squeeze %dma_wait3A_666 : memref<1x128xi32, #tpu.memory_space<vmem>> -> memref<128xi32, #tpu.memory_space<vmem>>
    %dma_wait3A_668 = arith.constant 0 : i32
    %dma_wait3A_669 = arith.constant 0 : i32
    %dma_wait3A_670 = tpu.memref_slice %arg2[%dma_wait3A_668, %dma_wait3A_669] : memref<1048576x32xf32, #tpu.memory_space<hbm>> -> memref<1048576x32xf32, #tpu.memory_space<hbm>>
    tpu.wait_indirect_dma semaphore(%arg15 : memref<!tpu.dma_semaphore, #tpu.memory_space<semaphore_mem>>) src(%dma_wait3A_670 : memref<1048576x32xf32, #tpu.memory_space<hbm>>) dst(%dma_wait3A_664 : memref<128x32xf32, #tpu.memory_space<vmem>>)
    %add3A_671 = arith.constant 32512 : i32
    %add3A_672 = arith.addi %mul3A_2, %add3A_671 : i32
    %dma_wait3A_673 = arith.constant 0 : i32
    %dma_wait3A_674 = tpu.memref_slice %arg3[%dma_wait3A_673, %add3A_672] : memref<4x1048576xi32, #tpu.memory_space<hbm>> -> memref<4x256xi32, #tpu.memory_space<hbm>>
    %dma_wait3A_675 = arith.constant 0 : i32
    %dma_wait3A_676 = tpu.memref_slice %arg3[%dma_wait3A_675, %add3A_672] : memref<4x1048576xi32, #tpu.memory_space<hbm>> -> memref<4x256xi32, #tpu.memory_space<hbm>>
    tpu.wait_dma2 semaphore(%arg14 : memref<!tpu.dma_semaphore, #tpu.memory_space<semaphore_mem>>) src(%dma_wait3A_676 : memref<4x256xi32, #tpu.memory_space<hbm>>) dst(%arg7 : memref<4x256xi32, #tpu.memory_space<vmem>>)
    %dma_wait3A_677 = arith.constant 0 : i32
    %dma_wait3A_678 = tpu.memref_slice %arg4[%dma_wait3A_677, %add3A_672] : memref<4x1048576xf32, #tpu.memory_space<hbm>> -> memref<4x256xf32, #tpu.memory_space<hbm>>
    %dma_wait3A_679 = arith.constant 0 : i32
    %dma_wait3A_680 = tpu.memref_slice %arg4[%dma_wait3A_679, %add3A_672] : memref<4x1048576xf32, #tpu.memory_space<hbm>> -> memref<4x256xf32, #tpu.memory_space<hbm>>
    tpu.wait_dma2 semaphore(%arg14 : memref<!tpu.dma_semaphore, #tpu.memory_space<semaphore_mem>>) src(%dma_wait3A_680 : memref<4x256xf32, #tpu.memory_space<hbm>>) dst(%arg9 : memref<4x256xf32, #tpu.memory_space<vmem>>)
    %dma_start3A_681 = arith.constant 0 : i32
    %dma_start3A_682 = arith.constant 0 : i32
    %dma_start3A_683 = arith.constant 0 : i32
    %dma_start3A_684 = arith.constant 0 : i32
    %dma_start3A_685 = tpu.memref_slice %arg11[%dma_start3A_682, %dma_start3A_683, %dma_start3A_684] : memref<4x256x32xf32, #tpu.memory_space<vmem>> -> memref<1x128x32xf32, #tpu.memory_space<vmem>>
    %dma_start3A_686 = tpu.memref_squeeze %dma_start3A_685 : memref<1x128x32xf32, #tpu.memory_space<vmem>> -> memref<128x32xf32, #tpu.memory_space<vmem>>
    %dma_start3A_687 = arith.constant 0 : i32
    %dma_start3A_688 = tpu.memref_slice %arg7[%dma_start3A_681, %dma_start3A_687] : memref<4x256xi32, #tpu.memory_space<vmem>> -> memref<1x128xi32, #tpu.memory_space<vmem>>
    %dma_start3A_689 = tpu.memref_squeeze %dma_start3A_688 : memref<1x128xi32, #tpu.memory_space<vmem>> -> memref<128xi32, #tpu.memory_space<vmem>>
    %dma_start3A_690 = arith.constant 0 : i32
    %dma_start3A_691 = arith.constant 0 : i32
    %dma_start3A_692 = tpu.memref_slice %arg2[%dma_start3A_690, %dma_start3A_691] : memref<1048576x32xf32, #tpu.memory_space<hbm>> -> memref<1048576x32xf32, #tpu.memory_space<hbm>>
    tpu.enqueue_indirect_dma source(%dma_start3A_692 : memref<1048576x32xf32, #tpu.memory_space<hbm>>) target(%dma_start3A_686 : memref<128x32xf32, #tpu.memory_space<vmem>>) offsets(%dma_start3A_689 : memref<128xi32, #tpu.memory_space<vmem>>) semaphore(%arg15 : memref<!tpu.dma_semaphore, #tpu.memory_space<semaphore_mem>>)
    %dma_start3A_693 = arith.constant 0 : i32
    %dma_start3A_694 = arith.constant 0 : i32
    %dma_start3A_695 = arith.constant 128 : i32
    %dma_start3A_696 = arith.constant 0 : i32
    %dma_start3A_697 = tpu.memref_slice %arg11[%dma_start3A_694, %dma_start3A_695, %dma_start3A_696] : memref<4x256x32xf32, #tpu.memory_space<vmem>> -> memref<1x128x32xf32, #tpu.memory_space<vmem>>
    %dma_start3A_698 = tpu.memref_squeeze %dma_start3A_697 : memref<1x128x32xf32, #tpu.memory_space<vmem>> -> memref<128x32xf32, #tpu.memory_space<vmem>>
    %dma_start3A_699 = arith.constant 128 : i32
    %dma_start3A_700 = tpu.memref_slice %arg7[%dma_start3A_693, %dma_start3A_699] : memref<4x256xi32, #tpu.memory_space<vmem>> -> memref<1x128xi32, #tpu.memory_space<vmem>>
    %dma_start3A_701 = tpu.memref_squeeze %dma_start3A_700 : memref<1x128xi32, #tpu.memory_space<vmem>> -> memref<128xi32, #tpu.memory_space<vmem>>
    %dma_start3A_702 = arith.constant 0 : i32
    %dma_start3A_703 = arith.constant 0 : i32
    %dma_start3A_704 = tpu.memref_slice %arg2[%dma_start3A_702, %dma_start3A_703] : memref<1048576x32xf32, #tpu.memory_space<hbm>> -> memref<1048576x32xf32, #tpu.memory_space<hbm>>
    tpu.enqueue_indirect_dma source(%dma_start3A_704 : memref<1048576x32xf32, #tpu.memory_space<hbm>>) target(%dma_start3A_698 : memref<128x32xf32, #tpu.memory_space<vmem>>) offsets(%dma_start3A_701 : memref<128xi32, #tpu.memory_space<vmem>>) semaphore(%arg15 : memref<!tpu.dma_semaphore, #tpu.memory_space<semaphore_mem>>)
    %dma_start3A_705 = arith.constant 1 : i32
    %dma_start3A_706 = arith.constant 1 : i32
    %dma_start3A_707 = arith.constant 0 : i32
    %dma_start3A_708 = arith.constant 0 : i32
    %dma_start3A_709 = tpu.memref_slice %arg11[%dma_start3A_706, %dma_start3A_707, %dma_start3A_708] : memref<4x256x32xf32, #tpu.memory_space<vmem>> -> memref<1x128x32xf32, #tpu.memory_space<vmem>>
    %dma_start3A_710 = tpu.memref_squeeze %dma_start3A_709 : memref<1x128x32xf32, #tpu.memory_space<vmem>> -> memref<128x32xf32, #tpu.memory_space<vmem>>
    %dma_start3A_711 = arith.constant 0 : i32
    %dma_start3A_712 = tpu.memref_slice %arg7[%dma_start3A_705, %dma_start3A_711] : memref<4x256xi32, #tpu.memory_space<vmem>> -> memref<1x128xi32, #tpu.memory_space<vmem>>
    %dma_start3A_713 = tpu.memref_squeeze %dma_start3A_712 : memref<1x128xi32, #tpu.memory_space<vmem>> -> memref<128xi32, #tpu.memory_space<vmem>>
    %dma_start3A_714 = arith.constant 0 : i32
    %dma_start3A_715 = arith.constant 0 : i32
    %dma_start3A_716 = tpu.memref_slice %arg2[%dma_start3A_714, %dma_start3A_715] : memref<1048576x32xf32, #tpu.memory_space<hbm>> -> memref<1048576x32xf32, #tpu.memory_space<hbm>>
    tpu.enqueue_indirect_dma source(%dma_start3A_716 : memref<1048576x32xf32, #tpu.memory_space<hbm>>) target(%dma_start3A_710 : memref<128x32xf32, #tpu.memory_space<vmem>>) offsets(%dma_start3A_713 : memref<128xi32, #tpu.memory_space<vmem>>) semaphore(%arg15 : memref<!tpu.dma_semaphore, #tpu.memory_space<semaphore_mem>>)
    %dma_start3A_717 = arith.constant 1 : i32
    %dma_start3A_718 = arith.constant 1 : i32
    %dma_start3A_719 = arith.constant 128 : i32
    %dma_start3A_720 = arith.constant 0 : i32
    %dma_start3A_721 = tpu.memref_slice %arg11[%dma_start3A_718, %dma_start3A_719, %dma_start3A_720] : memref<4x256x32xf32, #tpu.memory_space<vmem>> -> memref<1x128x32xf32, #tpu.memory_space<vmem>>
    %dma_start3A_722 = tpu.memref_squeeze %dma_start3A_721 : memref<1x128x32xf32, #tpu.memory_space<vmem>> -> memref<128x32xf32, #tpu.memory_space<vmem>>
    %dma_start3A_723 = arith.constant 128 : i32
    %dma_start3A_724 = tpu.memref_slice %arg7[%dma_start3A_717, %dma_start3A_723] : memref<4x256xi32, #tpu.memory_space<vmem>> -> memref<1x128xi32, #tpu.memory_space<vmem>>
    %dma_start3A_725 = tpu.memref_squeeze %dma_start3A_724 : memref<1x128xi32, #tpu.memory_space<vmem>> -> memref<128xi32, #tpu.memory_space<vmem>>
    %dma_start3A_726 = arith.constant 0 : i32
    %dma_start3A_727 = arith.constant 0 : i32
    %dma_start3A_728 = tpu.memref_slice %arg2[%dma_start3A_726, %dma_start3A_727] : memref<1048576x32xf32, #tpu.memory_space<hbm>> -> memref<1048576x32xf32, #tpu.memory_space<hbm>>
    tpu.enqueue_indirect_dma source(%dma_start3A_728 : memref<1048576x32xf32, #tpu.memory_space<hbm>>) target(%dma_start3A_722 : memref<128x32xf32, #tpu.memory_space<vmem>>) offsets(%dma_start3A_725 : memref<128xi32, #tpu.memory_space<vmem>>) semaphore(%arg15 : memref<!tpu.dma_semaphore, #tpu.memory_space<semaphore_mem>>)
    %dma_start3A_729 = arith.constant 2 : i32
    %dma_start3A_730 = arith.constant 2 : i32
    %dma_start3A_731 = arith.constant 0 : i32
    %dma_start3A_732 = arith.constant 0 : i32
    %dma_start3A_733 = tpu.memref_slice %arg11[%dma_start3A_730, %dma_start3A_731, %dma_start3A_732] : memref<4x256x32xf32, #tpu.memory_space<vmem>> -> memref<1x128x32xf32, #tpu.memory_space<vmem>>
    %dma_start3A_734 = tpu.memref_squeeze %dma_start3A_733 : memref<1x128x32xf32, #tpu.memory_space<vmem>> -> memref<128x32xf32, #tpu.memory_space<vmem>>
    %dma_start3A_735 = arith.constant 0 : i32
    %dma_start3A_736 = tpu.memref_slice %arg7[%dma_start3A_729, %dma_start3A_735] : memref<4x256xi32, #tpu.memory_space<vmem>> -> memref<1x128xi32, #tpu.memory_space<vmem>>
    %dma_start3A_737 = tpu.memref_squeeze %dma_start3A_736 : memref<1x128xi32, #tpu.memory_space<vmem>> -> memref<128xi32, #tpu.memory_space<vmem>>
    %dma_start3A_738 = arith.constant 0 : i32
    %dma_start3A_739 = arith.constant 0 : i32
    %dma_start3A_740 = tpu.memref_slice %arg2[%dma_start3A_738, %dma_start3A_739] : memref<1048576x32xf32, #tpu.memory_space<hbm>> -> memref<1048576x32xf32, #tpu.memory_space<hbm>>
    tpu.enqueue_indirect_dma source(%dma_start3A_740 : memref<1048576x32xf32, #tpu.memory_space<hbm>>) target(%dma_start3A_734 : memref<128x32xf32, #tpu.memory_space<vmem>>) offsets(%dma_start3A_737 : memref<128xi32, #tpu.memory_space<vmem>>) semaphore(%arg15 : memref<!tpu.dma_semaphore, #tpu.memory_space<semaphore_mem>>)
    %dma_start3A_741 = arith.constant 2 : i32
    %dma_start3A_742 = arith.constant 2 : i32
    %dma_start3A_743 = arith.constant 128 : i32
    %dma_start3A_744 = arith.constant 0 : i32
    %dma_start3A_745 = tpu.memref_slice %arg11[%dma_start3A_742, %dma_start3A_743, %dma_start3A_744] : memref<4x256x32xf32, #tpu.memory_space<vmem>> -> memref<1x128x32xf32, #tpu.memory_space<vmem>>
    %dma_start3A_746 = tpu.memref_squeeze %dma_start3A_745 : memref<1x128x32xf32, #tpu.memory_space<vmem>> -> memref<128x32xf32, #tpu.memory_space<vmem>>
    %dma_start3A_747 = arith.constant 128 : i32
    %dma_start3A_748 = tpu.memref_slice %arg7[%dma_start3A_741, %dma_start3A_747] : memref<4x256xi32, #tpu.memory_space<vmem>> -> memref<1x128xi32, #tpu.memory_space<vmem>>
    %dma_start3A_749 = tpu.memref_squeeze %dma_start3A_748 : memref<1x128xi32, #tpu.memory_space<vmem>> -> memref<128xi32, #tpu.memory_space<vmem>>
    %dma_start3A_750 = arith.constant 0 : i32
    %dma_start3A_751 = arith.constant 0 : i32
    %dma_start3A_752 = tpu.memref_slice %arg2[%dma_start3A_750, %dma_start3A_751] : memref<1048576x32xf32, #tpu.memory_space<hbm>> -> memref<1048576x32xf32, #tpu.memory_space<hbm>>
    tpu.enqueue_indirect_dma source(%dma_start3A_752 : memref<1048576x32xf32, #tpu.memory_space<hbm>>) target(%dma_start3A_746 : memref<128x32xf32, #tpu.memory_space<vmem>>) offsets(%dma_start3A_749 : memref<128xi32, #tpu.memory_space<vmem>>) semaphore(%arg15 : memref<!tpu.dma_semaphore, #tpu.memory_space<semaphore_mem>>)
    %dma_start3A_753 = arith.constant 3 : i32
    %dma_start3A_754 = arith.constant 3 : i32
    %dma_start3A_755 = arith.constant 0 : i32
    %dma_start3A_756 = arith.constant 0 : i32
    %dma_start3A_757 = tpu.memref_slice %arg11[%dma_start3A_754, %dma_start3A_755, %dma_start3A_756] : memref<4x256x32xf32, #tpu.memory_space<vmem>> -> memref<1x128x32xf32, #tpu.memory_space<vmem>>
    %dma_start3A_758 = tpu.memref_squeeze %dma_start3A_757 : memref<1x128x32xf32, #tpu.memory_space<vmem>> -> memref<128x32xf32, #tpu.memory_space<vmem>>
    %dma_start3A_759 = arith.constant 0 : i32
    %dma_start3A_760 = tpu.memref_slice %arg7[%dma_start3A_753, %dma_start3A_759] : memref<4x256xi32, #tpu.memory_space<vmem>> -> memref<1x128xi32, #tpu.memory_space<vmem>>
    %dma_start3A_761 = tpu.memref_squeeze %dma_start3A_760 : memref<1x128xi32, #tpu.memory_space<vmem>> -> memref<128xi32, #tpu.memory_space<vmem>>
    %dma_start3A_762 = arith.constant 0 : i32
    %dma_start3A_763 = arith.constant 0 : i32
    %dma_start3A_764 = tpu.memref_slice %arg2[%dma_start3A_762, %dma_start3A_763] : memref<1048576x32xf32, #tpu.memory_space<hbm>> -> memref<1048576x32xf32, #tpu.memory_space<hbm>>
    tpu.enqueue_indirect_dma source(%dma_start3A_764 : memref<1048576x32xf32, #tpu.memory_space<hbm>>) target(%dma_start3A_758 : memref<128x32xf32, #tpu.memory_space<vmem>>) offsets(%dma_start3A_761 : memref<128xi32, #tpu.memory_space<vmem>>) semaphore(%arg15 : memref<!tpu.dma_semaphore, #tpu.memory_space<semaphore_mem>>)
    %dma_start3A_765 = arith.constant 3 : i32
    %dma_start3A_766 = arith.constant 3 : i32
    %dma_start3A_767 = arith.constant 128 : i32
    %dma_start3A_768 = arith.constant 0 : i32
    %dma_start3A_769 = tpu.memref_slice %arg11[%dma_start3A_766, %dma_start3A_767, %dma_start3A_768] : memref<4x256x32xf32, #tpu.memory_space<vmem>> -> memref<1x128x32xf32, #tpu.memory_space<vmem>>
    %dma_start3A_770 = tpu.memref_squeeze %dma_start3A_769 : memref<1x128x32xf32, #tpu.memory_space<vmem>> -> memref<128x32xf32, #tpu.memory_space<vmem>>
    %dma_start3A_771 = arith.constant 128 : i32
    %dma_start3A_772 = tpu.memref_slice %arg7[%dma_start3A_765, %dma_start3A_771] : memref<4x256xi32, #tpu.memory_space<vmem>> -> memref<1x128xi32, #tpu.memory_space<vmem>>
    %dma_start3A_773 = tpu.memref_squeeze %dma_start3A_772 : memref<1x128xi32, #tpu.memory_space<vmem>> -> memref<128xi32, #tpu.memory_space<vmem>>
    %dma_start3A_774 = arith.constant 0 : i32
    %dma_start3A_775 = arith.constant 0 : i32
    %dma_start3A_776 = tpu.memref_slice %arg2[%dma_start3A_774, %dma_start3A_775] : memref<1048576x32xf32, #tpu.memory_space<hbm>> -> memref<1048576x32xf32, #tpu.memory_space<hbm>>
    tpu.enqueue_indirect_dma source(%dma_start3A_776 : memref<1048576x32xf32, #tpu.memory_space<hbm>>) target(%dma_start3A_770 : memref<128x32xf32, #tpu.memory_space<vmem>>) offsets(%dma_start3A_773 : memref<128xi32, #tpu.memory_space<vmem>>) semaphore(%arg15 : memref<!tpu.dma_semaphore, #tpu.memory_space<semaphore_mem>>)
    %add3A_777 = arith.constant 31744 : i32
    %add3A_778 = arith.addi %mul3A_2, %add3A_777 : i32
    %shift_right_logical3A_779 = arith.constant 18 : i32
    %shift_right_logical3A_780 = arith.shrui %add3A_778, %shift_right_logical3A_779 : i32
    %and3A_781 = arith.constant 262143 : i32
    %and3A_782 = arith.andi %add3A_778, %and3A_781 : i32
    %multiple_of3A_783 = tpu.assume_multiple %and3A_782, 256 : i32
    %mul3A_784 = arith.constant 32 : i32
    %mul3A_785 = arith.muli %shift_right_logical3A_780, %mul3A_784 : i32
    %dma_wait3A_786 = tpu.memref_slice %arg5[%mul3A_785, %multiple_of3A_783] : memref<128x262144xf32, #tpu.memory_space<hbm>> -> memref<32x256xf32, #tpu.memory_space<hbm>>
    %dma_wait3A_787 = tpu.memref_slice %arg5[%mul3A_785, %multiple_of3A_783] : memref<128x262144xf32, #tpu.memory_space<hbm>> -> memref<32x256xf32, #tpu.memory_space<hbm>>
    tpu.wait_dma2 semaphore(%arg16 : memref<!tpu.dma_semaphore, #tpu.memory_space<semaphore_mem>>) src(%arg12 : memref<32x256xf32, #tpu.memory_space<vmem>>) dst(%dma_wait3A_787 : memref<32x256xf32, #tpu.memory_space<hbm>>)
    %add3A_788 = arith.constant 32256 : i32
    %add3A_789 = arith.addi %mul3A_2, %add3A_788 : i32
    %shift_right_logical3A_790 = arith.constant 18 : i32
    %shift_right_logical3A_791 = arith.shrui %add3A_789, %shift_right_logical3A_790 : i32
    %and3A_792 = arith.constant 262143 : i32
    %and3A_793 = arith.andi %add3A_789, %and3A_792 : i32
    %multiple_of3A_794 = tpu.assume_multiple %and3A_793, 256 : i32
    %mul3A_795 = arith.constant 32 : i32
    %mul3A_796 = arith.muli %shift_right_logical3A_791, %mul3A_795 : i32
    %dma_start3A_797 = tpu.memref_slice %arg5[%mul3A_796, %multiple_of3A_794] : memref<128x262144xf32, #tpu.memory_space<hbm>> -> memref<32x256xf32, #tpu.memory_space<hbm>>
    %dma_start3A_798 = tpu.memref_slice %arg5[%mul3A_796, %multiple_of3A_794] : memref<128x262144xf32, #tpu.memory_space<hbm>> -> memref<32x256xf32, #tpu.memory_space<hbm>>
    tpu.enqueue_dma source(%arg12 : memref<32x256xf32, #tpu.memory_space<vmem>>) target(%dma_start3A_798 : memref<32x256xf32, #tpu.memory_space<hbm>>) target_semaphore(%arg16 : memref<!tpu.dma_semaphore, #tpu.memory_space<semaphore_mem>>)
    %dma_wait3A_799 = arith.constant 0 : i32
    %dma_wait3A_800 = arith.constant 0 : i32
    %dma_wait3A_801 = arith.constant 0 : i32
    %dma_wait3A_802 = arith.constant 0 : i32
    %dma_wait3A_803 = tpu.memref_slice %arg11[%dma_wait3A_800, %dma_wait3A_801, %dma_wait3A_802] : memref<4x256x32xf32, #tpu.memory_space<vmem>> -> memref<1x128x32xf32, #tpu.memory_space<vmem>>
    %dma_wait3A_804 = tpu.memref_squeeze %dma_wait3A_803 : memref<1x128x32xf32, #tpu.memory_space<vmem>> -> memref<128x32xf32, #tpu.memory_space<vmem>>
    %dma_wait3A_805 = arith.constant 0 : i32
    %dma_wait3A_806 = tpu.memref_slice %arg7[%dma_wait3A_799, %dma_wait3A_805] : memref<4x256xi32, #tpu.memory_space<vmem>> -> memref<1x128xi32, #tpu.memory_space<vmem>>
    %dma_wait3A_807 = tpu.memref_squeeze %dma_wait3A_806 : memref<1x128xi32, #tpu.memory_space<vmem>> -> memref<128xi32, #tpu.memory_space<vmem>>
    %dma_wait3A_808 = arith.constant 0 : i32
    %dma_wait3A_809 = arith.constant 0 : i32
    %dma_wait3A_810 = tpu.memref_slice %arg2[%dma_wait3A_808, %dma_wait3A_809] : memref<1048576x32xf32, #tpu.memory_space<hbm>> -> memref<1048576x32xf32, #tpu.memory_space<hbm>>
    tpu.wait_indirect_dma semaphore(%arg15 : memref<!tpu.dma_semaphore, #tpu.memory_space<semaphore_mem>>) src(%dma_wait3A_810 : memref<1048576x32xf32, #tpu.memory_space<hbm>>) dst(%dma_wait3A_804 : memref<128x32xf32, #tpu.memory_space<vmem>>)
    %dma_wait3A_811 = arith.constant 0 : i32
    %dma_wait3A_812 = arith.constant 0 : i32
    %dma_wait3A_813 = arith.constant 128 : i32
    %dma_wait3A_814 = arith.constant 0 : i32
    %dma_wait3A_815 = tpu.memref_slice %arg11[%dma_wait3A_812, %dma_wait3A_813, %dma_wait3A_814] : memref<4x256x32xf32, #tpu.memory_space<vmem>> -> memref<1x128x32xf32, #tpu.memory_space<vmem>>
    %dma_wait3A_816 = tpu.memref_squeeze %dma_wait3A_815 : memref<1x128x32xf32, #tpu.memory_space<vmem>> -> memref<128x32xf32, #tpu.memory_space<vmem>>
    %dma_wait3A_817 = arith.constant 128 : i32
    %dma_wait3A_818 = tpu.memref_slice %arg7[%dma_wait3A_811, %dma_wait3A_817] : memref<4x256xi32, #tpu.memory_space<vmem>> -> memref<1x128xi32, #tpu.memory_space<vmem>>
    %dma_wait3A_819 = tpu.memref_squeeze %dma_wait3A_818 : memref<1x128xi32, #tpu.memory_space<vmem>> -> memref<128xi32, #tpu.memory_space<vmem>>
    %dma_wait3A_820 = arith.constant 0 : i32
    %dma_wait3A_821 = arith.constant 0 : i32
    %dma_wait3A_822 = tpu.memref_slice %arg2[%dma_wait3A_820, %dma_wait3A_821] : memref<1048576x32xf32, #tpu.memory_space<hbm>> -> memref<1048576x32xf32, #tpu.memory_space<hbm>>
    tpu.wait_indirect_dma semaphore(%arg15 : memref<!tpu.dma_semaphore, #tpu.memory_space<semaphore_mem>>) src(%dma_wait3A_822 : memref<1048576x32xf32, #tpu.memory_space<hbm>>) dst(%dma_wait3A_816 : memref<128x32xf32, #tpu.memory_space<vmem>>)
    %dma_wait3A_823 = arith.constant 1 : i32
    %dma_wait3A_824 = arith.constant 1 : i32
    %dma_wait3A_825 = arith.constant 0 : i32
    %dma_wait3A_826 = arith.constant 0 : i32
    %dma_wait3A_827 = tpu.memref_slice %arg11[%dma_wait3A_824, %dma_wait3A_825, %dma_wait3A_826] : memref<4x256x32xf32, #tpu.memory_space<vmem>> -> memref<1x128x32xf32, #tpu.memory_space<vmem>>
    %dma_wait3A_828 = tpu.memref_squeeze %dma_wait3A_827 : memref<1x128x32xf32, #tpu.memory_space<vmem>> -> memref<128x32xf32, #tpu.memory_space<vmem>>
    %dma_wait3A_829 = arith.constant 0 : i32
    %dma_wait3A_830 = tpu.memref_slice %arg7[%dma_wait3A_823, %dma_wait3A_829] : memref<4x256xi32, #tpu.memory_space<vmem>> -> memref<1x128xi32, #tpu.memory_space<vmem>>
    %dma_wait3A_831 = tpu.memref_squeeze %dma_wait3A_830 : memref<1x128xi32, #tpu.memory_space<vmem>> -> memref<128xi32, #tpu.memory_space<vmem>>
    %dma_wait3A_832 = arith.constant 0 : i32
    %dma_wait3A_833 = arith.constant 0 : i32
    %dma_wait3A_834 = tpu.memref_slice %arg2[%dma_wait3A_832, %dma_wait3A_833] : memref<1048576x32xf32, #tpu.memory_space<hbm>> -> memref<1048576x32xf32, #tpu.memory_space<hbm>>
    tpu.wait_indirect_dma semaphore(%arg15 : memref<!tpu.dma_semaphore, #tpu.memory_space<semaphore_mem>>) src(%dma_wait3A_834 : memref<1048576x32xf32, #tpu.memory_space<hbm>>) dst(%dma_wait3A_828 : memref<128x32xf32, #tpu.memory_space<vmem>>)
    %dma_wait3A_835 = arith.constant 1 : i32
    %dma_wait3A_836 = arith.constant 1 : i32
    %dma_wait3A_837 = arith.constant 128 : i32
    %dma_wait3A_838 = arith.constant 0 : i32
    %dma_wait3A_839 = tpu.memref_slice %arg11[%dma_wait3A_836, %dma_wait3A_837, %dma_wait3A_838] : memref<4x256x32xf32, #tpu.memory_space<vmem>> -> memref<1x128x32xf32, #tpu.memory_space<vmem>>
    %dma_wait3A_840 = tpu.memref_squeeze %dma_wait3A_839 : memref<1x128x32xf32, #tpu.memory_space<vmem>> -> memref<128x32xf32, #tpu.memory_space<vmem>>
    %dma_wait3A_841 = arith.constant 128 : i32
    %dma_wait3A_842 = tpu.memref_slice %arg7[%dma_wait3A_835, %dma_wait3A_841] : memref<4x256xi32, #tpu.memory_space<vmem>> -> memref<1x128xi32, #tpu.memory_space<vmem>>
    %dma_wait3A_843 = tpu.memref_squeeze %dma_wait3A_842 : memref<1x128xi32, #tpu.memory_space<vmem>> -> memref<128xi32, #tpu.memory_space<vmem>>
    %dma_wait3A_844 = arith.constant 0 : i32
    %dma_wait3A_845 = arith.constant 0 : i32
    %dma_wait3A_846 = tpu.memref_slice %arg2[%dma_wait3A_844, %dma_wait3A_845] : memref<1048576x32xf32, #tpu.memory_space<hbm>> -> memref<1048576x32xf32, #tpu.memory_space<hbm>>
    tpu.wait_indirect_dma semaphore(%arg15 : memref<!tpu.dma_semaphore, #tpu.memory_space<semaphore_mem>>) src(%dma_wait3A_846 : memref<1048576x32xf32, #tpu.memory_space<hbm>>) dst(%dma_wait3A_840 : memref<128x32xf32, #tpu.memory_space<vmem>>)
    %dma_wait3A_847 = arith.constant 2 : i32
    %dma_wait3A_848 = arith.constant 2 : i32
    %dma_wait3A_849 = arith.constant 0 : i32
    %dma_wait3A_850 = arith.constant 0 : i32
    %dma_wait3A_851 = tpu.memref_slice %arg11[%dma_wait3A_848, %dma_wait3A_849, %dma_wait3A_850] : memref<4x256x32xf32, #tpu.memory_space<vmem>> -> memref<1x128x32xf32, #tpu.memory_space<vmem>>
    %dma_wait3A_852 = tpu.memref_squeeze %dma_wait3A_851 : memref<1x128x32xf32, #tpu.memory_space<vmem>> -> memref<128x32xf32, #tpu.memory_space<vmem>>
    %dma_wait3A_853 = arith.constant 0 : i32
    %dma_wait3A_854 = tpu.memref_slice %arg7[%dma_wait3A_847, %dma_wait3A_853] : memref<4x256xi32, #tpu.memory_space<vmem>> -> memref<1x128xi32, #tpu.memory_space<vmem>>
    %dma_wait3A_855 = tpu.memref_squeeze %dma_wait3A_854 : memref<1x128xi32, #tpu.memory_space<vmem>> -> memref<128xi32, #tpu.memory_space<vmem>>
    %dma_wait3A_856 = arith.constant 0 : i32
    %dma_wait3A_857 = arith.constant 0 : i32
    %dma_wait3A_858 = tpu.memref_slice %arg2[%dma_wait3A_856, %dma_wait3A_857] : memref<1048576x32xf32, #tpu.memory_space<hbm>> -> memref<1048576x32xf32, #tpu.memory_space<hbm>>
    tpu.wait_indirect_dma semaphore(%arg15 : memref<!tpu.dma_semaphore, #tpu.memory_space<semaphore_mem>>) src(%dma_wait3A_858 : memref<1048576x32xf32, #tpu.memory_space<hbm>>) dst(%dma_wait3A_852 : memref<128x32xf32, #tpu.memory_space<vmem>>)
    %dma_wait3A_859 = arith.constant 2 : i32
    %dma_wait3A_860 = arith.constant 2 : i32
    %dma_wait3A_861 = arith.constant 128 : i32
    %dma_wait3A_862 = arith.constant 0 : i32
    %dma_wait3A_863 = tpu.memref_slice %arg11[%dma_wait3A_860, %dma_wait3A_861, %dma_wait3A_862] : memref<4x256x32xf32, #tpu.memory_space<vmem>> -> memref<1x128x32xf32, #tpu.memory_space<vmem>>
    %dma_wait3A_864 = tpu.memref_squeeze %dma_wait3A_863 : memref<1x128x32xf32, #tpu.memory_space<vmem>> -> memref<128x32xf32, #tpu.memory_space<vmem>>
    %dma_wait3A_865 = arith.constant 128 : i32
    %dma_wait3A_866 = tpu.memref_slice %arg7[%dma_wait3A_859, %dma_wait3A_865] : memref<4x256xi32, #tpu.memory_space<vmem>> -> memref<1x128xi32, #tpu.memory_space<vmem>>
    %dma_wait3A_867 = tpu.memref_squeeze %dma_wait3A_866 : memref<1x128xi32, #tpu.memory_space<vmem>> -> memref<128xi32, #tpu.memory_space<vmem>>
    %dma_wait3A_868 = arith.constant 0 : i32
    %dma_wait3A_869 = arith.constant 0 : i32
    %dma_wait3A_870 = tpu.memref_slice %arg2[%dma_wait3A_868, %dma_wait3A_869] : memref<1048576x32xf32, #tpu.memory_space<hbm>> -> memref<1048576x32xf32, #tpu.memory_space<hbm>>
    tpu.wait_indirect_dma semaphore(%arg15 : memref<!tpu.dma_semaphore, #tpu.memory_space<semaphore_mem>>) src(%dma_wait3A_870 : memref<1048576x32xf32, #tpu.memory_space<hbm>>) dst(%dma_wait3A_864 : memref<128x32xf32, #tpu.memory_space<vmem>>)
    %dma_wait3A_871 = arith.constant 3 : i32
    %dma_wait3A_872 = arith.constant 3 : i32
    %dma_wait3A_873 = arith.constant 0 : i32
    %dma_wait3A_874 = arith.constant 0 : i32
    %dma_wait3A_875 = tpu.memref_slice %arg11[%dma_wait3A_872, %dma_wait3A_873, %dma_wait3A_874] : memref<4x256x32xf32, #tpu.memory_space<vmem>> -> memref<1x128x32xf32, #tpu.memory_space<vmem>>
    %dma_wait3A_876 = tpu.memref_squeeze %dma_wait3A_875 : memref<1x128x32xf32, #tpu.memory_space<vmem>> -> memref<128x32xf32, #tpu.memory_space<vmem>>
    %dma_wait3A_877 = arith.constant 0 : i32
    %dma_wait3A_878 = tpu.memref_slice %arg7[%dma_wait3A_871, %dma_wait3A_877] : memref<4x256xi32, #tpu.memory_space<vmem>> -> memref<1x128xi32, #tpu.memory_space<vmem>>
    %dma_wait3A_879 = tpu.memref_squeeze %dma_wait3A_878 : memref<1x128xi32, #tpu.memory_space<vmem>> -> memref<128xi32, #tpu.memory_space<vmem>>
    %dma_wait3A_880 = arith.constant 0 : i32
    %dma_wait3A_881 = arith.constant 0 : i32
    %dma_wait3A_882 = tpu.memref_slice %arg2[%dma_wait3A_880, %dma_wait3A_881] : memref<1048576x32xf32, #tpu.memory_space<hbm>> -> memref<1048576x32xf32, #tpu.memory_space<hbm>>
    tpu.wait_indirect_dma semaphore(%arg15 : memref<!tpu.dma_semaphore, #tpu.memory_space<semaphore_mem>>) src(%dma_wait3A_882 : memref<1048576x32xf32, #tpu.memory_space<hbm>>) dst(%dma_wait3A_876 : memref<128x32xf32, #tpu.memory_space<vmem>>)
    %dma_wait3A_883 = arith.constant 3 : i32
    %dma_wait3A_884 = arith.constant 3 : i32
    %dma_wait3A_885 = arith.constant 128 : i32
    %dma_wait3A_886 = arith.constant 0 : i32
    %dma_wait3A_887 = tpu.memref_slice %arg11[%dma_wait3A_884, %dma_wait3A_885, %dma_wait3A_886] : memref<4x256x32xf32, #tpu.memory_space<vmem>> -> memref<1x128x32xf32, #tpu.memory_space<vmem>>
    %dma_wait3A_888 = tpu.memref_squeeze %dma_wait3A_887 : memref<1x128x32xf32, #tpu.memory_space<vmem>> -> memref<128x32xf32, #tpu.memory_space<vmem>>
    %dma_wait3A_889 = arith.constant 128 : i32
    %dma_wait3A_890 = tpu.memref_slice %arg7[%dma_wait3A_883, %dma_wait3A_889] : memref<4x256xi32, #tpu.memory_space<vmem>> -> memref<1x128xi32, #tpu.memory_space<vmem>>
    %dma_wait3A_891 = tpu.memref_squeeze %dma_wait3A_890 : memref<1x128xi32, #tpu.memory_space<vmem>> -> memref<128xi32, #tpu.memory_space<vmem>>
    %dma_wait3A_892 = arith.constant 0 : i32
    %dma_wait3A_893 = arith.constant 0 : i32
    %dma_wait3A_894 = tpu.memref_slice %arg2[%dma_wait3A_892, %dma_wait3A_893] : memref<1048576x32xf32, #tpu.memory_space<hbm>> -> memref<1048576x32xf32, #tpu.memory_space<hbm>>
    tpu.wait_indirect_dma semaphore(%arg15 : memref<!tpu.dma_semaphore, #tpu.memory_space<semaphore_mem>>) src(%dma_wait3A_894 : memref<1048576x32xf32, #tpu.memory_space<hbm>>) dst(%dma_wait3A_888 : memref<128x32xf32, #tpu.memory_space<vmem>>)
    %add3A_895 = arith.constant 32000 : i32
    %add3A_896 = arith.addi %mul3A_2, %add3A_895 : i32
    %shift_right_logical3A_897 = arith.constant 18 : i32
    %shift_right_logical3A_898 = arith.shrui %add3A_896, %shift_right_logical3A_897 : i32
    %and3A_899 = arith.constant 262143 : i32
    %and3A_900 = arith.andi %add3A_896, %and3A_899 : i32
    %multiple_of3A_901 = tpu.assume_multiple %and3A_900, 256 : i32
    %mul3A_902 = arith.constant 32 : i32
    %mul3A_903 = arith.muli %shift_right_logical3A_898, %mul3A_902 : i32
    %dma_wait3A_904 = tpu.memref_slice %arg5[%mul3A_903, %multiple_of3A_901] : memref<128x262144xf32, #tpu.memory_space<hbm>> -> memref<32x256xf32, #tpu.memory_space<hbm>>
    %dma_wait3A_905 = tpu.memref_slice %arg5[%mul3A_903, %multiple_of3A_901] : memref<128x262144xf32, #tpu.memory_space<hbm>> -> memref<32x256xf32, #tpu.memory_space<hbm>>
    tpu.wait_dma2 semaphore(%arg16 : memref<!tpu.dma_semaphore, #tpu.memory_space<semaphore_mem>>) src(%arg13 : memref<32x256xf32, #tpu.memory_space<vmem>>) dst(%dma_wait3A_905 : memref<32x256xf32, #tpu.memory_space<hbm>>)
    %add3A_906 = arith.constant 32512 : i32
    %add3A_907 = arith.addi %mul3A_2, %add3A_906 : i32
    %shift_right_logical3A_908 = arith.constant 18 : i32
    %shift_right_logical3A_909 = arith.shrui %add3A_907, %shift_right_logical3A_908 : i32
    %and3A_910 = arith.constant 262143 : i32
    %and3A_911 = arith.andi %add3A_907, %and3A_910 : i32
    %multiple_of3A_912 = tpu.assume_multiple %and3A_911, 256 : i32
    %mul3A_913 = arith.constant 32 : i32
    %mul3A_914 = arith.muli %shift_right_logical3A_909, %mul3A_913 : i32
    %dma_start3A_915 = tpu.memref_slice %arg5[%mul3A_914, %multiple_of3A_912] : memref<128x262144xf32, #tpu.memory_space<hbm>> -> memref<32x256xf32, #tpu.memory_space<hbm>>
    %dma_start3A_916 = tpu.memref_slice %arg5[%mul3A_914, %multiple_of3A_912] : memref<128x262144xf32, #tpu.memory_space<hbm>> -> memref<32x256xf32, #tpu.memory_space<hbm>>
    tpu.enqueue_dma source(%arg13 : memref<32x256xf32, #tpu.memory_space<vmem>>) target(%dma_start3A_916 : memref<32x256xf32, #tpu.memory_space<hbm>>) target_semaphore(%arg16 : memref<!tpu.dma_semaphore, #tpu.memory_space<semaphore_mem>>)
    %add3A_917 = arith.constant 32256 : i32
    %add3A_918 = arith.addi %mul3A_2, %add3A_917 : i32
    %shift_right_logical3A_919 = arith.constant 18 : i32
    %shift_right_logical3A_920 = arith.shrui %add3A_918, %shift_right_logical3A_919 : i32
    %and3A_921 = arith.constant 262143 : i32
    %and3A_922 = arith.andi %add3A_918, %and3A_921 : i32
    %multiple_of3A_923 = tpu.assume_multiple %and3A_922, 256 : i32
    %mul3A_924 = arith.constant 32 : i32
    %mul3A_925 = arith.muli %shift_right_logical3A_920, %mul3A_924 : i32
    %dma_wait3A_926 = tpu.memref_slice %arg5[%mul3A_925, %multiple_of3A_923] : memref<128x262144xf32, #tpu.memory_space<hbm>> -> memref<32x256xf32, #tpu.memory_space<hbm>>
    %dma_wait3A_927 = tpu.memref_slice %arg5[%mul3A_925, %multiple_of3A_923] : memref<128x262144xf32, #tpu.memory_space<hbm>> -> memref<32x256xf32, #tpu.memory_space<hbm>>
    tpu.wait_dma2 semaphore(%arg16 : memref<!tpu.dma_semaphore, #tpu.memory_space<semaphore_mem>>) src(%arg12 : memref<32x256xf32, #tpu.memory_space<vmem>>) dst(%dma_wait3A_927 : memref<32x256xf32, #tpu.memory_space<hbm>>)
    %add3A_928 = arith.constant 32512 : i32
    %add3A_929 = arith.addi %mul3A_2, %add3A_928 : i32
    %shift_right_logical3A_930 = arith.constant 18 : i32
    %shift_right_logical3A_931 = arith.shrui %add3A_929, %shift_right_logical3A_930 : i32
    %and3A_932 = arith.constant 262143 : i32
    %and3A_933 = arith.andi %add3A_929, %and3A_932 : i32
    %multiple_of3A_934 = tpu.assume_multiple %and3A_933, 256 : i32
    %mul3A_935 = arith.constant 32 : i32
    %mul3A_936 = arith.muli %shift_right_logical3A_931, %mul3A_935 : i32
    %dma_wait3A_937 = tpu.memref_slice %arg5[%mul3A_936, %multiple_of3A_934] : memref<128x262144xf32, #tpu.memory_space<hbm>> -> memref<32x256xf32, #tpu.memory_space<hbm>>
    %dma_wait3A_938 = tpu.memref_slice %arg5[%mul3A_936, %multiple_of3A_934] : memref<128x262144xf32, #tpu.memory_space<hbm>> -> memref<32x256xf32, #tpu.memory_space<hbm>>
    tpu.wait_dma2 semaphore(%arg16 : memref<!tpu.dma_semaphore, #tpu.memory_space<semaphore_mem>>) src(%arg13 : memref<32x256xf32, #tpu.memory_space<vmem>>) dst(%dma_wait3A_938 : memref<32x256xf32, #tpu.memory_space<hbm>>)
    return
  }
}

module attributes {stable_mosaic.version = 14 : i64} {
  func.func @_prep_body(%arg0: i32, %arg1: i32, %arg2: memref<1x256x512xf32, #tpu.memory_space<vmem>>, %arg3: memref<1x256x512xf32, #tpu.memory_space<vmem>>, %arg4: memref<4x1x256x512xi32, #tpu.memory_space<vmem>>, %arg5: memref<4x1x256x512xf32, #tpu.memory_space<vmem>>) attributes {dimension_semantics = [#tpu.dimension_semantics<arbitrary>, #tpu.dimension_semantics<arbitrary>], iteration_bounds = array<i64: 4, 2>, scalar_prefetch = 0 : i64, scratch_operands = 0 : i64, tpu.core_type = #tpu.core_type<tc>, window_params = [{transform_indices = @transform_0, window_bounds = array<i64: 1, 256, 512>}, {transform_indices = @transform_1, window_bounds = array<i64: 1, 256, 512>}, {transform_indices = @transform_2, window_bounds = array<i64: 4, 1, 256, 512>}, {transform_indices = @transform_3, window_bounds = array<i64: 4, 1, 256, 512>}]} {
    %get3A = arith.constant 0 : index
    %get3A_0 = arith.constant 0 : index
    %get3A_1 = arith.constant 0 : index
    %get3A_2 = vector.load %arg2[%get3A, %get3A_0, %get3A_1] : memref<1x256x512xf32, #tpu.memory_space<vmem>>, vector<1x256x512xf32>
    %get3A_3 = vector.shape_cast %get3A_2 : vector<1x256x512xf32> to vector<256x512xf32>
    %get3A_4 = arith.constant 0 : index
    %get3A_5 = arith.constant 0 : index
    %get3A_6 = arith.constant 0 : index
    %get3A_7 = vector.load %arg3[%get3A_4, %get3A_5, %get3A_6] : memref<1x256x512xf32, #tpu.memory_space<vmem>>, vector<1x256x512xf32>
    %get3A_8 = vector.shape_cast %get3A_7 : vector<1x256x512xf32> to vector<256x512xf32>
    %iota3A = tpu.iota {dimensions = array<i32: 1>} : vector<256x512xi32>
    %convert_element_type3A = arith.sitofp %iota3A : vector<256x512xi32> to vector<256x512xf32>
    %iota3A_9 = tpu.iota {dimensions = array<i32: 0>} : vector<256x512xi32>
    %mul3A = arith.constant 256 : i32
    %mul3A_10 = arith.muli %arg1, %mul3A : i32
    %add3A = vector.broadcast %mul3A_10 : i32 to vector<256x512xi32>
    %add3A_11 = arith.addi %iota3A_9, %add3A : vector<256x512xi32>
    %convert_element_type3A_12 = arith.sitofp %add3A_11 : vector<256x512xi32> to vector<256x512xf32>
    %add3A_13 = arith.addf %convert_element_type3A, %get3A_3 : vector<256x512xf32>
    %jit3A = arith.constant 0.000000e+00 : f32
    %jit3A_14 = arith.constant 5.110000e+02 : f32
    %max3A = vector.broadcast %jit3A : f32 to vector<256x512xf32>
    %max3A_15 = arith.maximumf %max3A, %add3A_13 : vector<256x512xf32>
    %min3A = vector.broadcast %jit3A_14 : f32 to vector<256x512xf32>
    %min3A_16 = arith.minimumf %min3A, %max3A_15 : vector<256x512xf32>
    %add3A_17 = arith.addf %convert_element_type3A_12, %get3A_8 : vector<256x512xf32>
    %jit3A_18 = arith.constant 0.000000e+00 : f32
    %jit3A_19 = arith.constant 5.110000e+02 : f32
    %max3A_20 = vector.broadcast %jit3A_18 : f32 to vector<256x512xf32>
    %max3A_21 = arith.maximumf %max3A_20, %add3A_17 : vector<256x512xf32>
    %min3A_22 = vector.broadcast %jit3A_19 : f32 to vector<256x512xf32>
    %min3A_23 = arith.minimumf %min3A_22, %max3A_21 : vector<256x512xf32>
    %floor3A = math.floor %min3A_16 : vector<256x512xf32>
    %floor3A_24 = math.floor %min3A_23 : vector<256x512xf32>
    %convert_element_type3A_25 = arith.fptosi %floor3A : vector<256x512xf32> to vector<256x512xi32>
    %convert_element_type3A_26 = arith.fptosi %floor3A_24 : vector<256x512xf32> to vector<256x512xi32>
    %add3A_27 = arith.constant 1 : i32
    %add3A_28 = vector.broadcast %add3A_27 : i32 to vector<256x512xi32>
    %add3A_29 = arith.addi %convert_element_type3A_25, %add3A_28 : vector<256x512xi32>
    %min3A_30 = arith.constant 511 : i32
    %min3A_31 = vector.broadcast %min3A_30 : i32 to vector<256x512xi32>
    %min3A_32 = arith.minsi %add3A_29, %min3A_31 : vector<256x512xi32>
    %add3A_33 = arith.constant 1 : i32
    %add3A_34 = vector.broadcast %add3A_33 : i32 to vector<256x512xi32>
    %add3A_35 = arith.addi %convert_element_type3A_26, %add3A_34 : vector<256x512xi32>
    %min3A_36 = arith.constant 511 : i32
    %min3A_37 = vector.broadcast %min3A_36 : i32 to vector<256x512xi32>
    %min3A_38 = arith.minsi %add3A_35, %min3A_37 : vector<256x512xi32>
    %sub3A = arith.subf %min3A_16, %floor3A : vector<256x512xf32>
    %sub3A_39 = arith.subf %min3A_23, %floor3A_24 : vector<256x512xf32>
    %mul3A_40 = arith.constant 262144 : i32
    %mul3A_41 = arith.muli %arg0, %mul3A_40 : i32
    %mul3A_42 = arith.constant 512 : i32
    %mul3A_43 = vector.broadcast %mul3A_42 : i32 to vector<256x512xi32>
    %mul3A_44 = arith.muli %convert_element_type3A_26, %mul3A_43 : vector<256x512xi32>
    %add3A_45 = vector.broadcast %mul3A_41 : i32 to vector<256x512xi32>
    %add3A_46 = arith.addi %add3A_45, %mul3A_44 : vector<256x512xi32>
    %mul3A_47 = arith.constant 512 : i32
    %mul3A_48 = vector.broadcast %mul3A_47 : i32 to vector<256x512xi32>
    %mul3A_49 = arith.muli %min3A_38, %mul3A_48 : vector<256x512xi32>
    %add3A_50 = vector.broadcast %mul3A_41 : i32 to vector<256x512xi32>
    %add3A_51 = arith.addi %add3A_50, %mul3A_49 : vector<256x512xi32>
    %add3A_52 = arith.addi %add3A_46, %convert_element_type3A_25 : vector<256x512xi32>
    %swap3A = arith.constant 0 : index
    %swap3A_53 = arith.constant 0 : index
    %swap3A_54 = arith.constant 0 : index
    %swap3A_55 = arith.constant 0 : index
    %swap3A_56 = vector.load %arg4[%swap3A, %swap3A_53, %swap3A_54, %swap3A_55] : memref<4x1x256x512xi32, #tpu.memory_space<vmem>>, vector<1x1x256x512xi32>
    %swap3A_57 = vector.shape_cast %swap3A_56 : vector<1x1x256x512xi32> to vector<256x512xi32>
    %swap3A_58 = vector.shape_cast %add3A_52 : vector<256x512xi32> to vector<1x1x256x512xi32>
    tpu.vector_store %arg4[%swap3A, %swap3A_53, %swap3A_54, %swap3A_55], %swap3A_58 {strides = array<i32>} : memref<4x1x256x512xi32, #tpu.memory_space<vmem>>, vector<1x1x256x512xi32>,
    %add3A_59 = arith.addi %add3A_46, %min3A_32 : vector<256x512xi32>
    %swap3A_60 = arith.constant 1 : index
    %swap3A_61 = arith.constant 0 : index
    %swap3A_62 = arith.constant 0 : index
    %swap3A_63 = arith.constant 0 : index
    %swap3A_64 = vector.load %arg4[%swap3A_60, %swap3A_61, %swap3A_62, %swap3A_63] : memref<4x1x256x512xi32, #tpu.memory_space<vmem>>, vector<1x1x256x512xi32>
    %swap3A_65 = vector.shape_cast %swap3A_64 : vector<1x1x256x512xi32> to vector<256x512xi32>
    %swap3A_66 = vector.shape_cast %add3A_59 : vector<256x512xi32> to vector<1x1x256x512xi32>
    tpu.vector_store %arg4[%swap3A_60, %swap3A_61, %swap3A_62, %swap3A_63], %swap3A_66 {strides = array<i32>} : memref<4x1x256x512xi32, #tpu.memory_space<vmem>>, vector<1x1x256x512xi32>,
    %add3A_67 = arith.addi %add3A_51, %convert_element_type3A_25 : vector<256x512xi32>
    %swap3A_68 = arith.constant 2 : index
    %swap3A_69 = arith.constant 0 : index
    %swap3A_70 = arith.constant 0 : index
    %swap3A_71 = arith.constant 0 : index
    %swap3A_72 = vector.load %arg4[%swap3A_68, %swap3A_69, %swap3A_70, %swap3A_71] : memref<4x1x256x512xi32, #tpu.memory_space<vmem>>, vector<1x1x256x512xi32>
    %swap3A_73 = vector.shape_cast %swap3A_72 : vector<1x1x256x512xi32> to vector<256x512xi32>
    %swap3A_74 = vector.shape_cast %add3A_67 : vector<256x512xi32> to vector<1x1x256x512xi32>
    tpu.vector_store %arg4[%swap3A_68, %swap3A_69, %swap3A_70, %swap3A_71], %swap3A_74 {strides = array<i32>} : memref<4x1x256x512xi32, #tpu.memory_space<vmem>>, vector<1x1x256x512xi32>,
    %add3A_75 = arith.addi %add3A_51, %min3A_32 : vector<256x512xi32>
    %swap3A_76 = arith.constant 3 : index
    %swap3A_77 = arith.constant 0 : index
    %swap3A_78 = arith.constant 0 : index
    %swap3A_79 = arith.constant 0 : index
    %swap3A_80 = vector.load %arg4[%swap3A_76, %swap3A_77, %swap3A_78, %swap3A_79] : memref<4x1x256x512xi32, #tpu.memory_space<vmem>>, vector<1x1x256x512xi32>
    %swap3A_81 = vector.shape_cast %swap3A_80 : vector<1x1x256x512xi32> to vector<256x512xi32>
    %swap3A_82 = vector.shape_cast %add3A_75 : vector<256x512xi32> to vector<1x1x256x512xi32>
    tpu.vector_store %arg4[%swap3A_76, %swap3A_77, %swap3A_78, %swap3A_79], %swap3A_82 {strides = array<i32>} : memref<4x1x256x512xi32, #tpu.memory_space<vmem>>, vector<1x1x256x512xi32>,
    %sub3A_83 = arith.constant 1.000000e+00 : f32
    %sub3A_84 = vector.broadcast %sub3A_83 : f32 to vector<256x512xf32>
    %sub3A_85 = arith.subf %sub3A_84, %sub3A : vector<256x512xf32>
    %sub3A_86 = arith.constant 1.000000e+00 : f32
    %sub3A_87 = vector.broadcast %sub3A_86 : f32 to vector<256x512xf32>
    %sub3A_88 = arith.subf %sub3A_87, %sub3A_39 : vector<256x512xf32>
    %mul3A_89 = arith.mulf %sub3A_85, %sub3A_88 : vector<256x512xf32>
    %swap3A_90 = arith.constant 0 : index
    %swap3A_91 = arith.constant 0 : index
    %swap3A_92 = arith.constant 0 : index
    %swap3A_93 = arith.constant 0 : index
    %swap3A_94 = vector.load %arg5[%swap3A_90, %swap3A_91, %swap3A_92, %swap3A_93] : memref<4x1x256x512xf32, #tpu.memory_space<vmem>>, vector<1x1x256x512xf32>
    %swap3A_95 = vector.shape_cast %swap3A_94 : vector<1x1x256x512xf32> to vector<256x512xf32>
    %swap3A_96 = vector.shape_cast %mul3A_89 : vector<256x512xf32> to vector<1x1x256x512xf32>
    tpu.vector_store %arg5[%swap3A_90, %swap3A_91, %swap3A_92, %swap3A_93], %swap3A_96 {strides = array<i32>} : memref<4x1x256x512xf32, #tpu.memory_space<vmem>>, vector<1x1x256x512xf32>,
    %mul3A_97 = arith.mulf %sub3A, %sub3A_88 : vector<256x512xf32>
    %swap3A_98 = arith.constant 1 : index
    %swap3A_99 = arith.constant 0 : index
    %swap3A_100 = arith.constant 0 : index
    %swap3A_101 = arith.constant 0 : index
    %swap3A_102 = vector.load %arg5[%swap3A_98, %swap3A_99, %swap3A_100, %swap3A_101] : memref<4x1x256x512xf32, #tpu.memory_space<vmem>>, vector<1x1x256x512xf32>
    %swap3A_103 = vector.shape_cast %swap3A_102 : vector<1x1x256x512xf32> to vector<256x512xf32>
    %swap3A_104 = vector.shape_cast %mul3A_97 : vector<256x512xf32> to vector<1x1x256x512xf32>
    tpu.vector_store %arg5[%swap3A_98, %swap3A_99, %swap3A_100, %swap3A_101], %swap3A_104 {strides = array<i32>} : memref<4x1x256x512xf32, #tpu.memory_space<vmem>>, vector<1x1x256x512xf32>,
    %mul3A_105 = arith.mulf %sub3A_85, %sub3A_39 : vector<256x512xf32>
    %swap3A_106 = arith.constant 2 : index
    %swap3A_107 = arith.constant 0 : index
    %swap3A_108 = arith.constant 0 : index
    %swap3A_109 = arith.constant 0 : index
    %swap3A_110 = vector.load %arg5[%swap3A_106, %swap3A_107, %swap3A_108, %swap3A_109] : memref<4x1x256x512xf32, #tpu.memory_space<vmem>>, vector<1x1x256x512xf32>
    %swap3A_111 = vector.shape_cast %swap3A_110 : vector<1x1x256x512xf32> to vector<256x512xf32>
    %swap3A_112 = vector.shape_cast %mul3A_105 : vector<256x512xf32> to vector<1x1x256x512xf32>
    tpu.vector_store %arg5[%swap3A_106, %swap3A_107, %swap3A_108, %swap3A_109], %swap3A_112 {strides = array<i32>} : memref<4x1x256x512xf32, #tpu.memory_space<vmem>>, vector<1x1x256x512xf32>,
    %mul3A_113 = arith.mulf %sub3A, %sub3A_39 : vector<256x512xf32>
    %swap3A_114 = arith.constant 3 : index
    %swap3A_115 = arith.constant 0 : index
    %swap3A_116 = arith.constant 0 : index
    %swap3A_117 = arith.constant 0 : index
    %swap3A_118 = vector.load %arg5[%swap3A_114, %swap3A_115, %swap3A_116, %swap3A_117] : memref<4x1x256x512xf32, #tpu.memory_space<vmem>>, vector<1x1x256x512xf32>
    %swap3A_119 = vector.shape_cast %swap3A_118 : vector<1x1x256x512xf32> to vector<256x512xf32>
    %swap3A_120 = vector.shape_cast %mul3A_113 : vector<256x512xf32> to vector<1x1x256x512xf32>
    tpu.vector_store %arg5[%swap3A_114, %swap3A_115, %swap3A_116, %swap3A_117], %swap3A_120 {strides = array<i32>} : memref<4x1x256x512xf32, #tpu.memory_space<vmem>>, vector<1x1x256x512xf32>,
    return
  }
  func.func @transform_0(%arg0: i32, %arg1: i32) -> (i32, i32, i32) {
    %c0_i32 = arith.constant 0 : i32
    %c0_i32_0 = arith.constant 0 : i32
    return %arg0, %arg1, %c0_i32 : i32, i32, i32
  }
  func.func @transform_1(%arg0: i32, %arg1: i32) -> (i32, i32, i32) {
    %c0_i32 = arith.constant 0 : i32
    %c0_i32_0 = arith.constant 0 : i32
    return %arg0, %arg1, %c0_i32 : i32, i32, i32
  }
  func.func @transform_2(%arg0: i32, %arg1: i32) -> (i32, i32, i32, i32) {
    %c0_i32 = arith.constant 0 : i32
    %c0_i32_0 = arith.constant 0 : i32
    %c0_i32_1 = arith.constant 0 : i32
    return %c0_i32, %arg0, %arg1, %c0_i32_0 : i32, i32, i32, i32
  }
  func.func @transform_3(%arg0: i32, %arg1: i32) -> (i32, i32, i32, i32) {
    %c0_i32 = arith.constant 0 : i32
    %c0_i32_0 = arith.constant 0 : i32
    %c0_i32_1 = arith.constant 0 : i32
    return %c0_i32, %arg0, %arg1, %c0_i32_0 : i32, i32, i32, i32
  }
}

</mosaic_0001>

<sc_bundles>
// kernel: kernel.4.cloned.1.call-start
scs
__scs_entry_jumppad:
0x0: {  	(pc) =	sbr.rel $0x88, $3  }
0x1: {  	(tag) =	ssettag $0x0;
	lr =	simm.s32 $0x1  }
0x2: {  	[smem:$0x3F9F] =	sst lr;
	_ =	strace $0xD0000000  }
0x3: {  	_ = 	snop  }
0x4: {  	_ = 	snop  }
0x5: {  	_ = 	snop  }
0x6: {  	_ = 	snop  }
0x7: {  	_ = 	snop  }
__scs_overlays_trampoline_lowered:
0x8: {  	[smem:$0x3FAE] =	sst s0  }
0x9: {  	[smem:$0x3FAF] =	sst s1  }
0xa: {  	[smem:$0x3FB0] =	sst s2  }
0xb: {  	[smem:$0x3FB1] =	sst s3  }
0xc: {  	[smem:$0x3FB2] =	sst s4  }
0xd: {  	[smem:$0x3FB3] =	sst s5  }
0xe: {  	[smem:$0x3FB4] =	sst s6  }
0xf: {  	[smem:$0x3FB5] =	sst s7  }
0x10: {  	[smem:$0x3FB6] =	sst s8  }
0x11: {  	[smem:$0x3FB7] =	sst s9;
	s0 =	simm.s32 @!p0 $0x0  }
0x12: {  	s1 =	sld [smem:$0x3F9D];
	s0 =	simm.s32 @p0 $0x1  }
0x13: {  	[smem:$0x3FB8] =	sst s0;
	s0 =	simm.s32 @!p1 $0x0  }
0x14: {  	s2 =	sld [smem:$0x3F9C];
	s0 =	simm.s32 @p1 $0x1  }
0x15: {  	[smem:$0x3FB9] =	sst s0;
	s0 =	simm.s32 @!p2 $0x0  }
0x16: {  	s3 =	sld [smem:$0x3FDB];
	s0 =	simm.s32 @p2 $0x1  }
0x17: {  	s4 =	simm.s32 $0x1BF5;
	[smem:$0x3FBB] =	sst s0  }
0x18: {  	s0 =	sld [smem:$0x3F9E];
	_ =	swait.ge [sflag:s4], $0x0  }
0x19: {  	s7 =	sld [smem:$0x3F9F]  }
0x1a: {  	s8 =	sadd.s32 $0xFFFFE003, lr  }
0x1b: {  	s9 =	sadd.s32 $0xFFFFFEF7, lr;
	s5 =	simm.s32 $0xFFFFFFFF;
	p2 =	slt.u32 s8, $0xFFFFF086  }
0x1c: {  	p1 =	slt.u32 s9, $0xF7A;
	s5 =	simm.s32 @!p2 $0x0  }
0x1d: {  	s5 =	simm.s32 @p1 $0x1;
	p0 =	seq.s32 s7, s2  }
0x1e: {  	s7 =	smul.u32 @!p0 $0xF7A, s2;
	p2 =	seq.s32 @!p0 s5, $0x0  }
0x1f: {  	s9 =	smul.u32 $0xF7A, s1;
	s8 =	simm.s32 @!p0 $0x1BF5;
	p2 =	por !p2, p0  }
0x20: {  	[sflag:s8] =	ssyncset.s32 @!p0 $0xFFFFF086;
	s6 =	sadd.s32 @!p0 s3, s7;
	s7 =	simm.s32 @!p0 $0x108  }
0x21: {  	s3 =	sadd.s32 s3, s9;
	s6 =	sadd.s32 @!p0 $0x88, s6;
	s7 =	simm.s32 @p2 $0x1082  }
0x22: {  	[simem:s7], [sflag:s8] =	dma.local @!p0 [hbm:s6], $0xF7A  }
0x23: {  	s9 =	sor.u32 $0xD0000000, s2;
	s6 =	simm.s32 $0x108;
	_ =	swait.ge @!p0 [sflag:s8], $0x0  }
0x24: {  	s3 =	sadd.s32 $0x88, s3;
	s6 =	simm.s32 @!p1 $0x1082;
	[sflag:s4] =	ssyncset.s32 $0xFFFFF086  }
0x25: {  	[simem:s6], [sflag:s4] =	dma.local [hbm:s3], $0xF7A  }
0x26: {  	[smem:$0x3F9F] =	sst s1;
	(tag) =	ssettag s2;
	_ =	strace s9  }
0x27: {  	s1 =	sld [smem:$0x3FAF]  }
0x28: {  	s2 =	sld [smem:$0x3FB0]  }
0x29: {  	s4 =	sld [smem:$0x3FB2]  }
0x2a: {  	p0 =	seq.s32 s5, $0x0;
	s5 =	sld [smem:$0x3FB3]  }
0x2b: {  	s6 =	sld [smem:$0x3FB4]  }
0x2c: {  	s7 =	sld [smem:$0x3FB5]  }
0x2d: {  	s3 =	simm.s32 $0x108;
	s8 =	sld [smem:$0x3FB6]  }
0x2e: {  	s3 =	simm.s32 @!p0 $0x1082;
	s9 =	sld [smem:$0x3FB7]  }
0x2f: {  	lr =	sadd.s32 s0, s3;
	s0 =	sld [smem:$0x3FAE]  }
0x30: {  	s3 =	sld [smem:$0x3FB1]  }
0x31: {  	[smem:$0x3FBA] =	sst s10  }
0x32: {  	s10 =	sld [smem:$0x3FB8];
	_ =	sdelay $0x3  }
0x33: {  	p0 =	seq.s32 s10, $0x1;
	s10 =	sld [smem:$0x3FBA];
	_ =	sdelay $0x3  }
0x34: {  	[smem:$0x3FBA] =	sst s10  }
0x35: {  	s10 =	sld [smem:$0x3FB9];
	_ =	sdelay $0x3  }
0x36: {  	p1 =	seq.s32 s10, $0x1;
	s10 =	sld [smem:$0x3FBA];
	_ =	sdelay $0x3  }
0x37: {  	[smem:$0x3FBA] =	sst s10  }
0x38: {  	s10 =	sld [smem:$0x3FBB]  }
0x39: {  	_ = 	snop;
	(pc) =	sbr.ind lr, $3  }
0x3a: {  	_ = 	snop  }
0x3b: {  	_ = 	snop  }
0x3c: {  	p2 =	seq.s32 s10, $0x1;
	s10 =	sld [smem:$0x3FBA]  }
0x3d: {  	_ =	shalt  }
0x3e: {  	_ =	shalt  }
0x3f: {  	_ =	shalt  }
0x40: {  	_ =	shalt  }
0x41: {  	_ =	shalt  }
0x42: {  	_ =	shalt  }
0x43: {  	_ =	shalt  }
0x44: {  	_ =	shalt  }
0x45: {  	_ =	shalt  }
0x46: {  	_ =	shalt  }
0x47: {  	_ =	shalt  }
0x48: {  	_ =	shalt  }
0x49: {  	_ =	shalt  }
0x4a: {  	_ =	shalt  }
0x4b: {  	_ =	shalt  }
0x4c: {  	_ =	shalt  }
0x4d: {  	_ =	shalt  }
0x4e: {  	_ =	shalt  }
0x4f: {  	_ =	shalt  }
0x50: {  	_ =	shalt  }
0x51: {  	_ =	shalt  }
0x52: {  	_ =	shalt  }
0x53: {  	_ =	shalt  }
0x54: {  	_ =	shalt  }
0x55: {  	_ =	shalt  }
0x56: {  	_ =	shalt  }
0x57: {  	_ =	shalt  }
0x58: {  	_ =	shalt  }
0x59: {  	_ =	shalt  }
0x5a: {  	_ =	shalt  }
0x5b: {  	_ =	shalt  }
0x5c: {  	_ =	shalt  }
0x5d: {  	_ =	shalt  }
0x5e: {  	_ =	shalt  }
0x5f: {  	_ =	shalt  }
0x60: {  	_ =	shalt  }
0x61: {  	_ =	shalt  }
0x62: {  	_ =	shalt  }
0x63: {  	_ =	shalt  }
0x64: {  	_ =	shalt  }
0x65: {  	_ =	shalt  }
0x66: {  	_ =	shalt  }
0x67: {  	_ =	shalt  }
0x68: {  	_ =	shalt  }
0x69: {  	_ =	shalt  }
0x6a: {  	_ =	shalt  }
0x6b: {  	_ =	shalt  }
0x6c: {  	_ =	shalt  }
0x6d: {  	_ =	shalt  }
0x6e: {  	_ =	shalt  }
0x6f: {  	_ =	shalt  }
0x70: {  	_ =	shalt  }
0x71: {  	_ =	shalt  }
0x72: {  	_ =	shalt  }
0x73: {  	_ =	shalt  }
0x74: {  	_ =	shalt  }
0x75: {  	_ =	shalt  }
0x76: {  	_ =	shalt  }
0x77: {  	_ =	shalt  }
0x78: {  	_ =	shalt  }
0x79: {  	_ =	shalt  }
0x7a: {  	_ =	shalt  }
0x7b: {  	_ =	shalt  }
0x7c: {  	_ =	shalt  }
0x7d: {  	_ =	shalt  }
0x7e: {  	_ =	shalt  }
0x7f: {  	_ =	shalt  }
0x80: {  	_ =	shalt  }
0x81: {  	_ =	shalt  }
0x82: {  	_ =	shalt  }
0x83: {  	_ =	shalt  }
0x84: {  	_ =	shalt  }
0x85: {  	_ =	shalt  }
0x86: {  	_ =	shalt  }
0x87: {  	_ =	shalt  }
.Lfunc_end0:
.L_simem_size_0:
called_computation.1_lowered:
.L_overlay_start_0:
0x88: {  	s2 =	sld [smem:$0x3FD9]  }
0x89: {  	s3 =	sld [smem:$0x3FFE];
	_ =	sdelay $0x1  }
0x8a: {  	s1 =	srdreg.scid  }
0x8b: {  	s0 =	sand.u32 $0x1, s1  }
0x8c: {  	s17 =	sshll.u32 s0, $0xA;
	s2 =	sadd.s32 s3, s2  }
0x8d: {  	s2 =	sadd.s32 s2, s17  }
0x8e: {  	[smem:$0x3FC6] =	sst s2  }
0x8f: {  	_ = 	snop  }
0x90: {  	s2 =	sld [smem:$0x3FD0];
	(tm) =	ssettm $0x1  }
0x91: {  	s18 =	sld [smem:$0x3FFB];
	_ =	sdelay $0x3  }
0x92: {  	_ =	strace s18  }
0x93: {  	s3 =	sld [smem:$0x3FFC];
	_ =	sdelay $0x3  }
0x94: {  	_ =	strace s3  }
0x95: {  	s3 =	sld [smem:$0x3FFD];
	_ =	sdelay $0x3  }
0x96: {  	_ =	strace s3  }
0x97: {  	_ =	strace $0x8FFFFFFF  }
0x98: {  	s19 =	sld [smem:$0x3FDB];
	_ =	sdelay $0x1  }
0x99: {  	s4 =	simm.s32 $_scs_section_size  }
0x9a: {  	s5 =	simm.s32 $_size__tile_overlayer_lowered;
	s6 =	simm.s32 $_tile_overlayer_lowered  }
0x9b: {  	s22 =	simm.s32 $0x1BFF;
	s21 =	sshll.u32 s6, $0x1;
	s3 =	sadd.s32 s4, s19  }
0x9c: {  	s7 =	simm.s32 $0x0;
	s20 =	sshll.u32 s5, $0x1;
	s5 =	sadd.s32 s21, s3  }
0x9d: {  	[timem:s7], [sflag:s22] =	dma.local [hbm:s5], s20  }
0x9e: {  	_ =	swait.ge [sflag:s22], s20  }
0x9f: {  	s4 =	ssub.s32 $0x0, s20;
	[sflag:s22] =	ssyncset.done $0x0  }
0xa0: {  	[sflag:s22] =	ssyncadd.s32 s4;
	_ =	sdelay $0x1  }
0xa1: {  	s23 =	simm.s32 $0x1B8B  }
0xa2: {  	_ =	swait.ge [sflag:s23], $0x1  }
0xa3: {  	[sflag:s23] =	ssyncset.done $0x0  }
0xa4: {  	s25 =	simm.s32 $0x1B8E;
	s24 =	sld [smem:$0x3FFE];
	[sflag:s23] =	ssyncadd.s32 $0xFFFFFFFF  }
0xa5: {  	s26 =	simm.s32 $execute0_lowered;
	[smem:$0x3FD2] =	sst s25  }
0xa6: {  	s5 =	sshll.u32 s26, $0x1;
	_ =	strace $0x80000049;
	[dreg:$0x1] =	wrdreg $0xFFFFFFFF  }
0xa7: {  	s28 =	simm.s32 $_size_execute0_lowered;
	s3 =	sadd.s32 s3, s5;
	[dreg:$0x0] =	wrdreg $0x0  }
0xa8: {  	s5 =	sshll.u32 s28, $0x1;
	[dreg:$0x2] =	wrdreg s3  }
0xa9: {  	[dreg:$0x3] =	wrdreg s5  }
0xaa: {  	[dreg:$0x4] =	wrdreg $0xC0  }
0xab: {  	_ =	task [dreg:s7], $0x5FFFF  }
0xac: {  	[dreg:$0x1] =	wrdreg $0xFFFFFFFF  }
0xad: {  	[dreg:$0x0] =	wrdreg $0x60  }
0xae: {  	[dreg:$0x2] =	wrdreg s2  }
0xaf: {  	[dreg:$0x3] =	wrdreg s24  }
0xb0: {  	[dreg:$0x4] =	wrdreg $0x9  }
0xb1: {  	_ =	task.clear_ibuf [dreg:s7], $0x5FFFF;
	_ =	strace $0x90000049  }
0xb2: {  	s29 =	simm.s32 $0x9;
	_ =	strace $0x8000004B  }
0xb3: {  	_ =	swait.ge [sflag:s29], $0x1  }
0xb4: {  	[sflag:s29] =	ssyncadd.s32 $0xFFFFFFFF  }
0xb5: {  	_ =	strace $0x9000004B  }
0xb6: {  	_ =	sfence  }
0xb7: {  	s30 =	sld [smem:$0x0];
	_ =	sdelay $0x2  }
0xb8: {  	s31 =	sshll.u32 s1, $0xD;
	s1 =	sshrl.u32 s1, $0x2  }
0xb9: {  	s3 =	sand.u32 $0x4000, s31;
	s1 =	sadd.s32 s1, s30  }
0xba: {  	s0 =	sor.u32 s3, s0;
	s1 =	sshll.u32 s1, $0x11  }
0xbb: {  	s0 =	sor.u32 s1, s0  }
0xbc: {  	s0 =	sadd.s32 $0x8F2B, s0  }
0xbd: {  	[sflag:s0] =	ssyncadd.remote.s32 $0x1  }
0xbe: {  	_ =	sfence.sel $0xFFFF  }
0xbf: {  	[dreg:$0x0] =	wrdreg $0xFFFFFFFF;
	(pc) =	sbr.abs _section_cstart, $3  }
0xc0: {  	[dreg:$0x1] =	wrdreg $0xFFFFFFFF  }
0xc1: {  	_ =	task.clear_ibuf [dreg:s7], $0x2FFFF;
	_ =	strace $0x9FFFFFFF  }
0xc2: {  	(tm) =	ssettm $0x7FFFFFFF  }
0xc3: {  	_ =	shalt  }
tec
execute0_lowered:
.L_overlay_start_1:
0x0: {  	(tag) =	ssettag $0x1  }
0x1: {  	s1 =	rddreg [dreg:$0x0]  }
0x2: {  	s0 =	rddreg [dreg:$0x1]  }
0x3: {  	s2 =	simm.s32 $0x0;
	s3 =	srdreg.scid;
	s11 =	stileid.u32  }
0x4: {  	s28 =	simm.s32 $0x4000;
	s29 =	simm.s32 $0x200;
	s30 =	simm.s32 $0x5000  }
0x5: {  	[smem:$0x7FF] =	sst s2;
	s5 =	sadd.s32 $0x1081000, s0;
	s3 =	sand.u32 $0x1, s3  }
0x6: {  	s6 =	sadd.s32 $0x1001000, s0;
	s9 =	sshll.u32 s11, $0x10;
	s7 =	ssub.s32 $0x2, s3  }
0x7: {  	s4 =	sadd.s32 $0x1000, s0;
	s10 =	sshll.u32 s3, $0xF;
	s8 =	sshrl.u32 s7, $0x1  }
0x8: {  	_ =	strace $0x8000004A;
	s0 =	ssub.s32 s7, s8;
	s7 =	sor.u32 s10, s9  }
0x9: {  	s10 =	sshll.u32 s11, $0x15;
	s24 =	sshrl.u32 s7, $0x3;
	s9 =	sor.u32 $0x100, s7  }
0xa: {  	s12 =	sor.u32 s10, s7;
	s17 =	sor.u32 $0x500, s7;
	s22 =	sor.u32 $0x400, s7  }
0xb: {  	s0 =	smax.u32 s0, $0x1;
	s25 =	sadd.s32 s5, s24;
	s26 =	sshrl.u32 s9, $0x3  }
0xc: {  	s13 =	sadd.s32 s6, s24;
	s12 =	sand.u32 $0x1838000, s12;
	s9 =	sor.u32 s10, s9  }
0xd: {  	s15 =	sor.u32 $0x40, s24;
	s8 =	sor.u32 $0x60, s24;
	[dreg:$0x13] =	wrdreg s0  }
0xe: {  	s19 =	sshrl.u32 s17, $0x3;
	s23 =	sshrl.u32 s22, $0x3;
	[dreg:$0x7] =	wrdreg s25  }
0xf: {  	s17 =	simm.s32 $0x800;
	[dreg:$0x8] =	wrdreg s13;
	s31 =	sadd.s32 s5, s26  }
0x10: {  	s11 =	sadd.s32 s6, s26;
	s14 =	sshrl.u32 s12, $0x3;
	[dreg:$0x9] =	wrdreg s31  }
0x11: {  	s9 =	sand.u32 $0x1838100, s9;
	s16 =	sadd.s32 s5, s15;
	[dreg:$0xa] =	wrdreg s11  }
0x12: {  	s18 =	sadd.s32 s5, s8;
	s8 =	sadd.s32 s6, s8;
	[dreg:$0xc] =	wrdreg s16  }
0x13: {  	s21 =	sadd.s32 s19, s6;
	s25 =	sadd.s32 s23, s5;
	[dreg:$0xf] =	wrdreg s18  }
0x14: {  	s26 =	sor.u32 $0x200, s7;
	s13 =	simm.s32 $0x2;
	[dreg:$0x10] =	wrdreg s8  }
0x15: {  	s7 =	simm.s32 $0x0;
	s12 =	sadd.s32 s4, s14;
	[dreg:$0x3] =	wrdreg s21  }
0x16: {  	s11 =	sadd.s32 s6, s15;
	s9 =	sshrl.u32 s9, $0x3;
	[dreg:$0x6] =	wrdreg s25  }
0x17: {  	s8 =	sadd.s32 s19, s5;
	s6 =	sadd.s32 s23, s6;
	[dreg:$0x14] =	wrdreg s26  }
0x18: {  	s31 =	sshll.u32 s3, $0x14;
	s21 =	simm.s32 $0x100000;
	[dreg:$0xd] =	wrdreg s11  }
0x19: {  	s23 =	simm.s32 $0x400;
	s25 =	simm.s32 $0x1;
	[dreg:$0xb] =	wrdreg s12  }
0x1a: {  	s26 =	simm.s32 $0x80;
	s18 =	simm.s32 $0x1000;
	[dreg:$0x4] =	wrdreg s8  }
0x1b: {  	s19 =	simm.s32 $0x2000;
	s9 =	sadd.s32 s4, s9;
	[dreg:$0x5] =	wrdreg s6  }
0x1c: {  	s16 =	simm.s32 $0x3000;
	s20 =	sadd.s32 $0xFC0, s12;
	[dreg:$0xe] =	wrdreg s9  }
0x1d: {  	s3 =	simm.s32 $0x6000;
	s24 =	sadd.s32 $0xFE0, s12;
	[dreg:$0x11] =	wrdreg s20  }
0x1e: {  	s5 =	simm.s32 $0x40000;
	s0 =	sor.u32 s31, s10;
	[dreg:$0x12] =	wrdreg s24  }
0x1f: {  	s6 =	simm.s32 $0x13000;
	s8 =	simm.s32 $0x3;
	[dreg:$0x15] =	wrdreg s0  }
0x20: {  	s20 =	simm.s32 $0x100;
	s24 =	simm.s32 $0x180;
	s0 =	simm.s32 $0x280  }
.LBB2_1:
0x21: {  	[dreg:$0x16] =	wrdreg s7  }
0x22: {  	s9 =	rddreg [dreg:$0x7]  }
0x23: {  	[tilespmem:s2], [sflag:$0x1] =	stream.strided.gather [hbm4b:s9+s20], $0x400, s21, s20, $0x38;
	[tilespmem:$0x15000] =	vst v63  }
0x24: {  	s15 =	rddreg [dreg:$0x8]  }
0x25: {  	[tilespmem:s17], [sflag:$0x1] =	stream.strided.gather [hbm4b:s15+s20], $0x400, s21, s20, $0x38;
	[tilespmem:$0x15000] =	vst v63  }
0x26: {  	s22 =	rddreg [dreg:$0x9]  }
0x27: {  	[tilespmem:s23], [sflag:$0x1] =	stream.strided.gather [hbm4b:s22+s20], $0x400, s21, s20, $0x38;
	[tilespmem:$0x15000] =	vst v63  }
0x28: {  	s7 =	rddreg [dreg:$0xa];
	s22 =	simm.s32 $0xC00  }
0x29: {  	[tilespmem:s22], [sflag:$0x1] =	stream.strided.gather [hbm4b:s7+s20], $0x400, s21, s20, $0x38;
	[tilespmem:$0x15000] =	vst v63  }
0x2a: {  	_ =	swait.ge [sflag:s25], $0x400  }
0x2b: {  	[sflag:s25] =	ssyncset.done $0x0  }
0x2c: {  	[sflag:s25] =	ssyncadd.s32 $0xFFFFFC00  }
0x2d: {  	_ =	swait.ge [sflag:s25], $0x400  }
0x2e: {  	[sflag:s25] =	ssyncset.done $0x0  }
0x2f: {  	[sflag:s25] =	ssyncadd.s32 $0xFFFFFC00  }
0x30: {  	[tilespmem:s18], [sflag:$0x2] =	stream.indirect.gather [hbm4b:s1+s26], $0x20, s2, s26, $0xb8;
	[tilespmem:$0x15000] =	vst v63  }
0x31: {  	_ = 	snop  }
0x32: {  	[tilespmem:s19], [sflag:$0x2] =	stream.indirect.gather [hbm4b:s1+s26], $0x20, s26, s26, $0xb8;
	[tilespmem:$0x15000] =	vst v63  }
0x33: {  	_ = 	snop  }
0x34: {  	[tilespmem:s16], [sflag:$0x2] =	stream.indirect.gather [hbm4b:s1+s26], $0x20, s20, s26, $0xb8;
	[tilespmem:$0x15000] =	vst v63  }
0x35: {  	_ = 	snop  }
0x36: {  	[tilespmem:s28], [sflag:$0x2] =	stream.indirect.gather [hbm4b:s1+s26], $0x20, s24, s26, $0xb8;
	[tilespmem:$0x15000] =	vst v63  }
0x37: {  	_ = 	snop  }
0x38: {  	[tilespmem:s30], [sflag:$0x2] =	stream.indirect.gather [hbm4b:s1+s26], $0x20, s29, s26, $0xb8;
	[tilespmem:$0x15000] =	vst v63  }
0x39: {  	_ = 	snop  }
0x3a: {  	[tilespmem:s3], [sflag:$0x2] =	stream.indirect.gather [hbm4b:s1+s26], $0x20, s0, s26, $0xb8;
	[tilespmem:$0x15000] =	vst v63  }
0x3b: {  	s11 =	simm.s32 $0x300;
	s12 =	simm.s32 $0x7000  }
0x3c: {  	[tilespmem:s12], [sflag:$0x2] =	stream.indirect.gather [hbm4b:s1+s26], $0x20, s11, s26, $0xb8;
	[tilespmem:$0x15000] =	vst v63  }
0x3d: {  	s14 =	simm.s32 $0x380;
	s15 =	simm.s32 $0x8000  }
0x3e: {  	[tilespmem:s15], [sflag:$0x2] =	stream.indirect.gather [hbm4b:s1+s26], $0x20, s14, s26, $0xb8;
	[tilespmem:$0x15000] =	vst v63  }
0x3f: {  	_ =	swait.ge [sflag:s13], $0x1000  }
0x40: {  	[sflag:s13] =	ssyncset.done $0x0  }
0x41: {  	[sflag:s13] =	ssyncadd.s32 $0xFFFFF000  }
0x42: {  	_ =	swait.ge [sflag:s13], $0x1000  }
0x43: {  	[sflag:s13] =	ssyncset.done $0x0  }
0x44: {  	[sflag:s13] =	ssyncadd.s32 $0xFFFFF000  }
0x45: {  	_ =	swait.ge [sflag:s13], $0x1000  }
0x46: {  	[sflag:s13] =	ssyncset.done $0x0  }
0x47: {  	[sflag:s13] =	ssyncadd.s32 $0xFFFFF000  }
0x48: {  	_ =	swait.ge [sflag:s13], $0x1000  }
0x49: {  	[sflag:s13] =	ssyncset.done $0x0  }
0x4a: {  	[sflag:s13] =	ssyncadd.s32 $0xFFFFF000  }
0x4b: {  	_ =	swait.ge [sflag:s13], $0x1000  }
0x4c: {  	[sflag:s13] =	ssyncset.done $0x0  }
0x4d: {  	[sflag:s13] =	ssyncadd.s32 $0xFFFFF000  }
0x4e: {  	_ =	swait.ge [sflag:s13], $0x1000  }
0x4f: {  	[sflag:s13] =	ssyncset.done $0x0  }
0x50: {  	[sflag:s13] =	ssyncadd.s32 $0xFFFFF000  }
0x51: {  	_ =	swait.ge [sflag:s13], $0x1000  }
0x52: {  	[sflag:s13] =	ssyncset.done $0x0  }
0x53: {  	[sflag:s13] =	ssyncadd.s32 $0xFFFFF000  }
0x54: {  	_ =	swait.ge [sflag:s13], $0x1000  }
0x55: {  	[sflag:s13] =	ssyncset.done $0x0  }
0x56: {  	[sflag:s13] =	ssyncadd.s32 $0xFFFFF000  }
0x57: {  	_ =	swait.ge [sflag:s25], $0x400  }
0x58: {  	[sflag:s25] =	ssyncset.done $0x0  }
0x59: {  	[sflag:s25] =	ssyncadd.s32 $0xFFFFFC00  }
0x5a: {  	_ =	swait.ge [sflag:s25], $0x400  }
0x5b: {  	[sflag:s25] =	ssyncset.done $0x0  }
0x5c: {  	s10 =	simm.s32 $0x9000;
	[sflag:s25] =	ssyncadd.s32 $0xFFFFFC00  }
0x5d: {  	[tilespmem:s10], [sflag:$0x2] =	stream.indirect.gather [hbm4b:s1+s26], $0x20, s23, s26, $0xb8;
	[tilespmem:$0x15000] =	vst v63  }
0x5e: {  	s9 =	simm.s32 $0x480;
	s10 =	simm.s32 $0xA000  }
0x5f: {  	[tilespmem:s10], [sflag:$0x2] =	stream.indirect.gather [hbm4b:s1+s26], $0x20, s9, s26, $0xb8;
	[tilespmem:$0x15000] =	vst v63  }
0x60: {  	s31 =	simm.s32 $0xB000;
	s9 =	simm.s32 $0x500  }
0x61: {  	[tilespmem:s31], [sflag:$0x2] =	stream.indirect.gather [hbm4b:s1+s26], $0x20, s9, s26, $0xb8;
	[tilespmem:$0x15000] =	vst v63  }
0x62: {  	s7 =	simm.s32 $0x580;
	s9 =	simm.s32 $0xC000  }
0x63: {  	[tilespmem:s9], [sflag:$0x2] =	stream.indirect.gather [hbm4b:s1+s26], $0x20, s7, s26, $0xb8;
	[tilespmem:$0x15000] =	vst v63  }
0x64: {  	s7 =	simm.s32 $0x600;
	s9 =	simm.s32 $0xD000  }
0x65: {  	[tilespmem:s9], [sflag:$0x2] =	stream.indirect.gather [hbm4b:s1+s26], $0x20, s7, s26, $0xb8;
	[tilespmem:$0x15000] =	vst v63  }
0x66: {  	s7 =	simm.s32 $0x680;
	s9 =	simm.s32 $0xE000  }
0x67: {  	[tilespmem:s9], [sflag:$0x2] =	stream.indirect.gather [hbm4b:s1+s26], $0x20, s7, s26, $0xb8;
	[tilespmem:$0x15000] =	vst v63  }
0x68: {  	s7 =	simm.s32 $0x700;
	s9 =	simm.s32 $0xF000  }
0x69: {  	[tilespmem:s9], [sflag:$0x2] =	stream.indirect.gather [hbm4b:s1+s26], $0x20, s7, s26, $0xb8;
	[tilespmem:$0x15000] =	vst v63  }
0x6a: {  	s7 =	simm.s32 $0x780;
	s9 =	simm.s32 $0x10000  }
0x6b: {  	[tilespmem:s9], [sflag:$0x2] =	stream.indirect.gather [hbm4b:s1+s26], $0x20, s7, s26, $0xb8;
	[tilespmem:$0x15000] =	vst v63  }
0x6c: {  	s9 =	rddreg [dreg:$0xb];
	s7 =	simm.s32 $0x11000  }
0x6d: {  	[hbm4b:s9+s20] =	stream.strided.scatter [tilespmem:s7], [sflag:$0x3], $0x2000, s5, s20, $0x38;
	[tilespmem:$0x15000] =	vst v63  }
0x6e: {  	s7 =	rddreg [dreg:$0xc]  }
0x6f: {  	[tilespmem:s2], [sflag:$0x1] =	stream.strided.gather [hbm4b:s7+s20], $0x400, s21, s20, $0x38;
	[tilespmem:$0x15000] =	vst v63  }
0x70: {  	s7 =	rddreg [dreg:$0xd]  }
0x71: {  	[tilespmem:s17], [sflag:$0x1] =	stream.strided.gather [hbm4b:s7+s20], $0x400, s21, s20, $0x38;
	[tilespmem:$0x15000] =	vst v63  }
0x72: {  	_ =	swait.ge [sflag:s13], $0x1000  }
0x73: {  	[sflag:s13] =	ssyncset.done $0x0  }
0x74: {  	[sflag:s13] =	ssyncadd.s32 $0xFFFFF000  }
0x75: {  	_ =	swait.ge [sflag:s13], $0x1000  }
0x76: {  	[sflag:s13] =	ssyncset.done $0x0  }
0x77: {  	[sflag:s13] =	ssyncadd.s32 $0xFFFFF000  }
0x78: {  	_ =	swait.ge [sflag:s13], $0x1000  }
0x79: {  	[sflag:s13] =	ssyncset.done $0x0  }
0x7a: {  	[sflag:s13] =	ssyncadd.s32 $0xFFFFF000  }
0x7b: {  	_ =	swait.ge [sflag:s13], $0x1000  }
0x7c: {  	[sflag:s13] =	ssyncset.done $0x0  }
0x7d: {  	[sflag:s13] =	ssyncadd.s32 $0xFFFFF000  }
0x7e: {  	_ =	swait.ge [sflag:s13], $0x1000  }
0x7f: {  	[sflag:s13] =	ssyncset.done $0x0  }
0x80: {  	[sflag:s13] =	ssyncadd.s32 $0xFFFFF000  }
0x81: {  	_ =	swait.ge [sflag:s13], $0x1000  }
0x82: {  	[sflag:s13] =	ssyncset.done $0x0  }
0x83: {  	[sflag:s13] =	ssyncadd.s32 $0xFFFFF000  }
0x84: {  	_ =	swait.ge [sflag:s13], $0x1000  }
0x85: {  	[sflag:s13] =	ssyncset.done $0x0  }
0x86: {  	[sflag:s13] =	ssyncadd.s32 $0xFFFFF000  }
0x87: {  	_ =	swait.ge [sflag:s13], $0x1000  }
0x88: {  	[sflag:s13] =	ssyncset.done $0x0  }
0x89: {  	[sflag:s13] =	ssyncadd.s32 $0xFFFFF000  }
0x8a: {  	_ =	swait.ge [sflag:s25], $0x400  }
0x8b: {  	[sflag:s25] =	ssyncset.done $0x0  }
0x8c: {  	[sflag:s25] =	ssyncadd.s32 $0xFFFFFC00  }
0x8d: {  	_ =	swait.ge [sflag:s25], $0x400  }
0x8e: {  	[sflag:s25] =	ssyncset.done $0x0  }
0x8f: {  	[sflag:s25] =	ssyncadd.s32 $0xFFFFFC00  }
0x90: {  	[tilespmem:s18], [sflag:$0x2] =	stream.indirect.gather [hbm4b:s1+s26], $0x20, s2, s26, $0xb8;
	[tilespmem:$0x15000] =	vst v63  }
0x91: {  	_ = 	snop  }
0x92: {  	[tilespmem:s19], [sflag:$0x2] =	stream.indirect.gather [hbm4b:s1+s26], $0x20, s26, s26, $0xb8;
	[tilespmem:$0x15000] =	vst v63  }
0x93: {  	_ = 	snop  }
0x94: {  	[tilespmem:s16], [sflag:$0x2] =	stream.indirect.gather [hbm4b:s1+s26], $0x20, s20, s26, $0xb8;
	[tilespmem:$0x15000] =	vst v63  }
0x95: {  	_ = 	snop  }
0x96: {  	[tilespmem:s28], [sflag:$0x2] =	stream.indirect.gather [hbm4b:s1+s26], $0x20, s24, s26, $0xb8;
	[tilespmem:$0x15000] =	vst v63  }
0x97: {  	_ = 	snop  }
0x98: {  	[tilespmem:s30], [sflag:$0x2] =	stream.indirect.gather [hbm4b:s1+s26], $0x20, s29, s26, $0xb8;
	[tilespmem:$0x15000] =	vst v63  }
0x99: {  	_ = 	snop  }
0x9a: {  	[tilespmem:s3], [sflag:$0x2] =	stream.indirect.gather [hbm4b:s1+s26], $0x20, s0, s26, $0xb8;
	[tilespmem:$0x15000] =	vst v63  }
0x9b: {  	_ = 	snop  }
0x9c: {  	[tilespmem:s12], [sflag:$0x2] =	stream.indirect.gather [hbm4b:s1+s26], $0x20, s11, s26, $0xb8;
	[tilespmem:$0x15000] =	vst v63  }
0x9d: {  	_ = 	snop  }
0x9e: {  	[tilespmem:s15], [sflag:$0x2] =	stream.indirect.gather [hbm4b:s1+s26], $0x20, s14, s26, $0xb8;
	[tilespmem:$0x15000] =	vst v63  }
0x9f: {  	s12 =	rddreg [dreg:$0xe]  }
0xa0: {  	[hbm4b:s12+s20] =	stream.strided.scatter [tilespmem:s6], [sflag:$0x3], $0x2000, s5, s20, $0x38;
	[tilespmem:$0x15000] =	vst v63  }
0xa1: {  	s14 =	rddreg [dreg:$0xf]  }
0xa2: {  	[tilespmem:s23], [sflag:$0x1] =	stream.strided.gather [hbm4b:s14+s20], $0x400, s21, s20, $0x38;
	[tilespmem:$0x15000] =	vst v63  }
0xa3: {  	s15 =	rddreg [dreg:$0x10]  }
0xa4: {  	[tilespmem:s22], [sflag:$0x1] =	stream.strided.gather [hbm4b:s15+s20], $0x400, s21, s20, $0x38;
	[tilespmem:$0x15000] =	vst v63  }
0xa5: {  	_ =	swait.ge [sflag:s13], $0x1000  }
0xa6: {  	[sflag:s13] =	ssyncset.done $0x0  }
0xa7: {  	[sflag:s13] =	ssyncadd.s32 $0xFFFFF000  }
0xa8: {  	_ =	swait.ge [sflag:s13], $0x1000  }
0xa9: {  	[sflag:s13] =	ssyncset.done $0x0  }
0xaa: {  	[sflag:s13] =	ssyncadd.s32 $0xFFFFF000  }
0xab: {  	_ =	swait.ge [sflag:s13], $0x1000  }
0xac: {  	[sflag:s13] =	ssyncset.done $0x0  }
0xad: {  	[sflag:s13] =	ssyncadd.s32 $0xFFFFF000  }
0xae: {  	_ =	swait.ge [sflag:s13], $0x1000  }
0xaf: {  	[sflag:s13] =	ssyncset.done $0x0  }
0xb0: {  	[sflag:s13] =	ssyncadd.s32 $0xFFFFF000  }
0xb1: {  	_ =	swait.ge [sflag:s13], $0x1000  }
0xb2: {  	[sflag:s13] =	ssyncset.done $0x0  }
0xb3: {  	[sflag:s13] =	ssyncadd.s32 $0xFFFFF000  }
0xb4: {  	_ =	swait.ge [sflag:s13], $0x1000  }
0xb5: {  	[sflag:s13] =	ssyncset.done $0x0  }
0xb6: {  	[sflag:s13] =	ssyncadd.s32 $0xFFFFF000  }
0xb7: {  	_ =	swait.ge [sflag:s13], $0x1000  }
0xb8: {  	[sflag:s13] =	ssyncset.done $0x0  }
0xb9: {  	[sflag:s13] =	ssyncadd.s32 $0xFFFFF000  }
0xba: {  	_ =	swait.ge [sflag:s13], $0x1000  }
0xbb: {  	[sflag:s13] =	ssyncset.done $0x0  }
0xbc: {  	[sflag:s13] =	ssyncadd.s32 $0xFFFFF000  }
0xbd: {  	_ =	swait.ge [sflag:s25], $0x400  }
0xbe: {  	[sflag:s25] =	ssyncset.done $0x0  }
0xbf: {  	[sflag:s25] =	ssyncadd.s32 $0xFFFFFC00  }
0xc0: {  	_ =	swait.ge [sflag:s25], $0x400  }
0xc1: {  	[sflag:s25] =	ssyncset.done $0x0  }
0xc2: {  	s11 =	simm.s32 $0x9000;
	[sflag:s25] =	ssyncadd.s32 $0xFFFFFC00  }
0xc3: {  	[tilespmem:s11], [sflag:$0x2] =	stream.indirect.gather [hbm4b:s1+s26], $0x20, s23, s26, $0xb8;
	[tilespmem:$0x15000] =	vst v63  }
0xc4: {  	s12 =	simm.s32 $0x480  }
0xc5: {  	[tilespmem:s10], [sflag:$0x2] =	stream.indirect.gather [hbm4b:s1+s26], $0x20, s12, s26, $0xb8;
	[tilespmem:$0x15000] =	vst v63  }
0xc6: {  	s14 =	simm.s32 $0x500  }
0xc7: {  	[tilespmem:s31], [sflag:$0x2] =	stream.indirect.gather [hbm4b:s1+s26], $0x20, s14, s26, $0xb8;
	[tilespmem:$0x15000] =	vst v63  }
0xc8: {  	s15 =	simm.s32 $0x580;
	s22 =	simm.s32 $0xC000  }
0xc9: {  	[tilespmem:s22], [sflag:$0x2] =	stream.indirect.gather [hbm4b:s1+s26], $0x20, s15, s26, $0xb8;
	[tilespmem:$0x15000] =	vst v63  }
0xca: {  	s11 =	simm.s32 $0xD000;
	s10 =	simm.s32 $0x600  }
0xcb: {  	[tilespmem:s11], [sflag:$0x2] =	stream.indirect.gather [hbm4b:s1+s26], $0x20, s10, s26, $0xb8;
	[tilespmem:$0x15000] =	vst v63  }
0xcc: {  	s12 =	simm.s32 $0x680;
	s14 =	simm.s32 $0xE000  }
0xcd: {  	[tilespmem:s14], [sflag:$0x2] =	stream.indirect.gather [hbm4b:s1+s26], $0x20, s12, s26, $0xb8;
	[tilespmem:$0x15000] =	vst v63  }
0xce: {  	s9 =	rddreg [dreg:$0x14];
	s15 =	simm.s32 $0x700;
	s22 =	simm.s32 $0xF000  }
0xcf: {  	[tilespmem:s22], [sflag:$0x2] =	stream.indirect.gather [hbm4b:s1+s26], $0x20, s15, s26, $0xb8;
	[tilespmem:$0x15000] =	vst v63  }
0xd0: {  	s15 =	rddreg [dreg:$0x15]  }
0xd1: {  	s11 =	simm.s32 $0x780;
	s12 =	simm.s32 $0x10000;
	s10 =	sadd.s32 $0x4000, s15  }
0xd2: {  	[tilespmem:s12], [sflag:$0x2] =	stream.indirect.gather [hbm4b:s1+s26], $0x20, s11, s26, $0xb8;
	[tilespmem:$0x15000] =	vst v63  }
0xd3: {  	s22 =	sand.u32 $0x3FE00, s9;
	s14 =	sand.u32 $0x3800000, s10  }
0xd4: {  	_ =	swait.ge [sflag:s8], $0x2000;
	s11 =	sor.u32 s22, s14  }
0xd5: {  	s22 =	simm.s32 $0x11000;
	[sflag:s8] =	ssyncset.done $0x0;
	s11 =	sshrl.u32 s11, $0x3  }
0xd6: {  	s12 =	rddreg [dreg:$0x6];
	[sflag:s8] =	ssyncadd.s32 $0xFFFFE000;
	s11 =	sadd.s32 s4, s11  }
0xd7: {  	[hbm4b:s11+s20] =	stream.strided.scatter [tilespmem:s22], [sflag:$0x3], $0x2000, s5, s20, $0x38;
	[tilespmem:$0x15000] =	vst v63  }
0xd8: {  	s14 =	rddreg [dreg:$0x5];
	s12 =	sadd.s32 $0x0, s12  }
0xd9: {  	[tilespmem:s2], [sflag:$0x1] =	stream.strided.gather [hbm4b:s12+s20], $0x400, s21, s20, $0x38;
	[tilespmem:$0x15000] =	vst v63  }
0xda: {  	s14 =	sadd.s32 $0x0, s14  }
0xdb: {  	[tilespmem:s17], [sflag:$0x1] =	stream.strided.gather [hbm4b:s14+s20], $0x400, s21, s20, $0x38;
	[tilespmem:$0x15000] =	vst v63  }
0xdc: {  	_ =	swait.ge [sflag:s13], $0x1000  }
0xdd: {  	[sflag:s13] =	ssyncset.done $0x0  }
0xde: {  	[sflag:s13] =	ssyncadd.s32 $0xFFFFF000  }
0xdf: {  	_ =	swait.ge [sflag:s13], $0x1000  }
0xe0: {  	[sflag:s13] =	ssyncset.done $0x0  }
0xe1: {  	[sflag:s13] =	ssyncadd.s32 $0xFFFFF000  }
0xe2: {  	_ =	swait.ge [sflag:s13], $0x1000  }
0xe3: {  	[sflag:s13] =	ssyncset.done $0x0  }
0xe4: {  	[sflag:s13] =	ssyncadd.s32 $0xFFFFF000  }
0xe5: {  	_ =	swait.ge [sflag:s13], $0x1000  }
0xe6: {  	[sflag:s13] =	ssyncset.done $0x0  }
0xe7: {  	[sflag:s13] =	ssyncadd.s32 $0xFFFFF000  }
0xe8: {  	_ =	swait.ge [sflag:s13], $0x1000  }
0xe9: {  	[sflag:s13] =	ssyncset.done $0x0  }
0xea: {  	[sflag:s13] =	ssyncadd.s32 $0xFFFFF000  }
0xeb: {  	_ =	swait.ge [sflag:s13], $0x1000  }
0xec: {  	[sflag:s13] =	ssyncset.done $0x0  }
0xed: {  	[sflag:s13] =	ssyncadd.s32 $0xFFFFF000  }
0xee: {  	_ =	swait.ge [sflag:s13], $0x1000  }
0xef: {  	[sflag:s13] =	ssyncset.done $0x0  }
0xf0: {  	[sflag:s13] =	ssyncadd.s32 $0xFFFFF000  }
0xf1: {  	_ =	swait.ge [sflag:s13], $0x1000  }
0xf2: {  	[sflag:s13] =	ssyncset.done $0x0  }
0xf3: {  	[sflag:s13] =	ssyncadd.s32 $0xFFFFF000  }
0xf4: {  	_ =	swait.ge [sflag:s25], $0x400  }
0xf5: {  	[sflag:s25] =	ssyncset.done $0x0  }
0xf6: {  	[sflag:s25] =	ssyncadd.s32 $0xFFFFFC00  }
0xf7: {  	_ =	swait.ge [sflag:s25], $0x400  }
0xf8: {  	[sflag:s25] =	ssyncset.done $0x0  }
0xf9: {  	[sflag:s25] =	ssyncadd.s32 $0xFFFFFC00  }
0xfa: {  	[tilespmem:s18], [sflag:$0x2] =	stream.indirect.gather [hbm4b:s1+s26], $0x20, s2, s26, $0xb8;
	[tilespmem:$0x15000] =	vst v63  }
0xfb: {  	_ = 	snop  }
0xfc: {  	[tilespmem:s19], [sflag:$0x2] =	stream.indirect.gather [hbm4b:s1+s26], $0x20, s26, s26, $0xb8;
	[tilespmem:$0x15000] =	vst v63  }
0xfd: {  	s7 =	simm.s32 $0x7000;
	s31 =	simm.s32 $0x5000  }
0xfe: {  	[tilespmem:s16], [sflag:$0x2] =	stream.indirect.gather [hbm4b:s1+s26], $0x20, s20, s26, $0xb8;
	[tilespmem:$0x15000] =	vst v63  }
0xff: {  	s22 =	sadd.s32 $0x100, s9;
	s11 =	simm.s32 $0x0;
	s12 =	sadd.s32 $0x6000, s15  }
0x100: {  	[tilespmem:s28], [sflag:$0x2] =	stream.indirect.gather [hbm4b:s1+s26], $0x20, s24, s26, $0xb8;
	[tilespmem:$0x15000] =	vst v63  }
0x101: {  	s15 =	sadd.s32 $0x200, s9;
	s14 =	simm.s32 $0x40;
	s16 =	sand.u32 $0x3FF00, s22  }
0x102: {  	[tilespmem:s30], [sflag:$0x2] =	stream.indirect.gather [hbm4b:s1+s26], $0x20, s29, s26, $0xb8;
	[tilespmem:$0x15000] =	vst v63  }
0x103: {  	s28 =	simm.s32 $0x180;
	s24 =	simm.s32 $0x3000;
	s30 =	simm.s32 $0x200  }
0x104: {  	[tilespmem:s3], [sflag:$0x2] =	stream.indirect.gather [hbm4b:s1+s26], $0x20, s0, s26, $0xb8;
	[tilespmem:$0x15000] =	vst v63  }
0x105: {  	s29 =	simm.s32 $0x4000;
	s0 =	simm.s32 $0x280;
	s3 =	simm.s32 $0x6000  }
.LBB2_2:
0x106: {  	s9 =	simm.s32 $0x300  }
0x107: {  	[tilespmem:s7], [sflag:$0x2] =	stream.indirect.gather [hbm4b:s1+s26], $0x20, s9, s26, $0xb8;
	[tilespmem:$0x15000] =	vst v63  }
0x108: {  	s22 =	sand.u32 $0x3800000, s12;
	s18 =	simm.s32 $0x380;
	s19 =	simm.s32 $0x8000  }
0x109: {  	[tilespmem:s19], [sflag:$0x2] =	stream.indirect.gather [hbm4b:s1+s26], $0x20, s18, s26, $0xb8;
	[tilespmem:$0x15000] =	vst v63  }
0x10a: {  	s9 =	sor.u32 s16, s22;
	_ =	swait.ge [sflag:s8], $0x2000  }
0x10b: {  	s9 =	sshrl.u32 s9, $0x3;
	[sflag:s8] =	ssyncset.done $0x0  }
0x10c: {  	s9 =	sadd.s32 s4, s9;
	s22 =	rddreg [dreg:$0x4];
	[sflag:s8] =	ssyncadd.s32 $0xFFFFE000  }
0x10d: {  	[hbm4b:s9+s20] =	stream.strided.scatter [tilespmem:s6], [sflag:$0x3], $0x2000, s5, s20, $0x38;
	[tilespmem:$0x15000] =	vst v63  }
0x10e: {  	s18 =	rddreg [dreg:$0x3];
	s22 =	sadd.s32 s11, s22  }
0x10f: {  	[tilespmem:s23], [sflag:$0x1] =	stream.strided.gather [hbm4b:s22+s20], $0x400, s21, s20, $0x38;
	[tilespmem:$0x15000] =	vst v63  }
0x110: {  	s18 =	sadd.s32 s11, s18;
	s22 =	simm.s32 $0xC00  }
0x111: {  	[tilespmem:s22], [sflag:$0x1] =	stream.strided.gather [hbm4b:s18+s20], $0x400, s21, s20, $0x38;
	[tilespmem:$0x15000] =	vst v63  }
0x112: {  	_ =	swait.ge [sflag:s13], $0x1000  }
0x113: {  	[sflag:s13] =	ssyncset.done $0x0  }
0x114: {  	[sflag:s13] =	ssyncadd.s32 $0xFFFFF000  }
0x115: {  	_ =	swait.ge [sflag:s13], $0x1000  }
0x116: {  	[sflag:s13] =	ssyncset.done $0x0  }
0x117: {  	[sflag:s13] =	ssyncadd.s32 $0xFFFFF000  }
0x118: {  	_ =	swait.ge [sflag:s13], $0x1000  }
0x119: {  	[sflag:s13] =	ssyncset.done $0x0  }
0x11a: {  	[sflag:s13] =	ssyncadd.s32 $0xFFFFF000  }
0x11b: {  	_ =	swait.ge [sflag:s13], $0x1000  }
0x11c: {  	[sflag:s13] =	ssyncset.done $0x0  }
0x11d: {  	[sflag:s13] =	ssyncadd.s32 $0xFFFFF000  }
0x11e: {  	_ =	swait.ge [sflag:s13], $0x1000  }
0x11f: {  	[sflag:s13] =	ssyncset.done $0x0  }
0x120: {  	[sflag:s13] =	ssyncadd.s32 $0xFFFFF000  }
0x121: {  	_ =	swait.ge [sflag:s13], $0x1000  }
0x122: {  	[sflag:s13] =	ssyncset.done $0x0  }
0x123: {  	[sflag:s13] =	ssyncadd.s32 $0xFFFFF000  }
0x124: {  	_ =	swait.ge [sflag:s13], $0x1000  }
0x125: {  	[sflag:s13] =	ssyncset.done $0x0  }
0x126: {  	[sflag:s13] =	ssyncadd.s32 $0xFFFFF000  }
0x127: {  	_ =	swait.ge [sflag:s13], $0x1000  }
0x128: {  	[sflag:s13] =	ssyncset.done $0x0  }
0x129: {  	[sflag:s13] =	ssyncadd.s32 $0xFFFFF000  }
0x12a: {  	_ =	swait.ge [sflag:s25], $0x400  }
0x12b: {  	[sflag:s25] =	ssyncset.done $0x0  }
0x12c: {  	[sflag:s25] =	ssyncadd.s32 $0xFFFFFC00  }
0x12d: {  	_ =	swait.ge [sflag:s25], $0x400  }
0x12e: {  	s17 =	smov.u32 s14;
	[sflag:s25] =	ssyncset.done $0x0  }
0x12f: {  	s11 =	smov.u32 s17;
	s17 =	simm.s32 $0x9000;
	[sflag:s25] =	ssyncadd.s32 $0xFFFFFC00  }
0x130: {  	[tilespmem:s17], [sflag:$0x2] =	stream.indirect.gather [hbm4b:s1+s26], $0x20, s23, s26, $0xb8;
	[tilespmem:$0x15000] =	vst v63  }
0x131: {  	s18 =	simm.s32 $0x480;
	s22 =	simm.s32 $0xA000  }
0x132: {  	[tilespmem:s22], [sflag:$0x2] =	stream.indirect.gather [hbm4b:s1+s26], $0x20, s18, s26, $0xb8;
	[tilespmem:$0x15000] =	vst v63  }
0x133: {  	s18 =	simm.s32 $0x500;
	s22 =	simm.s32 $0xB000  }
0x134: {  	[tilespmem:s22], [sflag:$0x2] =	stream.indirect.gather [hbm4b:s1+s26], $0x20, s18, s26, $0xb8;
	[tilespmem:$0x15000] =	vst v63  }
0x135: {  	s18 =	simm.s32 $0x580;
	s22 =	simm.s32 $0xC000  }
0x136: {  	[tilespmem:s22], [sflag:$0x2] =	stream.indirect.gather [hbm4b:s1+s26], $0x20, s18, s26, $0xb8;
	[tilespmem:$0x15000] =	vst v63  }
0x137: {  	s18 =	simm.s32 $0x600;
	s22 =	simm.s32 $0xD000  }
0x138: {  	[tilespmem:s22], [sflag:$0x2] =	stream.indirect.gather [hbm4b:s1+s26], $0x20, s18, s26, $0xb8;
	[tilespmem:$0x15000] =	vst v63  }
0x139: {  	s18 =	simm.s32 $0x680;
	s22 =	simm.s32 $0xE000  }
0x13a: {  	[tilespmem:s22], [sflag:$0x2] =	stream.indirect.gather [hbm4b:s1+s26], $0x20, s18, s26, $0xb8;
	[tilespmem:$0x15000] =	vst v63  }
0x13b: {  	s12 =	sadd.s32 $0x6000, s10;
	s18 =	simm.s32 $0x700;
	s22 =	simm.s32 $0xF000  }
0x13c: {  	[tilespmem:s22], [sflag:$0x2] =	stream.indirect.gather [hbm4b:s1+s26], $0x20, s18, s26, $0xb8;
	[tilespmem:$0x15000] =	vst v63  }
0x13d: {  	s10 =	sadd.s32 $0x4000, s10;
	s18 =	simm.s32 $0x780;
	s22 =	simm.s32 $0x10000  }
0x13e: {  	[tilespmem:s22], [sflag:$0x2] =	stream.indirect.gather [hbm4b:s1+s26], $0x20, s18, s26, $0xb8;
	[tilespmem:$0x15000] =	vst v63  }
0x13f: {  	s17 =	sand.u32 $0x3800000, s10;
	s18 =	sand.u32 $0x3FE00, s15  }
0x140: {  	_ =	swait.ge [sflag:s8], $0x2000;
	s9 =	sor.u32 s18, s17  }
0x141: {  	s22 =	simm.s32 $0x11000;
	[sflag:s8] =	ssyncset.done $0x0;
	s9 =	sshrl.u32 s9, $0x3  }
0x142: {  	s17 =	rddreg [dreg:$0x6];
	[sflag:s8] =	ssyncadd.s32 $0xFFFFE000;
	s9 =	sadd.s32 s4, s9  }
0x143: {  	[hbm4b:s9+s20] =	stream.strided.scatter [tilespmem:s22], [sflag:$0x3], $0x2000, s5, s20, $0x38;
	[tilespmem:$0x15000] =	vst v63  }
0x144: {  	s18 =	rddreg [dreg:$0x5];
	s22 =	sadd.s32 s11, s17  }
0x145: {  	[tilespmem:s2], [sflag:$0x1] =	stream.strided.gather [hbm4b:s22+s20], $0x400, s21, s20, $0x38;
	[tilespmem:$0x15000] =	vst v63  }
0x146: {  	s17 =	simm.s32 $0x800;
	s22 =	sadd.s32 s11, s18  }
0x147: {  	[tilespmem:s17], [sflag:$0x1] =	stream.strided.gather [hbm4b:s22+s20], $0x400, s21, s20, $0x38;
	[tilespmem:$0x15000] =	vst v63  }
0x148: {  	_ =	swait.ge [sflag:s13], $0x1000  }
0x149: {  	[sflag:s13] =	ssyncset.done $0x0  }
0x14a: {  	[sflag:s13] =	ssyncadd.s32 $0xFFFFF000  }
0x14b: {  	_ =	swait.ge [sflag:s13], $0x1000  }
0x14c: {  	[sflag:s13] =	ssyncset.done $0x0  }
0x14d: {  	[sflag:s13] =	ssyncadd.s32 $0xFFFFF000  }
0x14e: {  	_ =	swait.ge [sflag:s13], $0x1000  }
0x14f: {  	[sflag:s13] =	ssyncset.done $0x0  }
0x150: {  	[sflag:s13] =	ssyncadd.s32 $0xFFFFF000  }
0x151: {  	_ =	swait.ge [sflag:s13], $0x1000  }
0x152: {  	[sflag:s13] =	ssyncset.done $0x0  }
0x153: {  	[sflag:s13] =	ssyncadd.s32 $0xFFFFF000  }
0x154: {  	_ =	swait.ge [sflag:s13], $0x1000  }
0x155: {  	[sflag:s13] =	ssyncset.done $0x0  }
0x156: {  	[sflag:s13] =	ssyncadd.s32 $0xFFFFF000  }
0x157: {  	_ =	swait.ge [sflag:s13], $0x1000  }
0x158: {  	[sflag:s13] =	ssyncset.done $0x0  }
0x159: {  	[sflag:s13] =	ssyncadd.s32 $0xFFFFF000  }
0x15a: {  	_ =	swait.ge [sflag:s13], $0x1000  }
0x15b: {  	[sflag:s13] =	ssyncset.done $0x0  }
0x15c: {  	[sflag:s13] =	ssyncadd.s32 $0xFFFFF000  }
0x15d: {  	_ =	swait.ge [sflag:s13], $0x1000  }
0x15e: {  	[sflag:s13] =	ssyncset.done $0x0  }
0x15f: {  	[sflag:s13] =	ssyncadd.s32 $0xFFFFF000  }
0x160: {  	_ =	swait.ge [sflag:s25], $0x400  }
0x161: {  	[sflag:s25] =	ssyncset.done $0x0  }
0x162: {  	[sflag:s25] =	ssyncadd.s32 $0xFFFFFC00  }
0x163: {  	_ =	swait.ge [sflag:s25], $0x400  }
0x164: {  	[sflag:s25] =	ssyncset.done $0x0  }
0x165: {  	s18 =	simm.s32 $0x1000;
	[sflag:s25] =	ssyncadd.s32 $0xFFFFFC00  }
0x166: {  	[tilespmem:s18], [sflag:$0x2] =	stream.indirect.gather [hbm4b:s1+s26], $0x20, s2, s26, $0xb8;
	[tilespmem:$0x15000] =	vst v63  }
0x167: {  	s19 =	simm.s32 $0x2000  }
0x168: {  	[tilespmem:s19], [sflag:$0x2] =	stream.indirect.gather [hbm4b:s1+s26], $0x20, s26, s26, $0xb8;
	[tilespmem:$0x15000] =	vst v63  }
0x169: {  	_ = 	snop  }
0x16a: {  	[tilespmem:s24], [sflag:$0x2] =	stream.indirect.gather [hbm4b:s1+s26], $0x20, s20, s26, $0xb8;
	[tilespmem:$0x15000] =	vst v63  }
0x16b: {  	p0 =	sne.s32 s14, $0xF40  }
0x16c: {  	[tilespmem:s29], [sflag:$0x2] =	stream.indirect.gather [hbm4b:s1+s26], $0x20, s28, s26, $0xb8;
	[tilespmem:$0x15000] =	vst v63  }
.Ltmp0:
0x16d: {  	_ = 	snop;
	(pc) =	sbr.rel @p0 .LBB2_2-.Ltmp0, $4  }
0x16e: {  	s16 =	sadd.s32 $0x100, s15  }
0x16f: {  	[tilespmem:s31], [sflag:$0x2] =	stream.indirect.gather [hbm4b:s1+s26], $0x20, s30, s26, $0xb8;
	[tilespmem:$0x15000] =	vst v63  }
0x170: {  	s14 =	sadd.s32 $0x40, s14;
	s16 =	sand.u32 $0x3FF00, s16;
	s15 =	sadd.s32 $0x200, s15  }
0x171: {  	[tilespmem:s3], [sflag:$0x2] =	stream.indirect.gather [hbm4b:s1+s26], $0x20, s0, s26, $0xb8;
	[tilespmem:$0x15000] =	vst v63  }
0x172: {  	s0 =	simm.s32 $0x300  }
0x173: {  	[tilespmem:s7], [sflag:$0x2] =	stream.indirect.gather [hbm4b:s1+s26], $0x20, s0, s26, $0xb8;
	[tilespmem:$0x15000] =	vst v63  }
0x174: {  	s9 =	sand.u32 $0x3800000, s12;
	s31 =	simm.s32 $0x380;
	s3 =	simm.s32 $0x8000  }
0x175: {  	[tilespmem:s3], [sflag:$0x2] =	stream.indirect.gather [hbm4b:s1+s26], $0x20, s31, s26, $0xb8;
	[tilespmem:$0x15000] =	vst v63  }
0x176: {  	s9 =	sor.u32 s16, s9;
	_ =	swait.ge [sflag:s8], $0x2000  }
0x177: {  	s7 =	simm.s32 $0x13000;
	s9 =	sshrl.u32 s9, $0x3;
	[sflag:s8] =	ssyncset.done $0x0  }
0x178: {  	s9 =	sadd.s32 s4, s9;
	s10 =	rddreg [dreg:$0x4];
	[sflag:s8] =	ssyncadd.s32 $0xFFFFE000  }
0x179: {  	[hbm4b:s9+s20] =	stream.strided.scatter [tilespmem:s7], [sflag:$0x3], $0x2000, s5, s20, $0x38;
	[tilespmem:$0x15000] =	vst v63  }
0x17a: {  	s3 =	rddreg [dreg:$0x3];
	s10 =	sadd.s32 s11, s10  }
0x17b: {  	[tilespmem:s23], [sflag:$0x1] =	stream.strided.gather [hbm4b:s10+s20], $0x400, s21, s20, $0x38;
	[tilespmem:$0x15000] =	vst v63  }
0x17c: {  	s6 =	simm.s32 $0xC00;
	s9 =	sadd.s32 s11, s3  }
0x17d: {  	[tilespmem:s6], [sflag:$0x1] =	stream.strided.gather [hbm4b:s9+s20], $0x400, s21, s20, $0x38;
	[tilespmem:$0x15000] =	vst v63  }
0x17e: {  	_ =	swait.ge [sflag:s13], $0x1000  }
0x17f: {  	[sflag:s13] =	ssyncset.done $0x0  }
0x180: {  	[sflag:s13] =	ssyncadd.s32 $0xFFFFF000  }
0x181: {  	_ =	swait.ge [sflag:s13], $0x1000  }
0x182: {  	[sflag:s13] =	ssyncset.done $0x0  }
0x183: {  	[sflag:s13] =	ssyncadd.s32 $0xFFFFF000  }
0x184: {  	_ =	swait.ge [sflag:s13], $0x1000  }
0x185: {  	[sflag:s13] =	ssyncset.done $0x0  }
0x186: {  	[sflag:s13] =	ssyncadd.s32 $0xFFFFF000  }
0x187: {  	_ =	swait.ge [sflag:s13], $0x1000  }
0x188: {  	[sflag:s13] =	ssyncset.done $0x0  }
0x189: {  	[sflag:s13] =	ssyncadd.s32 $0xFFFFF000  }
0x18a: {  	_ =	swait.ge [sflag:s13], $0x1000  }
0x18b: {  	[sflag:s13] =	ssyncset.done $0x0  }
0x18c: {  	[sflag:s13] =	ssyncadd.s32 $0xFFFFF000  }
0x18d: {  	_ =	swait.ge [sflag:s13], $0x1000  }
0x18e: {  	[sflag:s13] =	ssyncset.done $0x0  }
0x18f: {  	[sflag:s13] =	ssyncadd.s32 $0xFFFFF000  }
0x190: {  	_ =	swait.ge [sflag:s13], $0x1000  }
0x191: {  	[sflag:s13] =	ssyncset.done $0x0  }
0x192: {  	[sflag:s13] =	ssyncadd.s32 $0xFFFFF000  }
0x193: {  	_ =	swait.ge [sflag:s13], $0x1000  }
0x194: {  	[sflag:s13] =	ssyncset.done $0x0  }
0x195: {  	[sflag:s13] =	ssyncadd.s32 $0xFFFFF000  }
0x196: {  	_ =	swait.ge [sflag:s25], $0x400  }
0x197: {  	[sflag:s25] =	ssyncset.done $0x0  }
0x198: {  	[sflag:s25] =	ssyncadd.s32 $0xFFFFFC00  }
0x199: {  	_ =	swait.ge [sflag:s25], $0x400  }
0x19a: {  	[sflag:s25] =	ssyncset.done $0x0  }
0x19b: {  	s10 =	simm.s32 $0x9000;
	[sflag:s25] =	ssyncadd.s32 $0xFFFFFC00  }
0x19c: {  	[tilespmem:s10], [sflag:$0x2] =	stream.indirect.gather [hbm4b:s1+s26], $0x20, s23, s26, $0xb8;
	[tilespmem:$0x15000] =	vst v63  }
0x19d: {  	s12 =	simm.s32 $0xA000;
	s11 =	simm.s32 $0x480  }
0x19e: {  	[tilespmem:s12], [sflag:$0x2] =	stream.indirect.gather [hbm4b:s1+s26], $0x20, s11, s26, $0xb8;
	[tilespmem:$0x15000] =	vst v63  }
0x19f: {  	s14 =	simm.s32 $0x500;
	s15 =	simm.s32 $0xB000  }
0x1a0: {  	[tilespmem:s15], [sflag:$0x2] =	stream.indirect.gather [hbm4b:s1+s26], $0x20, s14, s26, $0xb8;
	[tilespmem:$0x15000] =	vst v63  }
0x1a1: {  	s22 =	simm.s32 $0xC000;
	s16 =	simm.s32 $0x580  }
0x1a2: {  	[tilespmem:s22], [sflag:$0x2] =	stream.indirect.gather [hbm4b:s1+s26], $0x20, s16, s26, $0xb8;
	[tilespmem:$0x15000] =	vst v63  }
0x1a3: {  	s24 =	simm.s32 $0x600;
	s31 =	simm.s32 $0xD000  }
0x1a4: {  	[tilespmem:s31], [sflag:$0x2] =	stream.indirect.gather [hbm4b:s1+s26], $0x20, s24, s26, $0xb8;
	[tilespmem:$0x15000] =	vst v63  }
0x1a5: {  	s6 =	simm.s32 $0x680;
	s9 =	simm.s32 $0xE000  }
0x1a6: {  	[tilespmem:s9], [sflag:$0x2] =	stream.indirect.gather [hbm4b:s1+s26], $0x20, s6, s26, $0xb8;
	[tilespmem:$0x15000] =	vst v63  }
0x1a7: {  	s10 =	simm.s32 $0x700;
	s11 =	simm.s32 $0xF000  }
0x1a8: {  	[tilespmem:s11], [sflag:$0x2] =	stream.indirect.gather [hbm4b:s1+s26], $0x20, s10, s26, $0xb8;
	[tilespmem:$0x15000] =	vst v63  }
0x1a9: {  	s12 =	simm.s32 $0x780;
	s14 =	simm.s32 $0x10000  }
0x1aa: {  	[tilespmem:s14], [sflag:$0x2] =	stream.indirect.gather [hbm4b:s1+s26], $0x20, s12, s26, $0xb8;
	[tilespmem:$0x15000] =	vst v63  }
0x1ab: {  	_ =	swait.ge [sflag:s8], $0x2000  }
0x1ac: {  	[sflag:s8] =	ssyncset.done $0x0  }
0x1ad: {  	s16 =	simm.s32 $0x11000;
	s15 =	rddreg [dreg:$0x11];
	[sflag:s8] =	ssyncadd.s32 $0xFFFFE000  }
0x1ae: {  	[hbm4b:s15+s20] =	stream.strided.scatter [tilespmem:s16], [sflag:$0x3], $0x2000, s5, s20, $0x38;
	[tilespmem:$0x15000] =	vst v63  }
0x1af: {  	_ =	swait.ge [sflag:s13], $0x1000  }
0x1b0: {  	[sflag:s13] =	ssyncset.done $0x0  }
0x1b1: {  	[sflag:s13] =	ssyncadd.s32 $0xFFFFF000  }
0x1b2: {  	_ =	swait.ge [sflag:s13], $0x1000  }
0x1b3: {  	[sflag:s13] =	ssyncset.done $0x0  }
0x1b4: {  	[sflag:s13] =	ssyncadd.s32 $0xFFFFF000  }
0x1b5: {  	_ =	swait.ge [sflag:s13], $0x1000  }
0x1b6: {  	[sflag:s13] =	ssyncset.done $0x0  }
0x1b7: {  	[sflag:s13] =	ssyncadd.s32 $0xFFFFF000  }
0x1b8: {  	_ =	swait.ge [sflag:s13], $0x1000  }
0x1b9: {  	[sflag:s13] =	ssyncset.done $0x0  }
0x1ba: {  	[sflag:s13] =	ssyncadd.s32 $0xFFFFF000  }
0x1bb: {  	_ =	swait.ge [sflag:s13], $0x1000  }
0x1bc: {  	[sflag:s13] =	ssyncset.done $0x0  }
0x1bd: {  	[sflag:s13] =	ssyncadd.s32 $0xFFFFF000  }
0x1be: {  	_ =	swait.ge [sflag:s13], $0x1000  }
0x1bf: {  	[sflag:s13] =	ssyncset.done $0x0  }
0x1c0: {  	[sflag:s13] =	ssyncadd.s32 $0xFFFFF000  }
0x1c1: {  	_ =	swait.ge [sflag:s13], $0x1000  }
0x1c2: {  	[sflag:s13] =	ssyncset.done $0x0  }
0x1c3: {  	[sflag:s13] =	ssyncadd.s32 $0xFFFFF000  }
0x1c4: {  	_ =	swait.ge [sflag:s13], $0x1000  }
0x1c5: {  	[sflag:s13] =	ssyncset.done $0x0  }
0x1c6: {  	[sflag:s13] =	ssyncadd.s32 $0xFFFFF000  }
0x1c7: {  	_ =	swait.ge [sflag:s8], $0x2000  }
0x1c8: {  	[sflag:s8] =	ssyncset.done $0x0  }
0x1c9: {  	s22 =	rddreg [dreg:$0x12];
	[sflag:s8] =	ssyncadd.s32 $0xFFFFE000  }
0x1ca: {  	[hbm4b:s22+s20] =	stream.strided.scatter [tilespmem:s7], [sflag:$0x3], $0x2000, s5, s20, $0x38;
	[tilespmem:$0x15000] =	vst v63  }
0x1cb: {  	_ =	swait.ge [sflag:s8], $0x2000  }
0x1cc: {  	[sflag:s8] =	ssyncset.done $0x0  }
0x1cd: {  	[sflag:s8] =	ssyncadd.s32 $0xFFFFE000  }
0x1ce: {  	_ =	swait.ge [sflag:s8], $0x2000  }
0x1cf: {  	s24 =	rddreg [dreg:$0x16]  }
0x1d0: {  	s31 =	rddreg [dreg:$0x13];
	s7 =	sadd.s32 $0x1, s24  }
0x1d1: {  	p0 =	sne.s32 s7, s31  }
.Ltmp1:
0x1d2: {  	_ = 	snop;
	(pc) =	sbr.rel @p0 .LBB2_1-.Ltmp1, $4  }
0x1d3: {  	s28 =	simm.s32 $0x4000  }
0x1d4: {  	s29 =	simm.s32 $0x200;
	s30 =	simm.s32 $0x5000;
	s0 =	simm.s32 $0x280  }
0x1d5: {  	s3 =	simm.s32 $0x6000;
	s6 =	simm.s32 $0x13000;
	[sflag:s8] =	ssyncset.done $0x0  }
0x1d6: {  	s16 =	simm.s32 $0x3000;
	[sflag:s8] =	ssyncadd.s32 $0xFFFFE000;
	s24 =	simm.s32 $0x180  }
0x1d7: {  	_ =	sfence.sel $0x180000  }
0x1d8: {  	[bflag:$0x0] =	sbarrier.arrive $0xFFFF  }
0x1d9: {  	_ =	strace $0x9000004A  }
0x1da: {  	s0 =	stileid.u32;
	[bflag:$0x2] =	sbarrier.arrive $0xFFFF  }
0x1db: {  	p0 =	sne.s32 s0, $0x0;
	s0 =	rddreg [dreg:$0x2]  }
0x1dc: {  	s0 =	sadd.s32 @!p0 $0x100000, s0  }
0x1dd: {  	[sflag:s0] =	ssyncadd.tile.s32 @!p0 $0x1;
	_ =	shalt  }
.Lfunc_end2:
_tile_overlayer_lowered:
.L_overlay_start_2:
0x1de: {  	(tag) =	ssettag $0x2  }
0x1df: {  	s0 =	rddreg [dreg:$0x0];
	s2 =	stileid.u32  }
0x1e0: {  	s1 =	rddreg [dreg:$0x1];
	p0 =	sne.s32 s2, $0x0  }
0x1e1: {  	s3 =	rddreg [dreg:$0x2];
	[bflag:$0x3] =	sbarrier.arrive $0xFFFF;
	s2 =	simm.s32 @!p0 $0x1C04  }
0x1e2: {  	[timem:s3], [sflag:s2] =	dma.local @!p0 [hbm:s0], s1  }
0x1e3: {  	s0 =	simm.s32 @!p0 $0x4  }
0x1e4: {  	_ =	swait.ge @!p0 [sflag:s0], s1  }
0x1e5: {  	s1 =	ssub.s32 @!p0 $0x0, s1;
	[sflag:s0] =	ssyncset.done @!p0 $0x0  }
0x1e6: {  	[sflag:s0] =	ssyncadd.s32 @!p0 s1  }
0x1e7: {  	[bflag:$0x3] =	sbarrier.arrive $0xFFFF  }
0x1e8: {  	_ =	shalt  }

// kernel: sparse-core-data-format-call.cloned.1.call-start
scs
called_computation_lowered:
.L_overlay_start_0:
0x0: {  	s2 =	sld [smem:$0x3FD9]  }
0x1: {  	s3 =	sld [smem:$0x3FFE];
	_ =	sdelay $0x1  }
0x2: {  	s1 =	srdreg.scid  }
0x3: {  	s0 =	sand.u32 $0x1, s1  }
0x4: {  	s18 =	sshll.u32 s0, $0xA;
	s2 =	sadd.s32 s3, s2  }
0x5: {  	s2 =	sadd.s32 s2, s18  }
0x6: {  	[smem:$0x3FC6] =	sst s2  }
0x7: {  	_ = 	snop  }
0x8: {  	s2 =	sld [smem:$0x3FC9];
	(tm) =	ssettm $0x1  }
0x9: {  	s19 =	sld [smem:$0x3FFB];
	_ =	sdelay $0x3  }
0xa: {  	_ =	strace s19  }
0xb: {  	s3 =	sld [smem:$0x3FFC];
	_ =	sdelay $0x3  }
0xc: {  	_ =	strace s3  }
0xd: {  	s3 =	sld [smem:$0x3FFD];
	_ =	sdelay $0x3  }
0xe: {  	_ =	strace s3  }
0xf: {  	_ =	strace $0x8FFFFFFF  }
0x10: {  	s20 =	sld [smem:$0x3FDB];
	_ =	sdelay $0x1  }
0x11: {  	s4 =	simm.s32 $_scs_section_size  }
0x12: {  	s5 =	simm.s32 $_size__tile_overlayer_lowered;
	s6 =	simm.s32 $_tile_overlayer_lowered  }
0x13: {  	s23 =	simm.s32 $0x1BFF;
	s22 =	sshll.u32 s6, $0x1;
	s3 =	sadd.s32 s4, s20  }
0x14: {  	s7 =	simm.s32 $0x0;
	s21 =	sshll.u32 s5, $0x1;
	s5 =	sadd.s32 s22, s3  }
0x15: {  	[timem:s7], [sflag:s23] =	dma.local [hbm:s5], s21  }
0x16: {  	_ =	swait.ge [sflag:s23], s21  }
0x17: {  	s4 =	ssub.s32 $0x0, s21;
	[sflag:s23] =	ssyncset.done $0x0  }
0x18: {  	[sflag:s23] =	ssyncadd.s32 s4;
	_ =	sdelay $0x1  }
0x19: {  	s24 =	simm.s32 $0x1B8B  }
0x1a: {  	_ =	swait.ge [sflag:s24], $0x1  }
0x1b: {  	[sflag:s24] =	ssyncset.done $0x0  }
0x1c: {  	s26 =	simm.s32 $0x1B8E;
	s25 =	sld [smem:$0x3FFE];
	[sflag:s24] =	ssyncadd.s32 $0xFFFFFFFF  }
0x1d: {  	s27 =	simm.s32 $execute0_lowered;
	[smem:$0x3FD2] =	sst s26  }
0x1e: {  	s5 =	sshll.u32 s27, $0x1;
	_ =	strace $0x80000046;
	[dreg:$0x1] =	wrdreg $0xFFFFFFFF  }
0x1f: {  	s28 =	simm.s32 $_size_execute0_lowered;
	s3 =	sadd.s32 s3, s5;
	[dreg:$0x0] =	wrdreg $0x0  }
0x20: {  	s5 =	sshll.u32 s28, $0x1;
	[dreg:$0x2] =	wrdreg s3  }
0x21: {  	[dreg:$0x3] =	wrdreg s5  }
0x22: {  	[dreg:$0x4] =	wrdreg $0xC0  }
0x23: {  	_ =	task [dreg:s7], $0x5FFFF  }
0x24: {  	[dreg:$0x1] =	wrdreg $0xFFFFFFFF  }
0x25: {  	[dreg:$0x0] =	wrdreg $0x60  }
0x26: {  	[dreg:$0x2] =	wrdreg s2  }
0x27: {  	[dreg:$0x3] =	wrdreg s25  }
0x28: {  	[dreg:$0x4] =	wrdreg $0x9  }
0x29: {  	_ =	task.clear_ibuf [dreg:s7], $0x5FFFF;
	_ =	strace $0x90000046  }
0x2a: {  	s29 =	simm.s32 $0x9;
	_ =	strace $0x80000048  }
0x2b: {  	_ =	swait.ge [sflag:s29], $0x1  }
0x2c: {  	[sflag:s29] =	ssyncadd.s32 $0xFFFFFFFF  }
0x2d: {  	_ =	strace $0x90000048  }
0x2e: {  	_ =	sfence  }
0x2f: {  	s30 =	sld [smem:$0x0];
	_ =	sdelay $0x2  }
0x30: {  	s31 =	sshll.u32 s1, $0xD;
	s1 =	sshrl.u32 s1, $0x2  }
0x31: {  	s3 =	sand.u32 $0x4000, s31;
	s1 =	sadd.s32 s1, s30  }
0x32: {  	s0 =	sor.u32 s3, s0;
	s1 =	sshll.u32 s1, $0x11  }
0x33: {  	s0 =	sor.u32 s1, s0  }
0x34: {  	s0 =	sadd.s32 $0x8F2B, s0  }
0x35: {  	[sflag:s0] =	ssyncadd.remote.s32 $0x1  }
0x36: {  	_ =	sfence.sel $0xFFFF  }
0x37: {  	[dreg:$0x0] =	wrdreg $0xFFFFFFFF;
	(pc) =	sbr.abs _section_cstart, $3  }
0x38: {  	[dreg:$0x1] =	wrdreg $0xFFFFFFFF  }
0x39: {  	_ =	task.clear_ibuf [dreg:s7], $0x2FFFF;
	_ =	strace $0x9FFFFFFF  }
0x3a: {  	(tm) =	ssettm $0x7FFFFFFF  }
0x3b: {  	_ =	shalt  }
tec
execute0_lowered:
.L_overlay_start_1:
0x0: {  	(tag) =	ssettag $0x1  }
0x1: {  	s1 =	srdreg.scid  }
0x2: {  	s0 =	stileid.u32;
	s2 =	rddreg [dreg:$0x0]  }
0x3: {  	s10 =	rddreg [dreg:$0x1];
	s8 =	simm.s32 $0x1;
	s9 =	simm.s32 $0x2  }
0x4: {  	s20 =	simm.s32 $0x0;
	s12 =	simm.s32 $0x80;
	s19 =	simm.s32 $0x0  }
0x5: {  	s18 =	simm.s32 $0x0;
	s21 =	simm.s32 $0x0;
	s1 =	sshll.u32 s1, $0x4  }
0x6: {  	s13 =	simm.s32 $0x0;
	s15 =	simm.s32 $0x0;
	s1 =	sor.u32 s0, s1  }
0x7: {  	s17 =	simm.s32 $0x0;
	s5 =	sand.u32 $0x3, s0;
	s3 =	sand.u32 $0x1C, s1  }
0x8: {  	s4 =	sadd.s32 $0x1000, s10;
	s16 =	smov.u32 s5;
	s7 =	ssub.s32 $0x200, s3  }
0x9: {  	s1 =	rddreg [dreg:$0x2];
	_ =	strace $0x80000047;
	s6 =	sand.u32 $0x1C, s7  }
.Ltmp0:
0xa: {  	s14 =	smov.u32 s3;
	p0 =	sne.s32 s6, $0x0;
	(pc) =	sbr.rel .LBB1_1-.Ltmp0, $4  }
0xb: {  	s7 =	sshrl.u32 s7, $0x5;
	s6 =	simm.s32 $0x1;
	s8 =	simm.s32 @!p0 $0x0  }
0xc: {  	[sflag:s6] =	ssyncpa.u1 $0x0;
	p0 =	por $0x0, $0x0;
	s7 =	sadd.s32 s8, s7  }
0xd: {  	[sflag:s9] =	ssyncpa.u1 $0x0;
	s8 =	sadd.s32 $0x3000, s10;
	s7 =	sshll.u32 s7, $0x2  }
0xe: {  	s9 =	sadd.s32 $0x5000, s10;
	s10 =	sadd.s32 $0x7000, s10;
	s11 =	sor.u32 $0x1, s7  }
.LBB1_7:
0xf: {  	s22 =	sadd.s32 $0x80, s13  }
0x10: {  	s18 =	sadd.s32 $0x20, s14;
	s23 =	smov.u32 s14;
	p2 =	sgt.s32 s22, $0x1FF  }
0x11: {  	s23 =	smov.u32 @p2 s18  }
0x12: {  	s24 =	smov.u32 s15;
	s18 =	sadd.s32 $0x20, s15;
	p3 =	sgt.s32 s23, $0x1FF  }
0x13: {  	s24 =	smov.u32 @p3 s18  }
0x14: {  	s25 =	smov.u32 s16;
	s18 =	sadd.s32 $0x4, s16;
	p4 =	sgt.s32 s24, $0x1F  }
0x15: {  	p1 =	slt.u32 s17, $0x2;
	s25 =	smov.u32 @p4 s18  }
0x16: {  	s20 =	smov.u32 s13;
	s22 =	simm.s32 @p2 $0x0;
	p2 =	sgt.s32 s25, $0x3  }
0x17: {  	s26 =	simm.s32 @!p1 $0x2;
	s25 =	smov.u32 @p2 s5;
	p2 =	sne.s32 s17, s11  }
.Ltmp1:
0x18: {  	s19 =	smov.u32 s14;
	_ =	swait.ge @!p1 [sflag:s26], $0x4000;
	(pc) =	sbr.rel @!p2 .LBB1_8-.Ltmp1, $4  }
0x19: {  	s21 =	smov.u32 s16;
	p0 =	por !p0, !p0;
	[sflag:s26] =	ssyncset.done @!p1 $0x0  }
0x1a: {  	s13 =	smov.u32 s22;
	s23 =	smov.u32 @p3 s3;
	[sflag:s26] =	ssyncadd.s32 @!p1 $0xFFFFC000  }
0x1b: {  	s14 =	smov.u32 s23;
	s24 =	simm.s32 @p4 $0x0;
	s18 =	smov.u32 s15  }
0x1c: {  	s15 =	smov.u32 s24;
	s17 =	sadd.s32 $0x1, s17;
	s16 =	smov.u32 s25  }
.LBB1_1:
0x1d: {  	p1 =	sge.u32 s17, s7;
	s31 =	sadd.s32 $0xFFFFFFFF, s17  }
0x1e: {  	s22 =	sxor.u32 @!p1 $0xFFFFFFFF, s17;
	s23 =	sand.u32 @!p1 $0x78, s13;
	s24 =	sshll.u32 @!p1 s14, $0x9  }
0x1f: {  	s25 =	sshll.u32 @!p1 s13, $0x3;
	s26 =	sshll.u32 @!p1 s14, $0x7;
	s22 =	sshll.u32 @!p1 s22, $0xE  }
0x20: {  	s24 =	sand.u32 @!p1 $0x3F000, s24;
	s25 =	sand.u32 @!p1 $0x3FC00, s25;
	s22 =	sand.u32 @!p1 $0x4000, s22  }
0x21: {  	s24 =	sadd.s32 @!p1 s24, s25;
	s25 =	sand.u32 @!p1 $0x200, s26;
	s26 =	sand.u32 @!p1 $0x180, s26  }
0x22: {  	s24 =	sor.u32 @!p1 s25, s24;
	s23 =	sor.u32 @!p1 s23, s26;
	s25 =	sshll.u32 @!p1 s16, $0x14  }
0x23: {  	s26 =	sshll.u32 @!p1 s15, $0xF;
	s24 =	sshrl.u32 @!p1 s24, $0x3;
	s25 =	sadd.s32 @!p1 s2, s25  }
0x24: {  	s23 =	sshrl.u32 @!p1 s23, $0x3;
	s25 =	sadd.s32 @!p1 s26, s25;
	s26 =	sand.u32 @!p1 $0x7, s13  }
0x25: {  	s24 =	sand.u32 @!p1 $0x7FC0, s24;
	s23 =	sadd.s32 @!p1 s23, s25;
	s25 =	sshll.u32 @!p1 s26, $0x12  }
0x26: {  	s23 =	sadd.s32 @!p1 s24, s23;
	s24 =	sor.u32 @!p1 $0x200, s25;
	s25 =	simm.s32 @!p1 $0x40000  }
0x27: {  	[tilespmem:s22], [sflag:$0x1] =	stream.strided.gather @!p1 [hbm4b:s23+s24], $0x4000, s25, s24, $0x38;
	[tilespmem:$0x10400] =	vst v63  }
0x28: {  	p1 =	sge.u32 s31, s7  }
.Ltmp2:
0x29: {  	_ = 	snop;
	(pc) =	sbr.rel @p1 .LBB1_7-.Ltmp2, $1  }
0x2a: {  	_ =	sdelay $0x3  }
0x2b: {  	s22 =	simm.s32 $0x1;
	s24 =	sand.u32 $0x1, s17  }
0x2c: {  	_ =	swait.ge [sflag:s6], $0x4000;
	s22 =	simm.s32 @!p0 $0x0;
	s26 =	smul.u32 $0x10800, s24  }
0x2d: {  	[sflag:s6] =	ssyncset.done $0x0;
	s23 =	smul.u32 $0x10800, s22  }
0x2e: {  	s22 =	sshll.u32 s22, $0xE;
	[sflag:s6] =	ssyncadd.s32 $0xFFFFC000  }
0x2f: {  	s25 =	sor.u32 $0x40, s22;
	s22 =	sshrl.u32 s26, $0x2;
	s23 =	sshrl.u32 s23, $0x2  }
0x30: {  	s26 =	simm.s32 $0x0;
	s24 =	sor.u32 $0x8000, s23;
	s23 =	sor.u32 $0x8000, s22  }
.LBB1_3:
0x31: {  	v0 =	vld [tilespmem:s25+$0x30]  }
0x32: {  	v1 =	vld [tilespmem:s25+$0xFFFFFFD0]  }
0x33: {  	v5 =	vld [tilespmem:s25+$0xFFFFFFE0]  }
0x34: {  	v6 =	vld [tilespmem:s25+$0xFFFFFFF0]  }
0x35: {  	s27 =	sadd.s32 $0x0, s24;
	v2 =	vld [tilespmem:s25+$0x0]  }
0x36: {  	v3 =	vld [tilespmem:s25+$0x10];
	[tilespmem:s27+$0xE70 ss:$0x21] =	vst.msk $0xffff, v0  }
0x37: {  	v4 =	vld [tilespmem:s25+$0x20];
	[tilespmem:s27+$0x210 ss:$0x21] =	vst.msk $0xffff, v1  }
0x38: {  	s28 =	sadd.s32 $0x80, s25;
	v0 =	vld [tilespmem:s25+$0xFFFFFFC0];
	[tilespmem:s27+$0x420 ss:$0x21] =	vst.msk $0xffff, v5  }
0x39: {  	s29 =	simm.s32 $0x4200;
	s30 =	simm.s32 $0x8400;
	v1 =	vld [tilespmem:s28+$0x30];
	[tilespmem:s27+$0x630 ss:$0x21] =	vst.msk $0xffff, v6  }
.LBB1_4:
0x3a: {  	p1 =	sne.s32 s30, $0xC600;
	v5 =	vld [tilespmem:s28+$0xFFFFFFD0];
	[tilespmem:s27+$0x840 ss:$0x21] =	vst.msk $0xffff, v2  }
0x3b: {  	v6 =	vld [tilespmem:s28+$0xFFFFFFE0];
	[tilespmem:s27+$0xA50 ss:$0x21] =	vst.msk $0xffff, v3  }
0x3c: {  	s31 =	sshra.s32 s29, $0x2;
	s29 =	smov.u32 s30;
	v7 =	vld [tilespmem:s28+$0xFFFFFFF0];
	[tilespmem:s27+$0xC60 ss:$0x21] =	vst.msk $0xffff, v4  }
.Ltmp3:
0x3d: {  	v2 =	vld [tilespmem:s28+$0x0];
	[tilespmem:s27+$0x0 ss:$0x21] =	vst.msk $0xffff, v0;
	s27 =	sadd.s32 s31, s24;
	(pc) =	sbr.rel @p1 .LBB1_4-.Ltmp3, $4  }
0x3e: {  	v3 =	vld [tilespmem:s28+$0x10];
	[tilespmem:s27+$0xE70 ss:$0x21] =	vst.msk $0xffff, v1  }
0x3f: {  	[tilespmem:s27+$0x210 ss:$0x21] =	vst.msk $0xffff, v5;
	v4 =	vld [tilespmem:s28+$0x20]  }
0x40: {  	v0 =	vld [tilespmem:s28+$0xFFFFFFC0];
	[tilespmem:s27+$0x420 ss:$0x21] =	vst.msk $0xffff, v6;
	s28 =	sadd.s32 $0x80, s28  }
0x41: {  	s30 =	sadd.s32 $0x4200, s30;
	v1 =	vld [tilespmem:s28+$0x30];
	[tilespmem:s27+$0x630 ss:$0x21] =	vst.msk $0xffff, v7  }
0x42: {  	v5 =	vld [tilespmem:s28+$0xFFFFFFD0];
	[tilespmem:s27+$0x840 ss:$0x21] =	vst.msk $0xffff, v2  }
0x43: {  	v58 =	vld [tilespmem:s28+$0xFFFFFFE0];
	[tilespmem:s27+$0xA50 ss:$0x21] =	vst.msk $0xffff, v3  }
0x44: {  	s29 =	sshra.s32 s29, $0x2;
	v59 =	vld [tilespmem:s28+$0xFFFFFFF0];
	[tilespmem:s27+$0xC60 ss:$0x21] =	vst.msk $0xffff, v4  }
0x45: {  	v60 =	vld [tilespmem:s28+$0x0];
	s29 =	sadd.s32 s29, s24;
	[tilespmem:s27+$0x0 ss:$0x21] =	vst.msk $0xffff, v0  }
0x46: {  	v61 =	vld [tilespmem:s28+$0x10];
	[tilespmem:s29+$0xE70 ss:$0x21] =	vst.msk $0xffff, v1  }
0x47: {  	v62 =	vld [tilespmem:s28+$0x20];
	s26 =	sadd.s32 $0x1, s26;
	[tilespmem:s29+$0x210 ss:$0x21] =	vst.msk $0xffff, v5  }
0x48: {  	v63 =	vld [tilespmem:s28+$0xFFFFFFC0];
	p1 =	sne.s32 s26, $0x20;
	[tilespmem:s29+$0x420 ss:$0x21] =	vst.msk $0xffff, v58  }
.Ltmp4:
0x49: {  	[tilespmem:s29+$0x630 ss:$0x21] =	vst.msk $0xffff, v59;
	(pc) =	sbr.rel @p1 .LBB1_3-.Ltmp4, $4  }
0x4a: {  	[tilespmem:s29+$0x840 ss:$0x21] =	vst.msk $0xffff, v60  }
0x4b: {  	[tilespmem:s29+$0xA50 ss:$0x21] =	vst.msk $0xffff, v61  }
0x4c: {  	[tilespmem:s29+$0xC60 ss:$0x21] =	vst.msk $0xffff, v62  }
0x4d: {  	s25 =	sadd.s32 $0x200, s25;
	s24 =	sadd.s32 $0x1, s24;
	[tilespmem:s29+$0x0 ss:$0x21] =	vst.msk $0xffff, v63  }
0x4e: {  	s20 =	sshll.u32 s20, $0x7;
	s24 =	sshll.u32 s18, $0x3;
	s21 =	sshll.u32 s21, $0x16  }
0x4f: {  	s19 =	sshll.u32 s19, $0xD;
	s25 =	sand.u32 $0xFC00, s20;
	s24 =	sand.u32 $0xFC00, s24  }
0x50: {  	s30 =	sshrl.u32 s18, $0x3;
	s20 =	sand.u32 $0x380, s20;
	s24 =	sadd.s32 s24, s25  }
0x51: {  	s26 =	sand.u32 $0x7, s18;
	s31 =	sadd.s32 s21, s19;
	s20 =	sor.u32 s20, s24  }
0x52: {  	s25 =	sadd.s32 s4, s31;
	s24 =	sand.u32 $0xF, s30;
	s20 =	sshrl.u32 s20, $0x3  }
0x53: {  	s18 =	sshll.u32 s26, $0x12;
	s25 =	sadd.s32 s24, s25;
	s20 =	sand.u32 $0x1FF0, s20  }
0x54: {  	s27 =	sadd.s32 s21, s8;
	s18 =	sor.u32 $0x20, s18;
	s25 =	sadd.s32 s20, s25  }
0x55: {  	[hbm4b:s25+s18] =	stream.strided.scatter [tilespmem:s23], [sflag:$0x2], $0x1000, s12, s18, $0x10;
	[tilespmem:$0x10400] =	vst v63  }
0x56: {  	s23 =	sadd.s32 s19, s27  }
0x57: {  	s23 =	sadd.s32 s24, s23  }
0x58: {  	s28 =	sadd.s32 $0x9080, s22;
	s29 =	sadd.s32 s21, s9;
	s23 =	sadd.s32 s20, s23  }
0x59: {  	[hbm4b:s23+s18] =	stream.strided.scatter [tilespmem:s28], [sflag:$0x2], $0x1000, s12, s18, $0x10;
	[tilespmem:$0x10400] =	vst v63  }
0x5a: {  	s21 =	sadd.s32 s21, s10;
	s23 =	sadd.s32 s19, s29  }
.Ltmp5:
0x5b: {  	s19 =	sadd.s32 s19, s21;
	s23 =	sadd.s32 s24, s23;
	(pc) =	sbr.rel .LBB1_7-.Ltmp5, $4  }
0x5c: {  	s30 =	sadd.s32 $0xA100, s22;
	s19 =	sadd.s32 s24, s19;
	s23 =	sadd.s32 s20, s23  }
0x5d: {  	[hbm4b:s23+s18] =	stream.strided.scatter [tilespmem:s30], [sflag:$0x2], $0x1000, s12, s18, $0x10;
	[tilespmem:$0x10400] =	vst v63  }
0x5e: {  	s31 =	sadd.s32 $0xB180, s22;
	s19 =	sadd.s32 s20, s19  }
0x5f: {  	[hbm4b:s19+s18] =	stream.strided.scatter [tilespmem:s31], [sflag:$0x2], $0x1000, s12, s18, $0x10;
	[tilespmem:$0x10400] =	vst v63  }
.LBB1_8:
0x60: {  	_ =	sfence.sel $0x180000  }
0x61: {  	s2 =	simm.s32 $0x1;
	[bflag:$0x0] =	sbarrier.arrive $0xFFFF  }
0x62: {  	s31 =	simm.s32 $0x2;
	[sflag:s2] =	ssyncpa.u1 $0x1  }
0x63: {  	[sflag:s31] =	ssyncpa.u1 $0x1  }
0x64: {  	p0 =	sne.s32 s0, $0x0;
	_ =	strace $0x90000047  }
0x65: {  	s0 =	sadd.s32 @!p0 $0x100000, s1;
	[bflag:$0x2] =	sbarrier.arrive $0xFFFF  }
0x66: {  	[sflag:s0] =	ssyncadd.tile.s32 @!p0 $0x1;
	_ =	shalt  }
.Lfunc_end1:
_tile_overlayer_lowered:
.L_overlay_start_2:
0x67: {  	(tag) =	ssettag $0x2  }
0x68: {  	s0 =	rddreg [dreg:$0x0];
	s2 =	stileid.u32  }
0x69: {  	s1 =	rddreg [dreg:$0x1];
	p0 =	sne.s32 s2, $0x0  }
0x6a: {  	s3 =	rddreg [dreg:$0x2];
	[bflag:$0x3] =	sbarrier.arrive $0xFFFF;
	s2 =	simm.s32 @!p0 $0x1C01  }
0x6b: {  	[timem:s3], [sflag:s2] =	dma.local @!p0 [hbm:s0], s1  }
0x6c: {  	s0 =	simm.s32 @!p0 $0x1  }
0x6d: {  	_ =	swait.ge @!p0 [sflag:s0], s1  }
0x6e: {  	s1 =	ssub.s32 @!p0 $0x0, s1;
	[sflag:s0] =	ssyncset.done @!p0 $0x0  }
0x6f: {  	[sflag:s0] =	ssyncadd.s32 @!p0 s1  }
0x70: {  	[bflag:$0x3] =	sbarrier.arrive $0xFFFF  }
0x71: {  	_ =	shalt  }

</sc_bundles>
